<compile_context>
chip_gen: v7x
topology: tpu7x:2x2x1
jax: 0.10.2.dev20260603
libtpu: 0.0.44.dev20260713+nightly
codegen_flags: <defaults>
</compile_context>

<pallas_src>
import dataclasses
import functools

import jax
import jax.numpy as jnp
from jax import lax
from jax.experimental import pallas as pl
from jax.experimental.pallas import tpu as pltpu
from jax.experimental.pallas import tpu_sc as plsc

NC = 2
NS = 16
NW = NC * NS
CH = 80
NP = 10240
_BN = 1280


def _sc_mesh():
    return plsc.VectorSubcoreMesh(core_axis_name="c", subcore_axis_name="s")


def _sc_compiler_params():
    cp = pltpu.CompilerParams()
    if "needs_layout_passes" in pltpu.CompilerParams.__dataclass_fields__:
        cp = dataclasses.replace(cp, needs_layout_passes=False)
    return cp


def _degrees_sc(src, dst, zeros1d, epw):

    @functools.partial(
        pl.kernel,
        out_type=[
            jax.ShapeDtypeStruct((NW, NP), jnp.float32),
            jax.ShapeDtypeStruct((NW, NP), jnp.float32),
        ],
        mesh=_sc_mesh(),
        compiler_params=_sc_compiler_params(),
        scratch_types=[
            pltpu.VMEM((epw,), jnp.int32),
            pltpu.VMEM((epw,), jnp.int32),
            pltpu.VMEM((NP,), jnp.float32),
            pltpu.VMEM((NP,), jnp.float32),
        ],
    )
    def deg_kernel(src_hbm, dst_hbm, z_hbm, out_s_hbm, out_d_hbm,
                   idx_s, idx_d, tab_s, tab_d):
        cid = lax.axis_index("c")
        sid = lax.axis_index("s")
        pltpu.sync_copy(z_hbm, tab_s)
        pltpu.sync_copy(z_hbm, tab_d)
        wid = cid * NS + sid
        pltpu.sync_copy(src_hbm.at[pl.ds(wid * epw, epw)], idx_s)
        pltpu.sync_copy(dst_hbm.at[pl.ds(wid * epw, epw)], idx_d)
        ones_vec = jnp.full((16,), 1.0, jnp.float32)

        @pl.loop(0, epw // 16)
        def _(j):
            iv_s = idx_s[pl.ds(j * 16, 16)]
            iv_d = idx_d[pl.ds(j * 16, 16)]
            plsc.addupdate_scatter(tab_s, [iv_s], ones_vec)
            plsc.addupdate_scatter(tab_d, [iv_d], ones_vec)

        pltpu.sync_copy(tab_s, out_s_hbm.at[wid])
        pltpu.sync_copy(tab_d, out_d_hbm.at[wid])

    return deg_kernel(src, dst, zeros1d)


def _agg_sc(v, src, dst, zeros, epw):
    d = v.shape[1]
    cpw = epw // CH
    rps = NP // NS
    npairs = (cpw - 1) // 2

    @functools.partial(
        pl.kernel,
        out_type=jax.ShapeDtypeStruct((NC, NP, d), jnp.float32),
        mesh=_sc_mesh(),
        scratch_types=[
            pltpu.VMEM((CH,), jnp.int32),
            pltpu.VMEM((CH,), jnp.int32),
            pltpu.VMEM((CH,), jnp.int32),
            pltpu.VMEM((CH,), jnp.int32),
            pltpu.VMEM((CH, d), jnp.float32),
            pltpu.VMEM((CH, d), jnp.float32),
            pltpu.VMEM_SHARED((NP, d), jnp.float32),
            pltpu.SemaphoreType.DMA,
            pltpu.SemaphoreType.DMA,
            pltpu.SemaphoreType.DMA,
            pltpu.SemaphoreType.DMA,
        ],
    )
    def agg_kernel(v_hbm, src_hbm, dst_hbm, z_hbm, out_hbm,
                   idx_s0, idx_d0, idx_s1, idx_d1, rows0, rows1, tab,
                   semg0, semg1, semi0, semi1):
        cid = lax.axis_index("c")
        sid = lax.axis_index("s")
        pltpu.sync_copy(z_hbm.at[pl.ds(sid * rps, rps)],
                        tab.at[pl.ds(sid * rps, rps)])
        wid = cid * NS + sid
        base = wid * epw
        plsc.subcore_barrier()

        def idx_load(c, idx_s, idx_d, sem):
            pltpu.async_copy(src_hbm.at[pl.ds(base + c * CH, CH)], idx_s, sem)
            pltpu.async_copy(dst_hbm.at[pl.ds(base + c * CH, CH)], idx_d, sem)

        def idx_wait(idx_s, idx_d, sem):
            pltpu.make_async_copy(src_hbm.at[pl.ds(base, CH)], idx_s,
                                  sem).wait()
            pltpu.make_async_copy(dst_hbm.at[pl.ds(base, CH)], idx_d,
                                  sem).wait()

        idx_load(0, idx_s0, idx_d0, semi0)
        idx_wait(idx_s0, idx_d0, semi0)
        pltpu.async_copy(v_hbm.at[idx_s0], rows0, semg0)
        idx_load(1, idx_s1, idx_d1, semi1)

        @pl.loop(0, npairs)
        def _(t):
            c1 = t * 2 + 1
            idx_wait(idx_s1, idx_d1, semi1)
            pltpu.async_copy(v_hbm.at[idx_s1], rows1, semg1)
            pltpu.make_async_copy(v_hbm.at[idx_s0], rows0, semg0).wait()
            pltpu.sync_copy(rows0, tab.at[idx_d0], add=True)
            idx_load(c1 + 1, idx_s0, idx_d0, semi0)
            idx_wait(idx_s0, idx_d0, semi0)
            pltpu.async_copy(v_hbm.at[idx_s0], rows0, semg0)
            pltpu.make_async_copy(v_hbm.at[idx_s1], rows1, semg1).wait()
            pltpu.sync_copy(rows1, tab.at[idx_d1], add=True)
            pltpu.async_copy(src_hbm.at[pl.ds(base + (c1 + 2) * CH, CH)],
                             idx_s1, semi1)
            pltpu.async_copy(dst_hbm.at[pl.ds(base + (c1 + 2) * CH, CH)],
                             idx_d1, semi1)

        pltpu.make_async_copy(v_hbm.at[idx_s0], rows0, semg0).wait()
        pltpu.sync_copy(rows0, tab.at[idx_d0], add=True)
        idx_wait(idx_s1, idx_d1, semi1)

        plsc.subcore_barrier()
        pltpu.sync_copy(tab.at[pl.ds(sid * rps, rps)],
                        out_hbm.at[cid, pl.ds(sid * rps, rps)])

    return agg_kernel(v, src, dst, zeros)


def _prep_tc(od_parts, id_parts, xp):
    d = xp.shape[1]

    def body(od_ref, id_ref, x_ref, ns_ref, nd_ref, v_ref):
        od = jnp.sum(od_ref[...], axis=0)
        idg = jnp.sum(id_ref[...], axis=0)
        ns = lax.rsqrt(jnp.maximum(od, 1.0))
        nd = lax.rsqrt(jnp.maximum(idg, 1.0))
        ns_ref[...] = jnp.broadcast_to(ns[:, None], (_BN, 16))
        nd_ref[...] = jnp.broadcast_to(nd[:, None], (_BN, 16))
        v_ref[...] = x_ref[...] * ns[:, None]

    return pl.pallas_call(
        body,
        grid=(NP // _BN,),
        in_specs=[
            pl.BlockSpec((NW, _BN), lambda i: (0, i)),
            pl.BlockSpec((NW, _BN), lambda i: (0, i)),
            pl.BlockSpec((_BN, d), lambda i: (i, 0)),
        ],
        out_specs=[
            pl.BlockSpec((_BN, 16), lambda i: (i, 0)),
            pl.BlockSpec((_BN, 16), lambda i: (i, 0)),
            pl.BlockSpec((_BN, d), lambda i: (i, 0)),
        ],
        out_shape=[
            jax.ShapeDtypeStruct((NP, 16), jnp.float32),
            jax.ShapeDtypeStruct((NP, 16), jnp.float32),
            jax.ShapeDtypeStruct((NP, d), jnp.float32),
        ],
    )(od_parts, id_parts, xp)


def _layer_tc(t_parts, nd, ns, xp, W, b):
    d = xp.shape[1]

    def body(t_ref, nd_ref, ns_ref, x_ref, w_ref, b_ref, o_ref):
        t = (t_ref[0] + t_ref[1]) * nd_ref[:, :1]
        h = lax.dot_general(t, w_ref[...], (((1,), (0,)), ((), ())),
                            precision=lax.Precision.HIGHEST)
        h = jnp.maximum(h + b_ref[...], 0.0) + x_ref[...]
        o_ref[...] = h * ns_ref[:, :1]

    return pl.pallas_call(
        body,
        grid=(NP // _BN,),
        in_specs=[
            pl.BlockSpec((NC, _BN, d), lambda i: (0, i, 0)),
            pl.BlockSpec((_BN, 16), lambda i: (i, 0)),
            pl.BlockSpec((_BN, 16), lambda i: (i, 0)),
            pl.BlockSpec((_BN, d), lambda i: (i, 0)),
            pl.BlockSpec((d, d), lambda i: (0, 0)),
            pl.BlockSpec((1, d), lambda i: (0, 0)),
        ],
        out_specs=pl.BlockSpec((_BN, d), lambda i: (i, 0)),
        out_shape=jax.ShapeDtypeStruct((NP, d), jnp.float32),
    )(t_parts, nd, ns, xp, W, b)


def _final_tc(t_parts, nd, W4, b4, Wfc, bfc):
    d = W4.shape[0]
    c = Wfc.shape[1]

    def body(t_ref, nd_ref, w4_ref, b4_ref, wfc_ref, bfc_ref, o_ref):
        t = (t_ref[0] + t_ref[1]) * nd_ref[:, :1]
        h = lax.dot_general(t, w4_ref[...], (((1,), (0,)), ((), ())),
                            precision=lax.Precision.HIGHEST)
        h = jnp.maximum(h + b4_ref[...], 0.0)
        o_ref[...] = lax.dot_general(h, wfc_ref[...], (((1,), (0,)), ((), ())),
                                     precision=lax.Precision.HIGHEST) + bfc_ref[...]

    return pl.pallas_call(
        body,
        grid=(NP // _BN,),
        in_specs=[
            pl.BlockSpec((NC, _BN, d), lambda i: (0, i, 0)),
            pl.BlockSpec((_BN, 16), lambda i: (i, 0)),
            pl.BlockSpec((d, d), lambda i: (0, 0)),
            pl.BlockSpec((1, d), lambda i: (0, 0)),
            pl.BlockSpec((d, c), lambda i: (0, 0)),
            pl.BlockSpec((1, c), lambda i: (0, 0)),
        ],
        out_specs=pl.BlockSpec((_BN, c), lambda i: (i, 0)),
        out_shape=jax.ShapeDtypeStruct((NP, c), jnp.float32),
    )(t_parts, nd, W4, b4, Wfc, bfc)


def kernel(x, edge_index, W1, b1, W2, b2, W3, b3, W4, b4, Wfc, bfc):
    n, d = x.shape
    e = edge_index.shape[1]
    c = Wfc.shape[1]
    cpw_pad = -(-e // (NW * CH))
    if cpw_pad % 2 == 0:
        cpw_pad += 1
    ep = cpw_pad * CH * NW
    epw_pad = cpw_pad * CH
    padv = jnp.full((ep - e + CH,), NP - 1, jnp.int32)
    src = jnp.concatenate([edge_index[0], padv])
    dst = jnp.concatenate([edge_index[1], padv])
    zeros = jnp.zeros((NP, d), jnp.float32)
    zeros1d = jnp.zeros((NP,), jnp.float32)
    xp = jnp.pad(x, ((0, NP - n), (0, 0)))

    od_parts, id_parts = _degrees_sc(src, dst, zeros1d, epw_pad)
    ns, nd, v = _prep_tc(od_parts, id_parts, xp)
    for Wk, bk in ((W1, b1), (W2, b2), (W3, b3)):
        t_parts = _agg_sc(v, src, dst, zeros, epw_pad)
        v = _layer_tc(t_parts, nd, ns, xp, Wk, bk.reshape(1, d))
    t_parts = _agg_sc(v, src, dst, zeros, epw_pad)
    y = _final_tc(t_parts, nd, W4, b4.reshape(1, d), Wfc, bfc.reshape(1, c))
    return y[:n]

# --- scband reference (transcript-rebuilt; emitter-appended) ---
"""Pipeline reference for scband-gcn-7911329759616 (READ-ONLY COPY).

The authoritative reference and input builder live on the scoring server;
editing this copy changes nothing except your own understanding.
"""

import jax, jax.numpy as jnp
import numpy as np

N = 10000
E = 320000
D = 128
C = 40


def setup_inputs(seed: int = 0) -> dict:
    key = jax.random.key(seed)
    ks = jax.random.split(key, 16)
    x = jax.random.normal(ks[0], (N, D), dtype=jnp.float32)
    edge_index = jax.random.randint(ks[1], (2, E), 0, N, dtype=jnp.int32)
    s = 1.0 / np.sqrt(D)
    params = {}
    for i in range(4):
        params[f"W{i+1}"] = jax.random.uniform(ks[2 + 2 * i], (D, D), dtype=jnp.float32, minval=-s, maxval=s)
        params[f"b{i+1}"] = jnp.zeros((D,), dtype=jnp.float32)
    params["Wfc"] = jax.random.uniform(ks[10], (D, C), dtype=jnp.float32, minval=-s, maxval=s)
    params["bfc"] = jnp.zeros((C,), dtype=jnp.float32)
    return {"x": x, "edge_index": edge_index, **params}


def _graph_conv(x, edge_index, W, b):
    # DGL GraphConv, norm='both': D^{-1/2} A D^{-1/2} X W + b
    src = edge_index[0]
    dst = edge_index[1]
    ones = jnp.ones((E,), dtype=jnp.float32)
    out_deg = jax.ops.segment_sum(ones, src, num_segments=N)
    in_deg = jax.ops.segment_sum(ones, dst, num_segments=N)
    norm_s = jnp.clip(out_deg, 1.0) ** -0.5
    norm_d = jnp.clip(in_deg, 1.0) ** -0.5
    h = x * norm_s[:, None]
    h = h @ W
    msg = h[src]
    agg = jax.ops.segment_sum(msg, dst, num_segments=N)
    return agg * norm_d[:, None] + b


def reference(x, edge_index, W1, b1, W2, b2, W3, b3, W4, b4, Wfc, bfc):
    # dropout is identity in eval mode
    h = _graph_conv(x, edge_index, W1, b1)
    h = jax.nn.relu(h)
    h = _graph_conv(h + x, edge_index, W2, b2)
    h = jax.nn.relu(h)
    h = _graph_conv(h + x, edge_index, W3, b3)
    h = jax.nn.relu(h)
    h = _graph_conv(h + x, edge_index, W4, b4)
    h = jax.nn.relu(h)
    h = h @ Wfc + bfc
    return jnp.squeeze(h)

if __name__ == "__main__":
    import jax
    _d = setup_inputs()
    print(jax.jit(kernel)(*tuple(_d.values())))

</pallas_src>

<mosaic_0001>
#map = affine_map<(d0, d1) -> (0, 0)>
#map1 = affine_map<(d0, d1) -> (0)>
#map2 = affine_map<(d0, d1) -> (0, 0, 0)>
module attributes {stable_mosaic.version = 14 : i64} {
  func.func @agg_kernel(%arg0: i32, %arg1: i32, %arg2: memref<10240x128xf32, #tpu.memory_space<hbm>>, %arg3: memref<320080xi32, #tpu.memory_space<hbm>>, %arg4: memref<320080xi32, #tpu.memory_space<hbm>>, %arg5: memref<10240x128xf32, #tpu.memory_space<hbm>>, %arg6: memref<2x10240x128xf32, #tpu.memory_space<hbm>>, %arg7: memref<80xi32, #tpu.memory_space<vmem>>, %arg8: memref<80xi32, #tpu.memory_space<vmem>>, %arg9: memref<80xi32, #tpu.memory_space<vmem>>, %arg10: memref<80xi32, #tpu.memory_space<vmem>>, %arg11: memref<80x128xf32, #tpu.memory_space<vmem>>, %arg12: memref<80x128xf32, #tpu.memory_space<vmem>>, %arg13: memref<10240x128xf32, #tpu.memory_space<vmem_shared>>, %arg14: memref<!tpu.dma_semaphore, #tpu.memory_space<semaphore_mem>>, %arg15: memref<!tpu.dma_semaphore, #tpu.memory_space<semaphore_mem>>, %arg16: memref<!tpu.dma_semaphore, #tpu.memory_space<semaphore_mem>>, %arg17: memref<!tpu.dma_semaphore, #tpu.memory_space<semaphore_mem>>) attributes {dimension_semantics = [#tpu.dimension_semantics<core_parallel>, #tpu.dimension_semantics<subcore_parallel>], iteration_bounds = array<i64: 2, 16>, scalar_prefetch = 0 : i64, scratch_operands = 11 : i64, tpu.core_type = #tpu.core_type<sc_vector_subcore>, window_params = [{transform_indices = #map}, {transform_indices = #map1}, {transform_indices = #map1}, {transform_indices = #map}, {transform_indices = #map2}]} {
    %mul3A = arith.constant 640 : i32
    %mul3A_0 = arith.muli %arg1, %mul3A : i32
    %mul3A_1 = arith.constant 640 : i32
    %mul3A_2 = arith.muli %arg1, %mul3A_1 : i32
    "tpu.region"() ({
      %run_scoped3A = tpu.sem_alloc : memref<!tpu.dma_semaphore, #tpu.memory_space<semaphore_mem>>
      %dma_start3A_44 = arith.constant 0 : i32
      %dma_start3A_45 = tpu.memref_slice %arg13[%mul3A_2, %dma_start3A_44] : memref<10240x128xf32, #tpu.memory_space<vmem_shared>> -> memref<640x128xf32, #tpu.memory_space<vmem_shared>>
      %dma_start3A_46 = arith.constant 0 : i32
      %dma_start3A_47 = tpu.memref_slice %arg5[%mul3A_0, %dma_start3A_46] : memref<10240x128xf32, #tpu.memory_space<hbm>> -> memref<640x128xf32, #tpu.memory_space<hbm>>
      tpu.enqueue_dma source(%dma_start3A_47 : memref<640x128xf32, #tpu.memory_space<hbm>>) target(%dma_start3A_45 : memref<640x128xf32, #tpu.memory_space<vmem_shared>>) target_semaphore(%run_scoped3A : memref<!tpu.dma_semaphore, #tpu.memory_space<semaphore_mem>>)
      %dma_wait3A_48 = arith.constant 0 : i32
      %dma_wait3A_49 = tpu.memref_slice %arg13[%mul3A_2, %dma_wait3A_48] : memref<10240x128xf32, #tpu.memory_space<vmem_shared>> -> memref<640x128xf32, #tpu.memory_space<vmem_shared>>
      %dma_wait3A_50 = arith.constant 0 : i32
      %dma_wait3A_51 = tpu.memref_slice %arg5[%mul3A_0, %dma_wait3A_50] : memref<10240x128xf32, #tpu.memory_space<hbm>> -> memref<640x128xf32, #tpu.memory_space<hbm>>
      tpu.wait_dma2 semaphore(%run_scoped3A : memref<!tpu.dma_semaphore, #tpu.memory_space<semaphore_mem>>) src(%dma_wait3A_51 : memref<640x128xf32, #tpu.memory_space<hbm>>) dst(%dma_wait3A_49 : memref<640x128xf32, #tpu.memory_space<vmem_shared>>)
      tpu.yield
    }) : () -> ()
    %mul3A_3 = arith.constant 16 : i32
    %mul3A_4 = arith.muli %arg0, %mul3A_3 : i32
    %add3A = arith.addi %mul3A_4, %arg1 : i32
    %mul3A_5 = arith.constant 10000 : i32
    %mul3A_6 = arith.muli %add3A, %mul3A_5 : i32
    %barrier3A = arith.constant 0 : index
    tpu.barrier barrier_id(%barrier3A)
    %add3A_7 = arith.constant 0 : i32
    %add3A_8 = arith.addi %mul3A_6, %add3A_7 : i32
    %dma_start3A = tpu.memref_slice %arg3[%add3A_8] : memref<320080xi32, #tpu.memory_space<hbm>> -> memref<80xi32, #tpu.memory_space<hbm>>
    %dma_start3A_9 = tpu.memref_slice %arg3[%add3A_8] : memref<320080xi32, #tpu.memory_space<hbm>> -> memref<80xi32, #tpu.memory_space<hbm>>
    tpu.enqueue_dma source(%dma_start3A_9 : memref<80xi32, #tpu.memory_space<hbm>>) target(%arg7 : memref<80xi32, #tpu.memory_space<vmem>>) target_semaphore(%arg16 : memref<!tpu.dma_semaphore, #tpu.memory_space<semaphore_mem>>)
    %add3A_10 = arith.constant 0 : i32
    %add3A_11 = arith.addi %mul3A_6, %add3A_10 : i32
    %dma_start3A_12 = tpu.memref_slice %arg4[%add3A_11] : memref<320080xi32, #tpu.memory_space<hbm>> -> memref<80xi32, #tpu.memory_space<hbm>>
    %dma_start3A_13 = tpu.memref_slice %arg4[%add3A_11] : memref<320080xi32, #tpu.memory_space<hbm>> -> memref<80xi32, #tpu.memory_space<hbm>>
    tpu.enqueue_dma source(%dma_start3A_13 : memref<80xi32, #tpu.memory_space<hbm>>) target(%arg8 : memref<80xi32, #tpu.memory_space<vmem>>) target_semaphore(%arg16 : memref<!tpu.dma_semaphore, #tpu.memory_space<semaphore_mem>>)
    %dma_wait3A = tpu.memref_slice %arg3[%mul3A_6] : memref<320080xi32, #tpu.memory_space<hbm>> -> memref<80xi32, #tpu.memory_space<hbm>>
    %dma_wait3A_14 = tpu.memref_slice %arg3[%mul3A_6] : memref<320080xi32, #tpu.memory_space<hbm>> -> memref<80xi32, #tpu.memory_space<hbm>>
    tpu.wait_dma2 semaphore(%arg16 : memref<!tpu.dma_semaphore, #tpu.memory_space<semaphore_mem>>) src(%dma_wait3A_14 : memref<80xi32, #tpu.memory_space<hbm>>) dst(%arg7 : memref<80xi32, #tpu.memory_space<vmem>>)
    %dma_wait3A_15 = tpu.memref_slice %arg4[%mul3A_6] : memref<320080xi32, #tpu.memory_space<hbm>> -> memref<80xi32, #tpu.memory_space<hbm>>
    %dma_wait3A_16 = tpu.memref_slice %arg4[%mul3A_6] : memref<320080xi32, #tpu.memory_space<hbm>> -> memref<80xi32, #tpu.memory_space<hbm>>
    tpu.wait_dma2 semaphore(%arg16 : memref<!tpu.dma_semaphore, #tpu.memory_space<semaphore_mem>>) src(%dma_wait3A_16 : memref<80xi32, #tpu.memory_space<hbm>>) dst(%arg8 : memref<80xi32, #tpu.memory_space<vmem>>)
    %dma_start3A_17 = arith.constant 0 : i32
    %dma_start3A_18 = arith.constant 0 : i32
    %dma_start3A_19 = tpu.memref_slice %arg2[%dma_start3A_17, %dma_start3A_18] : memref<10240x128xf32, #tpu.memory_space<hbm>> -> memref<10240x128xf32, #tpu.memory_space<hbm>>
    tpu.enqueue_indirect_dma source(%dma_start3A_19 : memref<10240x128xf32, #tpu.memory_space<hbm>>) target(%arg11 : memref<80x128xf32, #tpu.memory_space<vmem>>) offsets(%arg7 : memref<80xi32, #tpu.memory_space<vmem>>) semaphore(%arg14 : memref<!tpu.dma_semaphore, #tpu.memory_space<semaphore_mem>>)
    %add3A_20 = arith.constant 80 : i32
    %add3A_21 = arith.addi %mul3A_6, %add3A_20 : i32
    %dma_start3A_22 = tpu.memref_slice %arg3[%add3A_21] : memref<320080xi32, #tpu.memory_space<hbm>> -> memref<80xi32, #tpu.memory_space<hbm>>
    %dma_start3A_23 = tpu.memref_slice %arg3[%add3A_21] : memref<320080xi32, #tpu.memory_space<hbm>> -> memref<80xi32, #tpu.memory_space<hbm>>
    tpu.enqueue_dma source(%dma_start3A_23 : memref<80xi32, #tpu.memory_space<hbm>>) target(%arg9 : memref<80xi32, #tpu.memory_space<vmem>>) target_semaphore(%arg17 : memref<!tpu.dma_semaphore, #tpu.memory_space<semaphore_mem>>)
    %add3A_24 = arith.constant 80 : i32
    %add3A_25 = arith.addi %mul3A_6, %add3A_24 : i32
    %dma_start3A_26 = tpu.memref_slice %arg4[%add3A_25] : memref<320080xi32, #tpu.memory_space<hbm>> -> memref<80xi32, #tpu.memory_space<hbm>>
    %dma_start3A_27 = tpu.memref_slice %arg4[%add3A_25] : memref<320080xi32, #tpu.memory_space<hbm>> -> memref<80xi32, #tpu.memory_space<hbm>>
    tpu.enqueue_dma source(%dma_start3A_27 : memref<80xi32, #tpu.memory_space<hbm>>) target(%arg10 : memref<80xi32, #tpu.memory_space<vmem>>) target_semaphore(%arg17 : memref<!tpu.dma_semaphore, #tpu.memory_space<semaphore_mem>>)
    %scan3A = arith.constant 0 : i32
    %scan3A_28 = arith.constant 62 : i32
    %scan3A_29 = arith.addi %scan3A, %scan3A_28 : i32
    %scan3A_30 = arith.constant 1 : i32
    scf.for %scan3A_44 = %scan3A to %scan3A_29 step %scan3A_30  : i32 {
      %mul3A_45 = arith.constant 1 : i32
      %mul3A_46 = arith.muli %scan3A_44, %mul3A_45 : i32
      %add3A_47 = arith.constant 0 : i32
      %add3A_48 = arith.addi %add3A_47, %mul3A_46 : i32
      %mul3A_49 = arith.constant 2 : i32
      %mul3A_50 = arith.muli %add3A_48, %mul3A_49 : i32
      %add3A_51 = arith.constant 1 : i32
      %add3A_52 = arith.addi %mul3A_50, %add3A_51 : i32
      %dma_wait3A_53 = tpu.memref_slice %arg3[%mul3A_6] : memref<320080xi32, #tpu.memory_space<hbm>> -> memref<80xi32, #tpu.memory_space<hbm>>
      %dma_wait3A_54 = tpu.memref_slice %arg3[%mul3A_6] : memref<320080xi32, #tpu.memory_space<hbm>> -> memref<80xi32, #tpu.memory_space<hbm>>
      tpu.wait_dma2 semaphore(%arg17 : memref<!tpu.dma_semaphore, #tpu.memory_space<semaphore_mem>>) src(%dma_wait3A_54 : memref<80xi32, #tpu.memory_space<hbm>>) dst(%arg9 : memref<80xi32, #tpu.memory_space<vmem>>)
      %dma_wait3A_55 = tpu.memref_slice %arg4[%mul3A_6] : memref<320080xi32, #tpu.memory_space<hbm>> -> memref<80xi32, #tpu.memory_space<hbm>>
      %dma_wait3A_56 = tpu.memref_slice %arg4[%mul3A_6] : memref<320080xi32, #tpu.memory_space<hbm>> -> memref<80xi32, #tpu.memory_space<hbm>>
      tpu.wait_dma2 semaphore(%arg17 : memref<!tpu.dma_semaphore, #tpu.memory_space<semaphore_mem>>) src(%dma_wait3A_56 : memref<80xi32, #tpu.memory_space<hbm>>) dst(%arg10 : memref<80xi32, #tpu.memory_space<vmem>>)
      %dma_start3A_57 = arith.constant 0 : i32
      %dma_start3A_58 = arith.constant 0 : i32
      %dma_start3A_59 = tpu.memref_slice %arg2[%dma_start3A_57, %dma_start3A_58] : memref<10240x128xf32, #tpu.memory_space<hbm>> -> memref<10240x128xf32, #tpu.memory_space<hbm>>
      tpu.enqueue_indirect_dma source(%dma_start3A_59 : memref<10240x128xf32, #tpu.memory_space<hbm>>) target(%arg12 : memref<80x128xf32, #tpu.memory_space<vmem>>) offsets(%arg9 : memref<80xi32, #tpu.memory_space<vmem>>) semaphore(%arg15 : memref<!tpu.dma_semaphore, #tpu.memory_space<semaphore_mem>>)
      %dma_wait3A_60 = arith.constant 0 : i32
      %dma_wait3A_61 = arith.constant 0 : i32
      %dma_wait3A_62 = tpu.memref_slice %arg2[%dma_wait3A_60, %dma_wait3A_61] : memref<10240x128xf32, #tpu.memory_space<hbm>> -> memref<10240x128xf32, #tpu.memory_space<hbm>>
      tpu.wait_indirect_dma semaphore(%arg14 : memref<!tpu.dma_semaphore, #tpu.memory_space<semaphore_mem>>) src(%dma_wait3A_62 : memref<10240x128xf32, #tpu.memory_space<hbm>>) dst(%arg11 : memref<80x128xf32, #tpu.memory_space<vmem>>)
      "tpu.region"() ({
        %run_scoped3A = tpu.sem_alloc : memref<!tpu.dma_semaphore, #tpu.memory_space<semaphore_mem>>
        %dma_start3A_99 = arith.constant 0 : i32
        %dma_start3A_100 = arith.constant 0 : i32
        %dma_start3A_101 = tpu.memref_slice %arg13[%dma_start3A_99, %dma_start3A_100] : memref<10240x128xf32, #tpu.memory_space<vmem_shared>> -> memref<10240x128xf32, #tpu.memory_space<vmem_shared>>
        tpu.enqueue_indirect_dma source(%arg11 : memref<80x128xf32, #tpu.memory_space<vmem>>) target(%dma_start3A_101 : memref<10240x128xf32, #tpu.memory_space<vmem_shared>>) offsets(%arg8 : memref<80xi32, #tpu.memory_space<vmem>>) semaphore(%run_scoped3A : memref<!tpu.dma_semaphore, #tpu.memory_space<semaphore_mem>>) {add = true}
        %dma_wait3A_102 = arith.constant 0 : i32
        %dma_wait3A_103 = arith.constant 0 : i32
        %dma_wait3A_104 = tpu.memref_slice %arg13[%dma_wait3A_102, %dma_wait3A_103] : memref<10240x128xf32, #tpu.memory_space<vmem_shared>> -> memref<10240x128xf32, #tpu.memory_space<vmem_shared>>
        tpu.wait_indirect_dma semaphore(%run_scoped3A : memref<!tpu.dma_semaphore, #tpu.memory_space<semaphore_mem>>) src(%arg11 : memref<80x128xf32, #tpu.memory_space<vmem>>) dst(%dma_wait3A_104 : memref<10240x128xf32, #tpu.memory_space<vmem_shared>>)
        tpu.yield
      }) : () -> ()
      %add3A_63 = arith.constant 1 : i32
      %add3A_64 = arith.addi %add3A_52, %add3A_63 : i32
      %mul3A_65 = arith.constant 80 : i32
      %mul3A_66 = arith.muli %add3A_64, %mul3A_65 : i32
      %add3A_67 = arith.addi %mul3A_6, %mul3A_66 : i32
      %dma_start3A_68 = tpu.memref_slice %arg3[%add3A_67] : memref<320080xi32, #tpu.memory_space<hbm>> -> memref<80xi32, #tpu.memory_space<hbm>>
      %dma_start3A_69 = tpu.memref_slice %arg3[%add3A_67] : memref<320080xi32, #tpu.memory_space<hbm>> -> memref<80xi32, #tpu.memory_space<hbm>>
      tpu.enqueue_dma source(%dma_start3A_69 : memref<80xi32, #tpu.memory_space<hbm>>) target(%arg7 : memref<80xi32, #tpu.memory_space<vmem>>) target_semaphore(%arg16 : memref<!tpu.dma_semaphore, #tpu.memory_space<semaphore_mem>>)
      %mul3A_70 = arith.constant 80 : i32
      %mul3A_71 = arith.muli %add3A_64, %mul3A_70 : i32
      %add3A_72 = arith.addi %mul3A_6, %mul3A_71 : i32
      %dma_start3A_73 = tpu.memref_slice %arg4[%add3A_72] : memref<320080xi32, #tpu.memory_space<hbm>> -> memref<80xi32, #tpu.memory_space<hbm>>
      %dma_start3A_74 = tpu.memref_slice %arg4[%add3A_72] : memref<320080xi32, #tpu.memory_space<hbm>> -> memref<80xi32, #tpu.memory_space<hbm>>
      tpu.enqueue_dma source(%dma_start3A_74 : memref<80xi32, #tpu.memory_space<hbm>>) target(%arg8 : memref<80xi32, #tpu.memory_space<vmem>>) target_semaphore(%arg16 : memref<!tpu.dma_semaphore, #tpu.memory_space<semaphore_mem>>)
      %dma_wait3A_75 = tpu.memref_slice %arg3[%mul3A_6] : memref<320080xi32, #tpu.memory_space<hbm>> -> memref<80xi32, #tpu.memory_space<hbm>>
      %dma_wait3A_76 = tpu.memref_slice %arg3[%mul3A_6] : memref<320080xi32, #tpu.memory_space<hbm>> -> memref<80xi32, #tpu.memory_space<hbm>>
      tpu.wait_dma2 semaphore(%arg16 : memref<!tpu.dma_semaphore, #tpu.memory_space<semaphore_mem>>) src(%dma_wait3A_76 : memref<80xi32, #tpu.memory_space<hbm>>) dst(%arg7 : memref<80xi32, #tpu.memory_space<vmem>>)
      %dma_wait3A_77 = tpu.memref_slice %arg4[%mul3A_6] : memref<320080xi32, #tpu.memory_space<hbm>> -> memref<80xi32, #tpu.memory_space<hbm>>
      %dma_wait3A_78 = tpu.memref_slice %arg4[%mul3A_6] : memref<320080xi32, #tpu.memory_space<hbm>> -> memref<80xi32, #tpu.memory_space<hbm>>
      tpu.wait_dma2 semaphore(%arg16 : memref<!tpu.dma_semaphore, #tpu.memory_space<semaphore_mem>>) src(%dma_wait3A_78 : memref<80xi32, #tpu.memory_space<hbm>>) dst(%arg8 : memref<80xi32, #tpu.memory_space<vmem>>)
      %dma_start3A_79 = arith.constant 0 : i32
      %dma_start3A_80 = arith.constant 0 : i32
      %dma_start3A_81 = tpu.memref_slice %arg2[%dma_start3A_79, %dma_start3A_80] : memref<10240x128xf32, #tpu.memory_space<hbm>> -> memref<10240x128xf32, #tpu.memory_space<hbm>>
      tpu.enqueue_indirect_dma source(%dma_start3A_81 : memref<10240x128xf32, #tpu.memory_space<hbm>>) target(%arg11 : memref<80x128xf32, #tpu.memory_space<vmem>>) offsets(%arg7 : memref<80xi32, #tpu.memory_space<vmem>>) semaphore(%arg14 : memref<!tpu.dma_semaphore, #tpu.memory_space<semaphore_mem>>)
      %dma_wait3A_82 = arith.constant 0 : i32
      %dma_wait3A_83 = arith.constant 0 : i32
      %dma_wait3A_84 = tpu.memref_slice %arg2[%dma_wait3A_82, %dma_wait3A_83] : memref<10240x128xf32, #tpu.memory_space<hbm>> -> memref<10240x128xf32, #tpu.memory_space<hbm>>
      tpu.wait_indirect_dma semaphore(%arg15 : memref<!tpu.dma_semaphore, #tpu.memory_space<semaphore_mem>>) src(%dma_wait3A_84 : memref<10240x128xf32, #tpu.memory_space<hbm>>) dst(%arg12 : memref<80x128xf32, #tpu.memory_space<vmem>>)
      "tpu.region"() ({
        %run_scoped3A = tpu.sem_alloc : memref<!tpu.dma_semaphore, #tpu.memory_space<semaphore_mem>>
        %dma_start3A_99 = arith.constant 0 : i32
        %dma_start3A_100 = arith.constant 0 : i32
        %dma_start3A_101 = tpu.memref_slice %arg13[%dma_start3A_99, %dma_start3A_100] : memref<10240x128xf32, #tpu.memory_space<vmem_shared>> -> memref<10240x128xf32, #tpu.memory_space<vmem_shared>>
        tpu.enqueue_indirect_dma source(%arg12 : memref<80x128xf32, #tpu.memory_space<vmem>>) target(%dma_start3A_101 : memref<10240x128xf32, #tpu.memory_space<vmem_shared>>) offsets(%arg10 : memref<80xi32, #tpu.memory_space<vmem>>) semaphore(%run_scoped3A : memref<!tpu.dma_semaphore, #tpu.memory_space<semaphore_mem>>) {add = true}
        %dma_wait3A_102 = arith.constant 0 : i32
        %dma_wait3A_103 = arith.constant 0 : i32
        %dma_wait3A_104 = tpu.memref_slice %arg13[%dma_wait3A_102, %dma_wait3A_103] : memref<10240x128xf32, #tpu.memory_space<vmem_shared>> -> memref<10240x128xf32, #tpu.memory_space<vmem_shared>>
        tpu.wait_indirect_dma semaphore(%run_scoped3A : memref<!tpu.dma_semaphore, #tpu.memory_space<semaphore_mem>>) src(%arg12 : memref<80x128xf32, #tpu.memory_space<vmem>>) dst(%dma_wait3A_104 : memref<10240x128xf32, #tpu.memory_space<vmem_shared>>)
        tpu.yield
      }) : () -> ()
      %add3A_85 = arith.constant 2 : i32
      %add3A_86 = arith.addi %add3A_52, %add3A_85 : i32
      %mul3A_87 = arith.constant 80 : i32
      %mul3A_88 = arith.muli %add3A_86, %mul3A_87 : i32
      %add3A_89 = arith.addi %mul3A_6, %mul3A_88 : i32
      %dma_start3A_90 = tpu.memref_slice %arg3[%add3A_89] : memref<320080xi32, #tpu.memory_space<hbm>> -> memref<80xi32, #tpu.memory_space<hbm>>
      %dma_start3A_91 = tpu.memref_slice %arg3[%add3A_89] : memref<320080xi32, #tpu.memory_space<hbm>> -> memref<80xi32, #tpu.memory_space<hbm>>
      tpu.enqueue_dma source(%dma_start3A_91 : memref<80xi32, #tpu.memory_space<hbm>>) target(%arg9 : memref<80xi32, #tpu.memory_space<vmem>>) target_semaphore(%arg17 : memref<!tpu.dma_semaphore, #tpu.memory_space<semaphore_mem>>)
      %add3A_92 = arith.constant 2 : i32
      %add3A_93 = arith.addi %add3A_52, %add3A_92 : i32
      %mul3A_94 = arith.constant 80 : i32
      %mul3A_95 = arith.muli %add3A_93, %mul3A_94 : i32
      %add3A_96 = arith.addi %mul3A_6, %mul3A_95 : i32
      %dma_start3A_97 = tpu.memref_slice %arg4[%add3A_96] : memref<320080xi32, #tpu.memory_space<hbm>> -> memref<80xi32, #tpu.memory_space<hbm>>
      %dma_start3A_98 = tpu.memref_slice %arg4[%add3A_96] : memref<320080xi32, #tpu.memory_space<hbm>> -> memref<80xi32, #tpu.memory_space<hbm>>
      tpu.enqueue_dma source(%dma_start3A_98 : memref<80xi32, #tpu.memory_space<hbm>>) target(%arg10 : memref<80xi32, #tpu.memory_space<vmem>>) target_semaphore(%arg17 : memref<!tpu.dma_semaphore, #tpu.memory_space<semaphore_mem>>)
    }
    %scan3A_31 = arith.constant 62 : i32
    %dma_wait3A_32 = arith.constant 0 : i32
    %dma_wait3A_33 = arith.constant 0 : i32
    %dma_wait3A_34 = tpu.memref_slice %arg2[%dma_wait3A_32, %dma_wait3A_33] : memref<10240x128xf32, #tpu.memory_space<hbm>> -> memref<10240x128xf32, #tpu.memory_space<hbm>>
    tpu.wait_indirect_dma semaphore(%arg14 : memref<!tpu.dma_semaphore, #tpu.memory_space<semaphore_mem>>) src(%dma_wait3A_34 : memref<10240x128xf32, #tpu.memory_space<hbm>>) dst(%arg11 : memref<80x128xf32, #tpu.memory_space<vmem>>)
    "tpu.region"() ({
      %run_scoped3A = tpu.sem_alloc : memref<!tpu.dma_semaphore, #tpu.memory_space<semaphore_mem>>
      %dma_start3A_44 = arith.constant 0 : i32
      %dma_start3A_45 = arith.constant 0 : i32
      %dma_start3A_46 = tpu.memref_slice %arg13[%dma_start3A_44, %dma_start3A_45] : memref<10240x128xf32, #tpu.memory_space<vmem_shared>> -> memref<10240x128xf32, #tpu.memory_space<vmem_shared>>
      tpu.enqueue_indirect_dma source(%arg11 : memref<80x128xf32, #tpu.memory_space<vmem>>) target(%dma_start3A_46 : memref<10240x128xf32, #tpu.memory_space<vmem_shared>>) offsets(%arg8 : memref<80xi32, #tpu.memory_space<vmem>>) semaphore(%run_scoped3A : memref<!tpu.dma_semaphore, #tpu.memory_space<semaphore_mem>>) {add = true}
      %dma_wait3A_47 = arith.constant 0 : i32
      %dma_wait3A_48 = arith.constant 0 : i32
      %dma_wait3A_49 = tpu.memref_slice %arg13[%dma_wait3A_47, %dma_wait3A_48] : memref<10240x128xf32, #tpu.memory_space<vmem_shared>> -> memref<10240x128xf32, #tpu.memory_space<vmem_shared>>
      tpu.wait_indirect_dma semaphore(%run_scoped3A : memref<!tpu.dma_semaphore, #tpu.memory_space<semaphore_mem>>) src(%arg11 : memref<80x128xf32, #tpu.memory_space<vmem>>) dst(%dma_wait3A_49 : memref<10240x128xf32, #tpu.memory_space<vmem_shared>>)
      tpu.yield
    }) : () -> ()
    %dma_wait3A_35 = tpu.memref_slice %arg3[%mul3A_6] : memref<320080xi32, #tpu.memory_space<hbm>> -> memref<80xi32, #tpu.memory_space<hbm>>
    %dma_wait3A_36 = tpu.memref_slice %arg3[%mul3A_6] : memref<320080xi32, #tpu.memory_space<hbm>> -> memref<80xi32, #tpu.memory_space<hbm>>
    tpu.wait_dma2 semaphore(%arg17 : memref<!tpu.dma_semaphore, #tpu.memory_space<semaphore_mem>>) src(%dma_wait3A_36 : memref<80xi32, #tpu.memory_space<hbm>>) dst(%arg9 : memref<80xi32, #tpu.memory_space<vmem>>)
    %dma_wait3A_37 = tpu.memref_slice %arg4[%mul3A_6] : memref<320080xi32, #tpu.memory_space<hbm>> -> memref<80xi32, #tpu.memory_space<hbm>>
    %dma_wait3A_38 = tpu.memref_slice %arg4[%mul3A_6] : memref<320080xi32, #tpu.memory_space<hbm>> -> memref<80xi32, #tpu.memory_space<hbm>>
    tpu.wait_dma2 semaphore(%arg17 : memref<!tpu.dma_semaphore, #tpu.memory_space<semaphore_mem>>) src(%dma_wait3A_38 : memref<80xi32, #tpu.memory_space<hbm>>) dst(%arg10 : memref<80xi32, #tpu.memory_space<vmem>>)
    %barrier3A_39 = arith.constant 0 : index
    tpu.barrier barrier_id(%barrier3A_39)
    %mul3A_40 = arith.constant 640 : i32
    %mul3A_41 = arith.muli %arg1, %mul3A_40 : i32
    %mul3A_42 = arith.constant 640 : i32
    %mul3A_43 = arith.muli %arg1, %mul3A_42 : i32
    "tpu.region"() ({
      %run_scoped3A = tpu.sem_alloc : memref<!tpu.dma_semaphore, #tpu.memory_space<semaphore_mem>>
      %dma_start3A_44 = arith.constant 0 : i32
      %dma_start3A_45 = tpu.memref_slice %arg6[%arg0, %mul3A_43, %dma_start3A_44] : memref<2x10240x128xf32, #tpu.memory_space<hbm>> -> memref<1x640x128xf32, #tpu.memory_space<hbm>>
      %dma_start3A_46 = tpu.memref_squeeze %dma_start3A_45 : memref<1x640x128xf32, #tpu.memory_space<hbm>> -> memref<640x128xf32, #tpu.memory_space<hbm>>
      %dma_start3A_47 = arith.constant 0 : i32
      %dma_start3A_48 = tpu.memref_slice %arg13[%mul3A_41, %dma_start3A_47] : memref<10240x128xf32, #tpu.memory_space<vmem_shared>> -> memref<640x128xf32, #tpu.memory_space<vmem_shared>>
      tpu.enqueue_dma source(%dma_start3A_48 : memref<640x128xf32, #tpu.memory_space<vmem_shared>>) target(%dma_start3A_46 : memref<640x128xf32, #tpu.memory_space<hbm>>) target_semaphore(%run_scoped3A : memref<!tpu.dma_semaphore, #tpu.memory_space<semaphore_mem>>)
      %dma_wait3A_49 = arith.constant 0 : i32
      %dma_wait3A_50 = tpu.memref_slice %arg6[%arg0, %mul3A_43, %dma_wait3A_49] : memref<2x10240x128xf32, #tpu.memory_space<hbm>> -> memref<1x640x128xf32, #tpu.memory_space<hbm>>
      %dma_wait3A_51 = tpu.memref_squeeze %dma_wait3A_50 : memref<1x640x128xf32, #tpu.memory_space<hbm>> -> memref<640x128xf32, #tpu.memory_space<hbm>>
      %dma_wait3A_52 = arith.constant 0 : i32
      %dma_wait3A_53 = tpu.memref_slice %arg13[%mul3A_41, %dma_wait3A_52] : memref<10240x128xf32, #tpu.memory_space<vmem_shared>> -> memref<640x128xf32, #tpu.memory_space<vmem_shared>>
      tpu.wait_dma2 semaphore(%run_scoped3A : memref<!tpu.dma_semaphore, #tpu.memory_space<semaphore_mem>>) src(%dma_wait3A_53 : memref<640x128xf32, #tpu.memory_space<vmem_shared>>) dst(%dma_wait3A_51 : memref<640x128xf32, #tpu.memory_space<hbm>>)
      tpu.yield
    }) : () -> ()
    return
  }
}

#map = affine_map<(d0, d1) -> (0)>
#map1 = affine_map<(d0, d1) -> (0, 0)>
module attributes {stable_mosaic.version = 14 : i64} {
  func.func @deg_kernel(%arg0: i32, %arg1: i32, %arg2: memref<320080xi32, #tpu.memory_space<hbm>>, %arg3: memref<320080xi32, #tpu.memory_space<hbm>>, %arg4: memref<10240xf32, #tpu.memory_space<hbm>>, %arg5: memref<32x10240xf32, #tpu.memory_space<hbm>>, %arg6: memref<32x10240xf32, #tpu.memory_space<hbm>>, %arg7: memref<10000xi32, #tpu.memory_space<vmem>>, %arg8: memref<10000xi32, #tpu.memory_space<vmem>>, %arg9: memref<10240xf32, #tpu.memory_space<vmem>>, %arg10: memref<10240xf32, #tpu.memory_space<vmem>>) attributes {dimension_semantics = [#tpu.dimension_semantics<core_parallel>, #tpu.dimension_semantics<subcore_parallel>], iteration_bounds = array<i64: 2, 16>, scalar_prefetch = 0 : i64, scratch_operands = 4 : i64, tpu.core_type = #tpu.core_type<sc_vector_subcore>, window_params = [{transform_indices = #map}, {transform_indices = #map}, {transform_indices = #map}, {transform_indices = #map1}, {transform_indices = #map1}]} {
    "tpu.region"() ({
      %run_scoped3A = tpu.sem_alloc : memref<!tpu.dma_semaphore, #tpu.memory_space<semaphore_mem>>
      tpu.enqueue_dma source(%arg4 : memref<10240xf32, #tpu.memory_space<hbm>>) target(%arg9 : memref<10240xf32, #tpu.memory_space<vmem>>) target_semaphore(%run_scoped3A : memref<!tpu.dma_semaphore, #tpu.memory_space<semaphore_mem>>)
      tpu.wait_dma2 semaphore(%run_scoped3A : memref<!tpu.dma_semaphore, #tpu.memory_space<semaphore_mem>>) src(%arg4 : memref<10240xf32, #tpu.memory_space<hbm>>) dst(%arg9 : memref<10240xf32, #tpu.memory_space<vmem>>)
      tpu.yield
    }) : () -> ()
    "tpu.region"() ({
      %run_scoped3A = tpu.sem_alloc : memref<!tpu.dma_semaphore, #tpu.memory_space<semaphore_mem>>
      tpu.enqueue_dma source(%arg4 : memref<10240xf32, #tpu.memory_space<hbm>>) target(%arg10 : memref<10240xf32, #tpu.memory_space<vmem>>) target_semaphore(%run_scoped3A : memref<!tpu.dma_semaphore, #tpu.memory_space<semaphore_mem>>)
      tpu.wait_dma2 semaphore(%run_scoped3A : memref<!tpu.dma_semaphore, #tpu.memory_space<semaphore_mem>>) src(%arg4 : memref<10240xf32, #tpu.memory_space<hbm>>) dst(%arg10 : memref<10240xf32, #tpu.memory_space<vmem>>)
      tpu.yield
    }) : () -> ()
    %mul3A = arith.constant 16 : i32
    %mul3A_0 = arith.muli %arg0, %mul3A : i32
    %add3A = arith.addi %mul3A_0, %arg1 : i32
    %mul3A_1 = arith.constant 10000 : i32
    %mul3A_2 = arith.muli %add3A, %mul3A_1 : i32
    "tpu.region"() ({
      %run_scoped3A = tpu.sem_alloc : memref<!tpu.dma_semaphore, #tpu.memory_space<semaphore_mem>>
      %dma_start3A = tpu.memref_slice %arg2[%mul3A_2] : memref<320080xi32, #tpu.memory_space<hbm>> -> memref<10000xi32, #tpu.memory_space<hbm>>
      %dma_start3A_10 = tpu.memref_slice %arg2[%mul3A_2] : memref<320080xi32, #tpu.memory_space<hbm>> -> memref<10000xi32, #tpu.memory_space<hbm>>
      tpu.enqueue_dma source(%dma_start3A_10 : memref<10000xi32, #tpu.memory_space<hbm>>) target(%arg7 : memref<10000xi32, #tpu.memory_space<vmem>>) target_semaphore(%run_scoped3A : memref<!tpu.dma_semaphore, #tpu.memory_space<semaphore_mem>>)
      %dma_wait3A = tpu.memref_slice %arg2[%mul3A_2] : memref<320080xi32, #tpu.memory_space<hbm>> -> memref<10000xi32, #tpu.memory_space<hbm>>
      %dma_wait3A_11 = tpu.memref_slice %arg2[%mul3A_2] : memref<320080xi32, #tpu.memory_space<hbm>> -> memref<10000xi32, #tpu.memory_space<hbm>>
      tpu.wait_dma2 semaphore(%run_scoped3A : memref<!tpu.dma_semaphore, #tpu.memory_space<semaphore_mem>>) src(%dma_wait3A_11 : memref<10000xi32, #tpu.memory_space<hbm>>) dst(%arg7 : memref<10000xi32, #tpu.memory_space<vmem>>)
      tpu.yield
    }) : () -> ()
    %mul3A_3 = arith.constant 10000 : i32
    %mul3A_4 = arith.muli %add3A, %mul3A_3 : i32
    "tpu.region"() ({
      %run_scoped3A = tpu.sem_alloc : memref<!tpu.dma_semaphore, #tpu.memory_space<semaphore_mem>>
      %dma_start3A = tpu.memref_slice %arg3[%mul3A_4] : memref<320080xi32, #tpu.memory_space<hbm>> -> memref<10000xi32, #tpu.memory_space<hbm>>
      %dma_start3A_10 = tpu.memref_slice %arg3[%mul3A_4] : memref<320080xi32, #tpu.memory_space<hbm>> -> memref<10000xi32, #tpu.memory_space<hbm>>
      tpu.enqueue_dma source(%dma_start3A_10 : memref<10000xi32, #tpu.memory_space<hbm>>) target(%arg8 : memref<10000xi32, #tpu.memory_space<vmem>>) target_semaphore(%run_scoped3A : memref<!tpu.dma_semaphore, #tpu.memory_space<semaphore_mem>>)
      %dma_wait3A = tpu.memref_slice %arg3[%mul3A_4] : memref<320080xi32, #tpu.memory_space<hbm>> -> memref<10000xi32, #tpu.memory_space<hbm>>
      %dma_wait3A_11 = tpu.memref_slice %arg3[%mul3A_4] : memref<320080xi32, #tpu.memory_space<hbm>> -> memref<10000xi32, #tpu.memory_space<hbm>>
      tpu.wait_dma2 semaphore(%run_scoped3A : memref<!tpu.dma_semaphore, #tpu.memory_space<semaphore_mem>>) src(%dma_wait3A_11 : memref<10000xi32, #tpu.memory_space<hbm>>) dst(%arg8 : memref<10000xi32, #tpu.memory_space<vmem>>)
      tpu.yield
    }) : () -> ()
    %broadcast_in_dim3A = arith.constant 1.000000e+00 : f32
    %broadcast_in_dim3A_5 = vector.broadcast %broadcast_in_dim3A : f32 to vector<16xf32>
    %scan3A = arith.constant 0 : i32
    %scan3A_6 = arith.constant 625 : i32
    %scan3A_7 = arith.addi %scan3A, %scan3A_6 : i32
    %scan3A_8 = arith.constant 1 : i32
    scf.for %scan3A_10 = %scan3A to %scan3A_7 step %scan3A_8  : i32 {
      %mul3A_11 = arith.constant 1 : i32
      %mul3A_12 = arith.muli %scan3A_10, %mul3A_11 : i32
      %add3A_13 = arith.constant 0 : i32
      %add3A_14 = arith.addi %add3A_13, %mul3A_12 : i32
      %mul3A_15 = arith.constant 16 : i32
      %mul3A_16 = arith.muli %add3A_14, %mul3A_15 : i32
      %get3A = arith.index_cast %mul3A_16 : i32 to index
      %get3A_17 = tpu.vector_load %arg7[%get3A] {strides = array<i32>} : memref<10000xi32, #tpu.memory_space<vmem>>, vector<16xi32>,
      %mul3A_18 = arith.constant 16 : i32
      %mul3A_19 = arith.muli %add3A_14, %mul3A_18 : i32
      %get3A_20 = arith.index_cast %mul3A_19 : i32 to index
      %get3A_21 = tpu.vector_load %arg8[%get3A_20] {strides = array<i32>} : memref<10000xi32, #tpu.memory_space<vmem>>, vector<16xi32>,
      tpu.vector_store_idx %arg9[%get3A_17], %broadcast_in_dim3A_5 {add = true} : memref<10240xf32, #tpu.memory_space<vmem>>[vector<16xi32>], vector<16xf32>,
      tpu.vector_store_idx %arg10[%get3A_21], %broadcast_in_dim3A_5 {add = true} : memref<10240xf32, #tpu.memory_space<vmem>>[vector<16xi32>], vector<16xf32>,
    }
    %scan3A_9 = arith.constant 625 : i32
    "tpu.region"() ({
      %run_scoped3A = tpu.sem_alloc : memref<!tpu.dma_semaphore, #tpu.memory_space<semaphore_mem>>
      %dma_start3A = arith.constant 0 : i32
      %dma_start3A_10 = tpu.memref_slice %arg5[%add3A, %dma_start3A] : memref<32x10240xf32, #tpu.memory_space<hbm>> -> memref<1x10240xf32, #tpu.memory_space<hbm>>
      %dma_start3A_11 = tpu.memref_squeeze %dma_start3A_10 : memref<1x10240xf32, #tpu.memory_space<hbm>> -> memref<10240xf32, #tpu.memory_space<hbm>>
      %dma_start3A_12 = arith.constant 0 : i32
      %dma_start3A_13 = tpu.memref_slice %arg5[%add3A, %dma_start3A_12] : memref<32x10240xf32, #tpu.memory_space<hbm>> -> memref<1x10240xf32, #tpu.memory_space<hbm>>
      %dma_start3A_14 = tpu.memref_squeeze %dma_start3A_13 : memref<1x10240xf32, #tpu.memory_space<hbm>> -> memref<10240xf32, #tpu.memory_space<hbm>>
      tpu.enqueue_dma source(%arg9 : memref<10240xf32, #tpu.memory_space<vmem>>) target(%dma_start3A_14 : memref<10240xf32, #tpu.memory_space<hbm>>) target_semaphore(%run_scoped3A : memref<!tpu.dma_semaphore, #tpu.memory_space<semaphore_mem>>)
      %dma_wait3A = arith.constant 0 : i32
      %dma_wait3A_15 = tpu.memref_slice %arg5[%add3A, %dma_wait3A] : memref<32x10240xf32, #tpu.memory_space<hbm>> -> memref<1x10240xf32, #tpu.memory_space<hbm>>
      %dma_wait3A_16 = tpu.memref_squeeze %dma_wait3A_15 : memref<1x10240xf32, #tpu.memory_space<hbm>> -> memref<10240xf32, #tpu.memory_space<hbm>>
      %dma_wait3A_17 = arith.constant 0 : i32
      %dma_wait3A_18 = tpu.memref_slice %arg5[%add3A, %dma_wait3A_17] : memref<32x10240xf32, #tpu.memory_space<hbm>> -> memref<1x10240xf32, #tpu.memory_space<hbm>>
      %dma_wait3A_19 = tpu.memref_squeeze %dma_wait3A_18 : memref<1x10240xf32, #tpu.memory_space<hbm>> -> memref<10240xf32, #tpu.memory_space<hbm>>
      tpu.wait_dma2 semaphore(%run_scoped3A : memref<!tpu.dma_semaphore, #tpu.memory_space<semaphore_mem>>) src(%arg9 : memref<10240xf32, #tpu.memory_space<vmem>>) dst(%dma_wait3A_19 : memref<10240xf32, #tpu.memory_space<hbm>>)
      tpu.yield
    }) : () -> ()
    "tpu.region"() ({
      %run_scoped3A = tpu.sem_alloc : memref<!tpu.dma_semaphore, #tpu.memory_space<semaphore_mem>>
      %dma_start3A = arith.constant 0 : i32
      %dma_start3A_10 = tpu.memref_slice %arg6[%add3A, %dma_start3A] : memref<32x10240xf32, #tpu.memory_space<hbm>> -> memref<1x10240xf32, #tpu.memory_space<hbm>>
      %dma_start3A_11 = tpu.memref_squeeze %dma_start3A_10 : memref<1x10240xf32, #tpu.memory_space<hbm>> -> memref<10240xf32, #tpu.memory_space<hbm>>
      %dma_start3A_12 = arith.constant 0 : i32
      %dma_start3A_13 = tpu.memref_slice %arg6[%add3A, %dma_start3A_12] : memref<32x10240xf32, #tpu.memory_space<hbm>> -> memref<1x10240xf32, #tpu.memory_space<hbm>>
      %dma_start3A_14 = tpu.memref_squeeze %dma_start3A_13 : memref<1x10240xf32, #tpu.memory_space<hbm>> -> memref<10240xf32, #tpu.memory_space<hbm>>
      tpu.enqueue_dma source(%arg10 : memref<10240xf32, #tpu.memory_space<vmem>>) target(%dma_start3A_14 : memref<10240xf32, #tpu.memory_space<hbm>>) target_semaphore(%run_scoped3A : memref<!tpu.dma_semaphore, #tpu.memory_space<semaphore_mem>>)
      %dma_wait3A = arith.constant 0 : i32
      %dma_wait3A_15 = tpu.memref_slice %arg6[%add3A, %dma_wait3A] : memref<32x10240xf32, #tpu.memory_space<hbm>> -> memref<1x10240xf32, #tpu.memory_space<hbm>>
      %dma_wait3A_16 = tpu.memref_squeeze %dma_wait3A_15 : memref<1x10240xf32, #tpu.memory_space<hbm>> -> memref<10240xf32, #tpu.memory_space<hbm>>
      %dma_wait3A_17 = arith.constant 0 : i32
      %dma_wait3A_18 = tpu.memref_slice %arg6[%add3A, %dma_wait3A_17] : memref<32x10240xf32, #tpu.memory_space<hbm>> -> memref<1x10240xf32, #tpu.memory_space<hbm>>
      %dma_wait3A_19 = tpu.memref_squeeze %dma_wait3A_18 : memref<1x10240xf32, #tpu.memory_space<hbm>> -> memref<10240xf32, #tpu.memory_space<hbm>>
      tpu.wait_dma2 semaphore(%run_scoped3A : memref<!tpu.dma_semaphore, #tpu.memory_space<semaphore_mem>>) src(%arg10 : memref<10240xf32, #tpu.memory_space<vmem>>) dst(%dma_wait3A_19 : memref<10240xf32, #tpu.memory_space<hbm>>)
      tpu.yield
    }) : () -> ()
    return
  }
}

#map = affine_map<(d0, d1) -> (0, 0)>
#map1 = affine_map<(d0, d1) -> (0)>
#map2 = affine_map<(d0, d1) -> (0, 0, 0)>
module attributes {stable_mosaic.version = 14 : i64} {
  func.func @agg_kernel(%arg0: i32, %arg1: i32, %arg2: memref<10240x128xf32, #tpu.memory_space<hbm>>, %arg3: memref<320080xi32, #tpu.memory_space<hbm>>, %arg4: memref<320080xi32, #tpu.memory_space<hbm>>, %arg5: memref<10240x128xf32, #tpu.memory_space<hbm>>, %arg6: memref<2x10240x128xf32, #tpu.memory_space<hbm>>, %arg7: memref<80xi32, #tpu.memory_space<vmem>>, %arg8: memref<80xi32, #tpu.memory_space<vmem>>, %arg9: memref<80xi32, #tpu.memory_space<vmem>>, %arg10: memref<80xi32, #tpu.memory_space<vmem>>, %arg11: memref<80x128xf32, #tpu.memory_space<vmem>>, %arg12: memref<80x128xf32, #tpu.memory_space<vmem>>, %arg13: memref<10240x128xf32, #tpu.memory_space<vmem_shared>>, %arg14: memref<!tpu.dma_semaphore, #tpu.memory_space<semaphore_mem>>, %arg15: memref<!tpu.dma_semaphore, #tpu.memory_space<semaphore_mem>>, %arg16: memref<!tpu.dma_semaphore, #tpu.memory_space<semaphore_mem>>, %arg17: memref<!tpu.dma_semaphore, #tpu.memory_space<semaphore_mem>>) attributes {dimension_semantics = [#tpu.dimension_semantics<core_parallel>, #tpu.dimension_semantics<subcore_parallel>], iteration_bounds = array<i64: 2, 16>, scalar_prefetch = 0 : i64, scratch_operands = 11 : i64, tpu.core_type = #tpu.core_type<sc_vector_subcore>, window_params = [{transform_indices = #map}, {transform_indices = #map1}, {transform_indices = #map1}, {transform_indices = #map}, {transform_indices = #map2}]} {
    %mul3A = arith.constant 640 : i32
    %mul3A_0 = arith.muli %arg1, %mul3A : i32
    %mul3A_1 = arith.constant 640 : i32
    %mul3A_2 = arith.muli %arg1, %mul3A_1 : i32
    "tpu.region"() ({
      %run_scoped3A = tpu.sem_alloc : memref<!tpu.dma_semaphore, #tpu.memory_space<semaphore_mem>>
      %dma_start3A_44 = arith.constant 0 : i32
      %dma_start3A_45 = tpu.memref_slice %arg13[%mul3A_2, %dma_start3A_44] : memref<10240x128xf32, #tpu.memory_space<vmem_shared>> -> memref<640x128xf32, #tpu.memory_space<vmem_shared>>
      %dma_start3A_46 = arith.constant 0 : i32
      %dma_start3A_47 = tpu.memref_slice %arg5[%mul3A_0, %dma_start3A_46] : memref<10240x128xf32, #tpu.memory_space<hbm>> -> memref<640x128xf32, #tpu.memory_space<hbm>>
      tpu.enqueue_dma source(%dma_start3A_47 : memref<640x128xf32, #tpu.memory_space<hbm>>) target(%dma_start3A_45 : memref<640x128xf32, #tpu.memory_space<vmem_shared>>) target_semaphore(%run_scoped3A : memref<!tpu.dma_semaphore, #tpu.memory_space<semaphore_mem>>)
      %dma_wait3A_48 = arith.constant 0 : i32
      %dma_wait3A_49 = tpu.memref_slice %arg13[%mul3A_2, %dma_wait3A_48] : memref<10240x128xf32, #tpu.memory_space<vmem_shared>> -> memref<640x128xf32, #tpu.memory_space<vmem_shared>>
      %dma_wait3A_50 = arith.constant 0 : i32
      %dma_wait3A_51 = tpu.memref_slice %arg5[%mul3A_0, %dma_wait3A_50] : memref<10240x128xf32, #tpu.memory_space<hbm>> -> memref<640x128xf32, #tpu.memory_space<hbm>>
      tpu.wait_dma2 semaphore(%run_scoped3A : memref<!tpu.dma_semaphore, #tpu.memory_space<semaphore_mem>>) src(%dma_wait3A_51 : memref<640x128xf32, #tpu.memory_space<hbm>>) dst(%dma_wait3A_49 : memref<640x128xf32, #tpu.memory_space<vmem_shared>>)
      tpu.yield
    }) : () -> ()
    %mul3A_3 = arith.constant 16 : i32
    %mul3A_4 = arith.muli %arg0, %mul3A_3 : i32
    %add3A = arith.addi %mul3A_4, %arg1 : i32
    %mul3A_5 = arith.constant 10000 : i32
    %mul3A_6 = arith.muli %add3A, %mul3A_5 : i32
    %barrier3A = arith.constant 0 : index
    tpu.barrier barrier_id(%barrier3A)
    %add3A_7 = arith.constant 0 : i32
    %add3A_8 = arith.addi %mul3A_6, %add3A_7 : i32
    %dma_start3A = tpu.memref_slice %arg3[%add3A_8] : memref<320080xi32, #tpu.memory_space<hbm>> -> memref<80xi32, #tpu.memory_space<hbm>>
    %dma_start3A_9 = tpu.memref_slice %arg3[%add3A_8] : memref<320080xi32, #tpu.memory_space<hbm>> -> memref<80xi32, #tpu.memory_space<hbm>>
    tpu.enqueue_dma source(%dma_start3A_9 : memref<80xi32, #tpu.memory_space<hbm>>) target(%arg7 : memref<80xi32, #tpu.memory_space<vmem>>) target_semaphore(%arg16 : memref<!tpu.dma_semaphore, #tpu.memory_space<semaphore_mem>>)
    %add3A_10 = arith.constant 0 : i32
    %add3A_11 = arith.addi %mul3A_6, %add3A_10 : i32
    %dma_start3A_12 = tpu.memref_slice %arg4[%add3A_11] : memref<320080xi32, #tpu.memory_space<hbm>> -> memref<80xi32, #tpu.memory_space<hbm>>
    %dma_start3A_13 = tpu.memref_slice %arg4[%add3A_11] : memref<320080xi32, #tpu.memory_space<hbm>> -> memref<80xi32, #tpu.memory_space<hbm>>
    tpu.enqueue_dma source(%dma_start3A_13 : memref<80xi32, #tpu.memory_space<hbm>>) target(%arg8 : memref<80xi32, #tpu.memory_space<vmem>>) target_semaphore(%arg16 : memref<!tpu.dma_semaphore, #tpu.memory_space<semaphore_mem>>)
    %dma_wait3A = tpu.memref_slice %arg3[%mul3A_6] : memref<320080xi32, #tpu.memory_space<hbm>> -> memref<80xi32, #tpu.memory_space<hbm>>
    %dma_wait3A_14 = tpu.memref_slice %arg3[%mul3A_6] : memref<320080xi32, #tpu.memory_space<hbm>> -> memref<80xi32, #tpu.memory_space<hbm>>
    tpu.wait_dma2 semaphore(%arg16 : memref<!tpu.dma_semaphore, #tpu.memory_space<semaphore_mem>>) src(%dma_wait3A_14 : memref<80xi32, #tpu.memory_space<hbm>>) dst(%arg7 : memref<80xi32, #tpu.memory_space<vmem>>)
    %dma_wait3A_15 = tpu.memref_slice %arg4[%mul3A_6] : memref<320080xi32, #tpu.memory_space<hbm>> -> memref<80xi32, #tpu.memory_space<hbm>>
    %dma_wait3A_16 = tpu.memref_slice %arg4[%mul3A_6] : memref<320080xi32, #tpu.memory_space<hbm>> -> memref<80xi32, #tpu.memory_space<hbm>>
    tpu.wait_dma2 semaphore(%arg16 : memref<!tpu.dma_semaphore, #tpu.memory_space<semaphore_mem>>) src(%dma_wait3A_16 : memref<80xi32, #tpu.memory_space<hbm>>) dst(%arg8 : memref<80xi32, #tpu.memory_space<vmem>>)
    %dma_start3A_17 = arith.constant 0 : i32
    %dma_start3A_18 = arith.constant 0 : i32
    %dma_start3A_19 = tpu.memref_slice %arg2[%dma_start3A_17, %dma_start3A_18] : memref<10240x128xf32, #tpu.memory_space<hbm>> -> memref<10240x128xf32, #tpu.memory_space<hbm>>
    tpu.enqueue_indirect_dma source(%dma_start3A_19 : memref<10240x128xf32, #tpu.memory_space<hbm>>) target(%arg11 : memref<80x128xf32, #tpu.memory_space<vmem>>) offsets(%arg7 : memref<80xi32, #tpu.memory_space<vmem>>) semaphore(%arg14 : memref<!tpu.dma_semaphore, #tpu.memory_space<semaphore_mem>>)
    %add3A_20 = arith.constant 80 : i32
    %add3A_21 = arith.addi %mul3A_6, %add3A_20 : i32
    %dma_start3A_22 = tpu.memref_slice %arg3[%add3A_21] : memref<320080xi32, #tpu.memory_space<hbm>> -> memref<80xi32, #tpu.memory_space<hbm>>
    %dma_start3A_23 = tpu.memref_slice %arg3[%add3A_21] : memref<320080xi32, #tpu.memory_space<hbm>> -> memref<80xi32, #tpu.memory_space<hbm>>
    tpu.enqueue_dma source(%dma_start3A_23 : memref<80xi32, #tpu.memory_space<hbm>>) target(%arg9 : memref<80xi32, #tpu.memory_space<vmem>>) target_semaphore(%arg17 : memref<!tpu.dma_semaphore, #tpu.memory_space<semaphore_mem>>)
    %add3A_24 = arith.constant 80 : i32
    %add3A_25 = arith.addi %mul3A_6, %add3A_24 : i32
    %dma_start3A_26 = tpu.memref_slice %arg4[%add3A_25] : memref<320080xi32, #tpu.memory_space<hbm>> -> memref<80xi32, #tpu.memory_space<hbm>>
    %dma_start3A_27 = tpu.memref_slice %arg4[%add3A_25] : memref<320080xi32, #tpu.memory_space<hbm>> -> memref<80xi32, #tpu.memory_space<hbm>>
    tpu.enqueue_dma source(%dma_start3A_27 : memref<80xi32, #tpu.memory_space<hbm>>) target(%arg10 : memref<80xi32, #tpu.memory_space<vmem>>) target_semaphore(%arg17 : memref<!tpu.dma_semaphore, #tpu.memory_space<semaphore_mem>>)
    %scan3A = arith.constant 0 : i32
    %scan3A_28 = arith.constant 62 : i32
    %scan3A_29 = arith.addi %scan3A, %scan3A_28 : i32
    %scan3A_30 = arith.constant 1 : i32
    scf.for %scan3A_44 = %scan3A to %scan3A_29 step %scan3A_30  : i32 {
      %mul3A_45 = arith.constant 1 : i32
      %mul3A_46 = arith.muli %scan3A_44, %mul3A_45 : i32
      %add3A_47 = arith.constant 0 : i32
      %add3A_48 = arith.addi %add3A_47, %mul3A_46 : i32
      %mul3A_49 = arith.constant 2 : i32
      %mul3A_50 = arith.muli %add3A_48, %mul3A_49 : i32
      %add3A_51 = arith.constant 1 : i32
      %add3A_52 = arith.addi %mul3A_50, %add3A_51 : i32
      %dma_wait3A_53 = tpu.memref_slice %arg3[%mul3A_6] : memref<320080xi32, #tpu.memory_space<hbm>> -> memref<80xi32, #tpu.memory_space<hbm>>
      %dma_wait3A_54 = tpu.memref_slice %arg3[%mul3A_6] : memref<320080xi32, #tpu.memory_space<hbm>> -> memref<80xi32, #tpu.memory_space<hbm>>
      tpu.wait_dma2 semaphore(%arg17 : memref<!tpu.dma_semaphore, #tpu.memory_space<semaphore_mem>>) src(%dma_wait3A_54 : memref<80xi32, #tpu.memory_space<hbm>>) dst(%arg9 : memref<80xi32, #tpu.memory_space<vmem>>)
      %dma_wait3A_55 = tpu.memref_slice %arg4[%mul3A_6] : memref<320080xi32, #tpu.memory_space<hbm>> -> memref<80xi32, #tpu.memory_space<hbm>>
      %dma_wait3A_56 = tpu.memref_slice %arg4[%mul3A_6] : memref<320080xi32, #tpu.memory_space<hbm>> -> memref<80xi32, #tpu.memory_space<hbm>>
      tpu.wait_dma2 semaphore(%arg17 : memref<!tpu.dma_semaphore, #tpu.memory_space<semaphore_mem>>) src(%dma_wait3A_56 : memref<80xi32, #tpu.memory_space<hbm>>) dst(%arg10 : memref<80xi32, #tpu.memory_space<vmem>>)
      %dma_start3A_57 = arith.constant 0 : i32
      %dma_start3A_58 = arith.constant 0 : i32
      %dma_start3A_59 = tpu.memref_slice %arg2[%dma_start3A_57, %dma_start3A_58] : memref<10240x128xf32, #tpu.memory_space<hbm>> -> memref<10240x128xf32, #tpu.memory_space<hbm>>
      tpu.enqueue_indirect_dma source(%dma_start3A_59 : memref<10240x128xf32, #tpu.memory_space<hbm>>) target(%arg12 : memref<80x128xf32, #tpu.memory_space<vmem>>) offsets(%arg9 : memref<80xi32, #tpu.memory_space<vmem>>) semaphore(%arg15 : memref<!tpu.dma_semaphore, #tpu.memory_space<semaphore_mem>>)
      %dma_wait3A_60 = arith.constant 0 : i32
      %dma_wait3A_61 = arith.constant 0 : i32
      %dma_wait3A_62 = tpu.memref_slice %arg2[%dma_wait3A_60, %dma_wait3A_61] : memref<10240x128xf32, #tpu.memory_space<hbm>> -> memref<10240x128xf32, #tpu.memory_space<hbm>>
      tpu.wait_indirect_dma semaphore(%arg14 : memref<!tpu.dma_semaphore, #tpu.memory_space<semaphore_mem>>) src(%dma_wait3A_62 : memref<10240x128xf32, #tpu.memory_space<hbm>>) dst(%arg11 : memref<80x128xf32, #tpu.memory_space<vmem>>)
      "tpu.region"() ({
        %run_scoped3A = tpu.sem_alloc : memref<!tpu.dma_semaphore, #tpu.memory_space<semaphore_mem>>
        %dma_start3A_99 = arith.constant 0 : i32
        %dma_start3A_100 = arith.constant 0 : i32
        %dma_start3A_101 = tpu.memref_slice %arg13[%dma_start3A_99, %dma_start3A_100] : memref<10240x128xf32, #tpu.memory_space<vmem_shared>> -> memref<10240x128xf32, #tpu.memory_space<vmem_shared>>
        tpu.enqueue_indirect_dma source(%arg11 : memref<80x128xf32, #tpu.memory_space<vmem>>) target(%dma_start3A_101 : memref<10240x128xf32, #tpu.memory_space<vmem_shared>>) offsets(%arg8 : memref<80xi32, #tpu.memory_space<vmem>>) semaphore(%run_scoped3A : memref<!tpu.dma_semaphore, #tpu.memory_space<semaphore_mem>>) {add = true}
        %dma_wait3A_102 = arith.constant 0 : i32
        %dma_wait3A_103 = arith.constant 0 : i32
        %dma_wait3A_104 = tpu.memref_slice %arg13[%dma_wait3A_102, %dma_wait3A_103] : memref<10240x128xf32, #tpu.memory_space<vmem_shared>> -> memref<10240x128xf32, #tpu.memory_space<vmem_shared>>
        tpu.wait_indirect_dma semaphore(%run_scoped3A : memref<!tpu.dma_semaphore, #tpu.memory_space<semaphore_mem>>) src(%arg11 : memref<80x128xf32, #tpu.memory_space<vmem>>) dst(%dma_wait3A_104 : memref<10240x128xf32, #tpu.memory_space<vmem_shared>>)
        tpu.yield
      }) : () -> ()
      %add3A_63 = arith.constant 1 : i32
      %add3A_64 = arith.addi %add3A_52, %add3A_63 : i32
      %mul3A_65 = arith.constant 80 : i32
      %mul3A_66 = arith.muli %add3A_64, %mul3A_65 : i32
      %add3A_67 = arith.addi %mul3A_6, %mul3A_66 : i32
      %dma_start3A_68 = tpu.memref_slice %arg3[%add3A_67] : memref<320080xi32, #tpu.memory_space<hbm>> -> memref<80xi32, #tpu.memory_space<hbm>>
      %dma_start3A_69 = tpu.memref_slice %arg3[%add3A_67] : memref<320080xi32, #tpu.memory_space<hbm>> -> memref<80xi32, #tpu.memory_space<hbm>>
      tpu.enqueue_dma source(%dma_start3A_69 : memref<80xi32, #tpu.memory_space<hbm>>) target(%arg7 : memref<80xi32, #tpu.memory_space<vmem>>) target_semaphore(%arg16 : memref<!tpu.dma_semaphore, #tpu.memory_space<semaphore_mem>>)
      %mul3A_70 = arith.constant 80 : i32
      %mul3A_71 = arith.muli %add3A_64, %mul3A_70 : i32
      %add3A_72 = arith.addi %mul3A_6, %mul3A_71 : i32
      %dma_start3A_73 = tpu.memref_slice %arg4[%add3A_72] : memref<320080xi32, #tpu.memory_space<hbm>> -> memref<80xi32, #tpu.memory_space<hbm>>
      %dma_start3A_74 = tpu.memref_slice %arg4[%add3A_72] : memref<320080xi32, #tpu.memory_space<hbm>> -> memref<80xi32, #tpu.memory_space<hbm>>
      tpu.enqueue_dma source(%dma_start3A_74 : memref<80xi32, #tpu.memory_space<hbm>>) target(%arg8 : memref<80xi32, #tpu.memory_space<vmem>>) target_semaphore(%arg16 : memref<!tpu.dma_semaphore, #tpu.memory_space<semaphore_mem>>)
      %dma_wait3A_75 = tpu.memref_slice %arg3[%mul3A_6] : memref<320080xi32, #tpu.memory_space<hbm>> -> memref<80xi32, #tpu.memory_space<hbm>>
      %dma_wait3A_76 = tpu.memref_slice %arg3[%mul3A_6] : memref<320080xi32, #tpu.memory_space<hbm>> -> memref<80xi32, #tpu.memory_space<hbm>>
      tpu.wait_dma2 semaphore(%arg16 : memref<!tpu.dma_semaphore, #tpu.memory_space<semaphore_mem>>) src(%dma_wait3A_76 : memref<80xi32, #tpu.memory_space<hbm>>) dst(%arg7 : memref<80xi32, #tpu.memory_space<vmem>>)
      %dma_wait3A_77 = tpu.memref_slice %arg4[%mul3A_6] : memref<320080xi32, #tpu.memory_space<hbm>> -> memref<80xi32, #tpu.memory_space<hbm>>
      %dma_wait3A_78 = tpu.memref_slice %arg4[%mul3A_6] : memref<320080xi32, #tpu.memory_space<hbm>> -> memref<80xi32, #tpu.memory_space<hbm>>
      tpu.wait_dma2 semaphore(%arg16 : memref<!tpu.dma_semaphore, #tpu.memory_space<semaphore_mem>>) src(%dma_wait3A_78 : memref<80xi32, #tpu.memory_space<hbm>>) dst(%arg8 : memref<80xi32, #tpu.memory_space<vmem>>)
      %dma_start3A_79 = arith.constant 0 : i32
      %dma_start3A_80 = arith.constant 0 : i32
      %dma_start3A_81 = tpu.memref_slice %arg2[%dma_start3A_79, %dma_start3A_80] : memref<10240x128xf32, #tpu.memory_space<hbm>> -> memref<10240x128xf32, #tpu.memory_space<hbm>>
      tpu.enqueue_indirect_dma source(%dma_start3A_81 : memref<10240x128xf32, #tpu.memory_space<hbm>>) target(%arg11 : memref<80x128xf32, #tpu.memory_space<vmem>>) offsets(%arg7 : memref<80xi32, #tpu.memory_space<vmem>>) semaphore(%arg14 : memref<!tpu.dma_semaphore, #tpu.memory_space<semaphore_mem>>)
      %dma_wait3A_82 = arith.constant 0 : i32
      %dma_wait3A_83 = arith.constant 0 : i32
      %dma_wait3A_84 = tpu.memref_slice %arg2[%dma_wait3A_82, %dma_wait3A_83] : memref<10240x128xf32, #tpu.memory_space<hbm>> -> memref<10240x128xf32, #tpu.memory_space<hbm>>
      tpu.wait_indirect_dma semaphore(%arg15 : memref<!tpu.dma_semaphore, #tpu.memory_space<semaphore_mem>>) src(%dma_wait3A_84 : memref<10240x128xf32, #tpu.memory_space<hbm>>) dst(%arg12 : memref<80x128xf32, #tpu.memory_space<vmem>>)
      "tpu.region"() ({
        %run_scoped3A = tpu.sem_alloc : memref<!tpu.dma_semaphore, #tpu.memory_space<semaphore_mem>>
        %dma_start3A_99 = arith.constant 0 : i32
        %dma_start3A_100 = arith.constant 0 : i32
        %dma_start3A_101 = tpu.memref_slice %arg13[%dma_start3A_99, %dma_start3A_100] : memref<10240x128xf32, #tpu.memory_space<vmem_shared>> -> memref<10240x128xf32, #tpu.memory_space<vmem_shared>>
        tpu.enqueue_indirect_dma source(%arg12 : memref<80x128xf32, #tpu.memory_space<vmem>>) target(%dma_start3A_101 : memref<10240x128xf32, #tpu.memory_space<vmem_shared>>) offsets(%arg10 : memref<80xi32, #tpu.memory_space<vmem>>) semaphore(%run_scoped3A : memref<!tpu.dma_semaphore, #tpu.memory_space<semaphore_mem>>) {add = true}
        %dma_wait3A_102 = arith.constant 0 : i32
        %dma_wait3A_103 = arith.constant 0 : i32
        %dma_wait3A_104 = tpu.memref_slice %arg13[%dma_wait3A_102, %dma_wait3A_103] : memref<10240x128xf32, #tpu.memory_space<vmem_shared>> -> memref<10240x128xf32, #tpu.memory_space<vmem_shared>>
        tpu.wait_indirect_dma semaphore(%run_scoped3A : memref<!tpu.dma_semaphore, #tpu.memory_space<semaphore_mem>>) src(%arg12 : memref<80x128xf32, #tpu.memory_space<vmem>>) dst(%dma_wait3A_104 : memref<10240x128xf32, #tpu.memory_space<vmem_shared>>)
        tpu.yield
      }) : () -> ()
      %add3A_85 = arith.constant 2 : i32
      %add3A_86 = arith.addi %add3A_52, %add3A_85 : i32
      %mul3A_87 = arith.constant 80 : i32
      %mul3A_88 = arith.muli %add3A_86, %mul3A_87 : i32
      %add3A_89 = arith.addi %mul3A_6, %mul3A_88 : i32
      %dma_start3A_90 = tpu.memref_slice %arg3[%add3A_89] : memref<320080xi32, #tpu.memory_space<hbm>> -> memref<80xi32, #tpu.memory_space<hbm>>
      %dma_start3A_91 = tpu.memref_slice %arg3[%add3A_89] : memref<320080xi32, #tpu.memory_space<hbm>> -> memref<80xi32, #tpu.memory_space<hbm>>
      tpu.enqueue_dma source(%dma_start3A_91 : memref<80xi32, #tpu.memory_space<hbm>>) target(%arg9 : memref<80xi32, #tpu.memory_space<vmem>>) target_semaphore(%arg17 : memref<!tpu.dma_semaphore, #tpu.memory_space<semaphore_mem>>)
      %add3A_92 = arith.constant 2 : i32
      %add3A_93 = arith.addi %add3A_52, %add3A_92 : i32
      %mul3A_94 = arith.constant 80 : i32
      %mul3A_95 = arith.muli %add3A_93, %mul3A_94 : i32
      %add3A_96 = arith.addi %mul3A_6, %mul3A_95 : i32
      %dma_start3A_97 = tpu.memref_slice %arg4[%add3A_96] : memref<320080xi32, #tpu.memory_space<hbm>> -> memref<80xi32, #tpu.memory_space<hbm>>
      %dma_start3A_98 = tpu.memref_slice %arg4[%add3A_96] : memref<320080xi32, #tpu.memory_space<hbm>> -> memref<80xi32, #tpu.memory_space<hbm>>
      tpu.enqueue_dma source(%dma_start3A_98 : memref<80xi32, #tpu.memory_space<hbm>>) target(%arg10 : memref<80xi32, #tpu.memory_space<vmem>>) target_semaphore(%arg17 : memref<!tpu.dma_semaphore, #tpu.memory_space<semaphore_mem>>)
    }
    %scan3A_31 = arith.constant 62 : i32
    %dma_wait3A_32 = arith.constant 0 : i32
    %dma_wait3A_33 = arith.constant 0 : i32
    %dma_wait3A_34 = tpu.memref_slice %arg2[%dma_wait3A_32, %dma_wait3A_33] : memref<10240x128xf32, #tpu.memory_space<hbm>> -> memref<10240x128xf32, #tpu.memory_space<hbm>>
    tpu.wait_indirect_dma semaphore(%arg14 : memref<!tpu.dma_semaphore, #tpu.memory_space<semaphore_mem>>) src(%dma_wait3A_34 : memref<10240x128xf32, #tpu.memory_space<hbm>>) dst(%arg11 : memref<80x128xf32, #tpu.memory_space<vmem>>)
    "tpu.region"() ({
      %run_scoped3A = tpu.sem_alloc : memref<!tpu.dma_semaphore, #tpu.memory_space<semaphore_mem>>
      %dma_start3A_44 = arith.constant 0 : i32
      %dma_start3A_45 = arith.constant 0 : i32
      %dma_start3A_46 = tpu.memref_slice %arg13[%dma_start3A_44, %dma_start3A_45] : memref<10240x128xf32, #tpu.memory_space<vmem_shared>> -> memref<10240x128xf32, #tpu.memory_space<vmem_shared>>
      tpu.enqueue_indirect_dma source(%arg11 : memref<80x128xf32, #tpu.memory_space<vmem>>) target(%dma_start3A_46 : memref<10240x128xf32, #tpu.memory_space<vmem_shared>>) offsets(%arg8 : memref<80xi32, #tpu.memory_space<vmem>>) semaphore(%run_scoped3A : memref<!tpu.dma_semaphore, #tpu.memory_space<semaphore_mem>>) {add = true}
      %dma_wait3A_47 = arith.constant 0 : i32
      %dma_wait3A_48 = arith.constant 0 : i32
      %dma_wait3A_49 = tpu.memref_slice %arg13[%dma_wait3A_47, %dma_wait3A_48] : memref<10240x128xf32, #tpu.memory_space<vmem_shared>> -> memref<10240x128xf32, #tpu.memory_space<vmem_shared>>
      tpu.wait_indirect_dma semaphore(%run_scoped3A : memref<!tpu.dma_semaphore, #tpu.memory_space<semaphore_mem>>) src(%arg11 : memref<80x128xf32, #tpu.memory_space<vmem>>) dst(%dma_wait3A_49 : memref<10240x128xf32, #tpu.memory_space<vmem_shared>>)
      tpu.yield
    }) : () -> ()
    %dma_wait3A_35 = tpu.memref_slice %arg3[%mul3A_6] : memref<320080xi32, #tpu.memory_space<hbm>> -> memref<80xi32, #tpu.memory_space<hbm>>
    %dma_wait3A_36 = tpu.memref_slice %arg3[%mul3A_6] : memref<320080xi32, #tpu.memory_space<hbm>> -> memref<80xi32, #tpu.memory_space<hbm>>
    tpu.wait_dma2 semaphore(%arg17 : memref<!tpu.dma_semaphore, #tpu.memory_space<semaphore_mem>>) src(%dma_wait3A_36 : memref<80xi32, #tpu.memory_space<hbm>>) dst(%arg9 : memref<80xi32, #tpu.memory_space<vmem>>)
    %dma_wait3A_37 = tpu.memref_slice %arg4[%mul3A_6] : memref<320080xi32, #tpu.memory_space<hbm>> -> memref<80xi32, #tpu.memory_space<hbm>>
    %dma_wait3A_38 = tpu.memref_slice %arg4[%mul3A_6] : memref<320080xi32, #tpu.memory_space<hbm>> -> memref<80xi32, #tpu.memory_space<hbm>>
    tpu.wait_dma2 semaphore(%arg17 : memref<!tpu.dma_semaphore, #tpu.memory_space<semaphore_mem>>) src(%dma_wait3A_38 : memref<80xi32, #tpu.memory_space<hbm>>) dst(%arg10 : memref<80xi32, #tpu.memory_space<vmem>>)
    %barrier3A_39 = arith.constant 0 : index
    tpu.barrier barrier_id(%barrier3A_39)
    %mul3A_40 = arith.constant 640 : i32
    %mul3A_41 = arith.muli %arg1, %mul3A_40 : i32
    %mul3A_42 = arith.constant 640 : i32
    %mul3A_43 = arith.muli %arg1, %mul3A_42 : i32
    "tpu.region"() ({
      %run_scoped3A = tpu.sem_alloc : memref<!tpu.dma_semaphore, #tpu.memory_space<semaphore_mem>>
      %dma_start3A_44 = arith.constant 0 : i32
      %dma_start3A_45 = tpu.memref_slice %arg6[%arg0, %mul3A_43, %dma_start3A_44] : memref<2x10240x128xf32, #tpu.memory_space<hbm>> -> memref<1x640x128xf32, #tpu.memory_space<hbm>>
      %dma_start3A_46 = tpu.memref_squeeze %dma_start3A_45 : memref<1x640x128xf32, #tpu.memory_space<hbm>> -> memref<640x128xf32, #tpu.memory_space<hbm>>
      %dma_start3A_47 = arith.constant 0 : i32
      %dma_start3A_48 = tpu.memref_slice %arg13[%mul3A_41, %dma_start3A_47] : memref<10240x128xf32, #tpu.memory_space<vmem_shared>> -> memref<640x128xf32, #tpu.memory_space<vmem_shared>>
      tpu.enqueue_dma source(%dma_start3A_48 : memref<640x128xf32, #tpu.memory_space<vmem_shared>>) target(%dma_start3A_46 : memref<640x128xf32, #tpu.memory_space<hbm>>) target_semaphore(%run_scoped3A : memref<!tpu.dma_semaphore, #tpu.memory_space<semaphore_mem>>)
      %dma_wait3A_49 = arith.constant 0 : i32
      %dma_wait3A_50 = tpu.memref_slice %arg6[%arg0, %mul3A_43, %dma_wait3A_49] : memref<2x10240x128xf32, #tpu.memory_space<hbm>> -> memref<1x640x128xf32, #tpu.memory_space<hbm>>
      %dma_wait3A_51 = tpu.memref_squeeze %dma_wait3A_50 : memref<1x640x128xf32, #tpu.memory_space<hbm>> -> memref<640x128xf32, #tpu.memory_space<hbm>>
      %dma_wait3A_52 = arith.constant 0 : i32
      %dma_wait3A_53 = tpu.memref_slice %arg13[%mul3A_41, %dma_wait3A_52] : memref<10240x128xf32, #tpu.memory_space<vmem_shared>> -> memref<640x128xf32, #tpu.memory_space<vmem_shared>>
      tpu.wait_dma2 semaphore(%run_scoped3A : memref<!tpu.dma_semaphore, #tpu.memory_space<semaphore_mem>>) src(%dma_wait3A_53 : memref<640x128xf32, #tpu.memory_space<vmem_shared>>) dst(%dma_wait3A_51 : memref<640x128xf32, #tpu.memory_space<hbm>>)
      tpu.yield
    }) : () -> ()
    return
  }
}

#map = affine_map<(d0, d1) -> (0, 0)>
#map1 = affine_map<(d0, d1) -> (0)>
#map2 = affine_map<(d0, d1) -> (0, 0, 0)>
module attributes {stable_mosaic.version = 14 : i64} {
  func.func @agg_kernel(%arg0: i32, %arg1: i32, %arg2: memref<10240x128xf32, #tpu.memory_space<hbm>>, %arg3: memref<320080xi32, #tpu.memory_space<hbm>>, %arg4: memref<320080xi32, #tpu.memory_space<hbm>>, %arg5: memref<10240x128xf32, #tpu.memory_space<hbm>>, %arg6: memref<2x10240x128xf32, #tpu.memory_space<hbm>>, %arg7: memref<80xi32, #tpu.memory_space<vmem>>, %arg8: memref<80xi32, #tpu.memory_space<vmem>>, %arg9: memref<80xi32, #tpu.memory_space<vmem>>, %arg10: memref<80xi32, #tpu.memory_space<vmem>>, %arg11: memref<80x128xf32, #tpu.memory_space<vmem>>, %arg12: memref<80x128xf32, #tpu.memory_space<vmem>>, %arg13: memref<10240x128xf32, #tpu.memory_space<vmem_shared>>, %arg14: memref<!tpu.dma_semaphore, #tpu.memory_space<semaphore_mem>>, %arg15: memref<!tpu.dma_semaphore, #tpu.memory_space<semaphore_mem>>, %arg16: memref<!tpu.dma_semaphore, #tpu.memory_space<semaphore_mem>>, %arg17: memref<!tpu.dma_semaphore, #tpu.memory_space<semaphore_mem>>) attributes {dimension_semantics = [#tpu.dimension_semantics<core_parallel>, #tpu.dimension_semantics<subcore_parallel>], iteration_bounds = array<i64: 2, 16>, scalar_prefetch = 0 : i64, scratch_operands = 11 : i64, tpu.core_type = #tpu.core_type<sc_vector_subcore>, window_params = [{transform_indices = #map}, {transform_indices = #map1}, {transform_indices = #map1}, {transform_indices = #map}, {transform_indices = #map2}]} {
    %mul3A = arith.constant 640 : i32
    %mul3A_0 = arith.muli %arg1, %mul3A : i32
    %mul3A_1 = arith.constant 640 : i32
    %mul3A_2 = arith.muli %arg1, %mul3A_1 : i32
    "tpu.region"() ({
      %run_scoped3A = tpu.sem_alloc : memref<!tpu.dma_semaphore, #tpu.memory_space<semaphore_mem>>
      %dma_start3A_44 = arith.constant 0 : i32
      %dma_start3A_45 = tpu.memref_slice %arg13[%mul3A_2, %dma_start3A_44] : memref<10240x128xf32, #tpu.memory_space<vmem_shared>> -> memref<640x128xf32, #tpu.memory_space<vmem_shared>>
      %dma_start3A_46 = arith.constant 0 : i32
      %dma_start3A_47 = tpu.memref_slice %arg5[%mul3A_0, %dma_start3A_46] : memref<10240x128xf32, #tpu.memory_space<hbm>> -> memref<640x128xf32, #tpu.memory_space<hbm>>
      tpu.enqueue_dma source(%dma_start3A_47 : memref<640x128xf32, #tpu.memory_space<hbm>>) target(%dma_start3A_45 : memref<640x128xf32, #tpu.memory_space<vmem_shared>>) target_semaphore(%run_scoped3A : memref<!tpu.dma_semaphore, #tpu.memory_space<semaphore_mem>>)
      %dma_wait3A_48 = arith.constant 0 : i32
      %dma_wait3A_49 = tpu.memref_slice %arg13[%mul3A_2, %dma_wait3A_48] : memref<10240x128xf32, #tpu.memory_space<vmem_shared>> -> memref<640x128xf32, #tpu.memory_space<vmem_shared>>
      %dma_wait3A_50 = arith.constant 0 : i32
      %dma_wait3A_51 = tpu.memref_slice %arg5[%mul3A_0, %dma_wait3A_50] : memref<10240x128xf32, #tpu.memory_space<hbm>> -> memref<640x128xf32, #tpu.memory_space<hbm>>
      tpu.wait_dma2 semaphore(%run_scoped3A : memref<!tpu.dma_semaphore, #tpu.memory_space<semaphore_mem>>) src(%dma_wait3A_51 : memref<640x128xf32, #tpu.memory_space<hbm>>) dst(%dma_wait3A_49 : memref<640x128xf32, #tpu.memory_space<vmem_shared>>)
      tpu.yield
    }) : () -> ()
    %mul3A_3 = arith.constant 16 : i32
    %mul3A_4 = arith.muli %arg0, %mul3A_3 : i32
    %add3A = arith.addi %mul3A_4, %arg1 : i32
    %mul3A_5 = arith.constant 10000 : i32
    %mul3A_6 = arith.muli %add3A, %mul3A_5 : i32
    %barrier3A = arith.constant 0 : index
    tpu.barrier barrier_id(%barrier3A)
    %add3A_7 = arith.constant 0 : i32
    %add3A_8 = arith.addi %mul3A_6, %add3A_7 : i32
    %dma_start3A = tpu.memref_slice %arg3[%add3A_8] : memref<320080xi32, #tpu.memory_space<hbm>> -> memref<80xi32, #tpu.memory_space<hbm>>
    %dma_start3A_9 = tpu.memref_slice %arg3[%add3A_8] : memref<320080xi32, #tpu.memory_space<hbm>> -> memref<80xi32, #tpu.memory_space<hbm>>
    tpu.enqueue_dma source(%dma_start3A_9 : memref<80xi32, #tpu.memory_space<hbm>>) target(%arg7 : memref<80xi32, #tpu.memory_space<vmem>>) target_semaphore(%arg16 : memref<!tpu.dma_semaphore, #tpu.memory_space<semaphore_mem>>)
    %add3A_10 = arith.constant 0 : i32
    %add3A_11 = arith.addi %mul3A_6, %add3A_10 : i32
    %dma_start3A_12 = tpu.memref_slice %arg4[%add3A_11] : memref<320080xi32, #tpu.memory_space<hbm>> -> memref<80xi32, #tpu.memory_space<hbm>>
    %dma_start3A_13 = tpu.memref_slice %arg4[%add3A_11] : memref<320080xi32, #tpu.memory_space<hbm>> -> memref<80xi32, #tpu.memory_space<hbm>>
    tpu.enqueue_dma source(%dma_start3A_13 : memref<80xi32, #tpu.memory_space<hbm>>) target(%arg8 : memref<80xi32, #tpu.memory_space<vmem>>) target_semaphore(%arg16 : memref<!tpu.dma_semaphore, #tpu.memory_space<semaphore_mem>>)
    %dma_wait3A = tpu.memref_slice %arg3[%mul3A_6] : memref<320080xi32, #tpu.memory_space<hbm>> -> memref<80xi32, #tpu.memory_space<hbm>>
    %dma_wait3A_14 = tpu.memref_slice %arg3[%mul3A_6] : memref<320080xi32, #tpu.memory_space<hbm>> -> memref<80xi32, #tpu.memory_space<hbm>>
    tpu.wait_dma2 semaphore(%arg16 : memref<!tpu.dma_semaphore, #tpu.memory_space<semaphore_mem>>) src(%dma_wait3A_14 : memref<80xi32, #tpu.memory_space<hbm>>) dst(%arg7 : memref<80xi32, #tpu.memory_space<vmem>>)
    %dma_wait3A_15 = tpu.memref_slice %arg4[%mul3A_6] : memref<320080xi32, #tpu.memory_space<hbm>> -> memref<80xi32, #tpu.memory_space<hbm>>
    %dma_wait3A_16 = tpu.memref_slice %arg4[%mul3A_6] : memref<320080xi32, #tpu.memory_space<hbm>> -> memref<80xi32, #tpu.memory_space<hbm>>
    tpu.wait_dma2 semaphore(%arg16 : memref<!tpu.dma_semaphore, #tpu.memory_space<semaphore_mem>>) src(%dma_wait3A_16 : memref<80xi32, #tpu.memory_space<hbm>>) dst(%arg8 : memref<80xi32, #tpu.memory_space<vmem>>)
    %dma_start3A_17 = arith.constant 0 : i32
    %dma_start3A_18 = arith.constant 0 : i32
    %dma_start3A_19 = tpu.memref_slice %arg2[%dma_start3A_17, %dma_start3A_18] : memref<10240x128xf32, #tpu.memory_space<hbm>> -> memref<10240x128xf32, #tpu.memory_space<hbm>>
    tpu.enqueue_indirect_dma source(%dma_start3A_19 : memref<10240x128xf32, #tpu.memory_space<hbm>>) target(%arg11 : memref<80x128xf32, #tpu.memory_space<vmem>>) offsets(%arg7 : memref<80xi32, #tpu.memory_space<vmem>>) semaphore(%arg14 : memref<!tpu.dma_semaphore, #tpu.memory_space<semaphore_mem>>)
    %add3A_20 = arith.constant 80 : i32
    %add3A_21 = arith.addi %mul3A_6, %add3A_20 : i32
    %dma_start3A_22 = tpu.memref_slice %arg3[%add3A_21] : memref<320080xi32, #tpu.memory_space<hbm>> -> memref<80xi32, #tpu.memory_space<hbm>>
    %dma_start3A_23 = tpu.memref_slice %arg3[%add3A_21] : memref<320080xi32, #tpu.memory_space<hbm>> -> memref<80xi32, #tpu.memory_space<hbm>>
    tpu.enqueue_dma source(%dma_start3A_23 : memref<80xi32, #tpu.memory_space<hbm>>) target(%arg9 : memref<80xi32, #tpu.memory_space<vmem>>) target_semaphore(%arg17 : memref<!tpu.dma_semaphore, #tpu.memory_space<semaphore_mem>>)
    %add3A_24 = arith.constant 80 : i32
    %add3A_25 = arith.addi %mul3A_6, %add3A_24 : i32
    %dma_start3A_26 = tpu.memref_slice %arg4[%add3A_25] : memref<320080xi32, #tpu.memory_space<hbm>> -> memref<80xi32, #tpu.memory_space<hbm>>
    %dma_start3A_27 = tpu.memref_slice %arg4[%add3A_25] : memref<320080xi32, #tpu.memory_space<hbm>> -> memref<80xi32, #tpu.memory_space<hbm>>
    tpu.enqueue_dma source(%dma_start3A_27 : memref<80xi32, #tpu.memory_space<hbm>>) target(%arg10 : memref<80xi32, #tpu.memory_space<vmem>>) target_semaphore(%arg17 : memref<!tpu.dma_semaphore, #tpu.memory_space<semaphore_mem>>)
    %scan3A = arith.constant 0 : i32
    %scan3A_28 = arith.constant 62 : i32
    %scan3A_29 = arith.addi %scan3A, %scan3A_28 : i32
    %scan3A_30 = arith.constant 1 : i32
    scf.for %scan3A_44 = %scan3A to %scan3A_29 step %scan3A_30  : i32 {
      %mul3A_45 = arith.constant 1 : i32
      %mul3A_46 = arith.muli %scan3A_44, %mul3A_45 : i32
      %add3A_47 = arith.constant 0 : i32
      %add3A_48 = arith.addi %add3A_47, %mul3A_46 : i32
      %mul3A_49 = arith.constant 2 : i32
      %mul3A_50 = arith.muli %add3A_48, %mul3A_49 : i32
      %add3A_51 = arith.constant 1 : i32
      %add3A_52 = arith.addi %mul3A_50, %add3A_51 : i32
      %dma_wait3A_53 = tpu.memref_slice %arg3[%mul3A_6] : memref<320080xi32, #tpu.memory_space<hbm>> -> memref<80xi32, #tpu.memory_space<hbm>>
      %dma_wait3A_54 = tpu.memref_slice %arg3[%mul3A_6] : memref<320080xi32, #tpu.memory_space<hbm>> -> memref<80xi32, #tpu.memory_space<hbm>>
      tpu.wait_dma2 semaphore(%arg17 : memref<!tpu.dma_semaphore, #tpu.memory_space<semaphore_mem>>) src(%dma_wait3A_54 : memref<80xi32, #tpu.memory_space<hbm>>) dst(%arg9 : memref<80xi32, #tpu.memory_space<vmem>>)
      %dma_wait3A_55 = tpu.memref_slice %arg4[%mul3A_6] : memref<320080xi32, #tpu.memory_space<hbm>> -> memref<80xi32, #tpu.memory_space<hbm>>
      %dma_wait3A_56 = tpu.memref_slice %arg4[%mul3A_6] : memref<320080xi32, #tpu.memory_space<hbm>> -> memref<80xi32, #tpu.memory_space<hbm>>
      tpu.wait_dma2 semaphore(%arg17 : memref<!tpu.dma_semaphore, #tpu.memory_space<semaphore_mem>>) src(%dma_wait3A_56 : memref<80xi32, #tpu.memory_space<hbm>>) dst(%arg10 : memref<80xi32, #tpu.memory_space<vmem>>)
      %dma_start3A_57 = arith.constant 0 : i32
      %dma_start3A_58 = arith.constant 0 : i32
      %dma_start3A_59 = tpu.memref_slice %arg2[%dma_start3A_57, %dma_start3A_58] : memref<10240x128xf32, #tpu.memory_space<hbm>> -> memref<10240x128xf32, #tpu.memory_space<hbm>>
      tpu.enqueue_indirect_dma source(%dma_start3A_59 : memref<10240x128xf32, #tpu.memory_space<hbm>>) target(%arg12 : memref<80x128xf32, #tpu.memory_space<vmem>>) offsets(%arg9 : memref<80xi32, #tpu.memory_space<vmem>>) semaphore(%arg15 : memref<!tpu.dma_semaphore, #tpu.memory_space<semaphore_mem>>)
      %dma_wait3A_60 = arith.constant 0 : i32
      %dma_wait3A_61 = arith.constant 0 : i32
      %dma_wait3A_62 = tpu.memref_slice %arg2[%dma_wait3A_60, %dma_wait3A_61] : memref<10240x128xf32, #tpu.memory_space<hbm>> -> memref<10240x128xf32, #tpu.memory_space<hbm>>
      tpu.wait_indirect_dma semaphore(%arg14 : memref<!tpu.dma_semaphore, #tpu.memory_space<semaphore_mem>>) src(%dma_wait3A_62 : memref<10240x128xf32, #tpu.memory_space<hbm>>) dst(%arg11 : memref<80x128xf32, #tpu.memory_space<vmem>>)
      "tpu.region"() ({
        %run_scoped3A = tpu.sem_alloc : memref<!tpu.dma_semaphore, #tpu.memory_space<semaphore_mem>>
        %dma_start3A_99 = arith.constant 0 : i32
        %dma_start3A_100 = arith.constant 0 : i32
        %dma_start3A_101 = tpu.memref_slice %arg13[%dma_start3A_99, %dma_start3A_100] : memref<10240x128xf32, #tpu.memory_space<vmem_shared>> -> memref<10240x128xf32, #tpu.memory_space<vmem_shared>>
        tpu.enqueue_indirect_dma source(%arg11 : memref<80x128xf32, #tpu.memory_space<vmem>>) target(%dma_start3A_101 : memref<10240x128xf32, #tpu.memory_space<vmem_shared>>) offsets(%arg8 : memref<80xi32, #tpu.memory_space<vmem>>) semaphore(%run_scoped3A : memref<!tpu.dma_semaphore, #tpu.memory_space<semaphore_mem>>) {add = true}
        %dma_wait3A_102 = arith.constant 0 : i32
        %dma_wait3A_103 = arith.constant 0 : i32
        %dma_wait3A_104 = tpu.memref_slice %arg13[%dma_wait3A_102, %dma_wait3A_103] : memref<10240x128xf32, #tpu.memory_space<vmem_shared>> -> memref<10240x128xf32, #tpu.memory_space<vmem_shared>>
        tpu.wait_indirect_dma semaphore(%run_scoped3A : memref<!tpu.dma_semaphore, #tpu.memory_space<semaphore_mem>>) src(%arg11 : memref<80x128xf32, #tpu.memory_space<vmem>>) dst(%dma_wait3A_104 : memref<10240x128xf32, #tpu.memory_space<vmem_shared>>)
        tpu.yield
      }) : () -> ()
      %add3A_63 = arith.constant 1 : i32
      %add3A_64 = arith.addi %add3A_52, %add3A_63 : i32
      %mul3A_65 = arith.constant 80 : i32
      %mul3A_66 = arith.muli %add3A_64, %mul3A_65 : i32
      %add3A_67 = arith.addi %mul3A_6, %mul3A_66 : i32
      %dma_start3A_68 = tpu.memref_slice %arg3[%add3A_67] : memref<320080xi32, #tpu.memory_space<hbm>> -> memref<80xi32, #tpu.memory_space<hbm>>
      %dma_start3A_69 = tpu.memref_slice %arg3[%add3A_67] : memref<320080xi32, #tpu.memory_space<hbm>> -> memref<80xi32, #tpu.memory_space<hbm>>
      tpu.enqueue_dma source(%dma_start3A_69 : memref<80xi32, #tpu.memory_space<hbm>>) target(%arg7 : memref<80xi32, #tpu.memory_space<vmem>>) target_semaphore(%arg16 : memref<!tpu.dma_semaphore, #tpu.memory_space<semaphore_mem>>)
      %mul3A_70 = arith.constant 80 : i32
      %mul3A_71 = arith.muli %add3A_64, %mul3A_70 : i32
      %add3A_72 = arith.addi %mul3A_6, %mul3A_71 : i32
      %dma_start3A_73 = tpu.memref_slice %arg4[%add3A_72] : memref<320080xi32, #tpu.memory_space<hbm>> -> memref<80xi32, #tpu.memory_space<hbm>>
      %dma_start3A_74 = tpu.memref_slice %arg4[%add3A_72] : memref<320080xi32, #tpu.memory_space<hbm>> -> memref<80xi32, #tpu.memory_space<hbm>>
      tpu.enqueue_dma source(%dma_start3A_74 : memref<80xi32, #tpu.memory_space<hbm>>) target(%arg8 : memref<80xi32, #tpu.memory_space<vmem>>) target_semaphore(%arg16 : memref<!tpu.dma_semaphore, #tpu.memory_space<semaphore_mem>>)
      %dma_wait3A_75 = tpu.memref_slice %arg3[%mul3A_6] : memref<320080xi32, #tpu.memory_space<hbm>> -> memref<80xi32, #tpu.memory_space<hbm>>
      %dma_wait3A_76 = tpu.memref_slice %arg3[%mul3A_6] : memref<320080xi32, #tpu.memory_space<hbm>> -> memref<80xi32, #tpu.memory_space<hbm>>
      tpu.wait_dma2 semaphore(%arg16 : memref<!tpu.dma_semaphore, #tpu.memory_space<semaphore_mem>>) src(%dma_wait3A_76 : memref<80xi32, #tpu.memory_space<hbm>>) dst(%arg7 : memref<80xi32, #tpu.memory_space<vmem>>)
      %dma_wait3A_77 = tpu.memref_slice %arg4[%mul3A_6] : memref<320080xi32, #tpu.memory_space<hbm>> -> memref<80xi32, #tpu.memory_space<hbm>>
      %dma_wait3A_78 = tpu.memref_slice %arg4[%mul3A_6] : memref<320080xi32, #tpu.memory_space<hbm>> -> memref<80xi32, #tpu.memory_space<hbm>>
      tpu.wait_dma2 semaphore(%arg16 : memref<!tpu.dma_semaphore, #tpu.memory_space<semaphore_mem>>) src(%dma_wait3A_78 : memref<80xi32, #tpu.memory_space<hbm>>) dst(%arg8 : memref<80xi32, #tpu.memory_space<vmem>>)
      %dma_start3A_79 = arith.constant 0 : i32
      %dma_start3A_80 = arith.constant 0 : i32
      %dma_start3A_81 = tpu.memref_slice %arg2[%dma_start3A_79, %dma_start3A_80] : memref<10240x128xf32, #tpu.memory_space<hbm>> -> memref<10240x128xf32, #tpu.memory_space<hbm>>
      tpu.enqueue_indirect_dma source(%dma_start3A_81 : memref<10240x128xf32, #tpu.memory_space<hbm>>) target(%arg11 : memref<80x128xf32, #tpu.memory_space<vmem>>) offsets(%arg7 : memref<80xi32, #tpu.memory_space<vmem>>) semaphore(%arg14 : memref<!tpu.dma_semaphore, #tpu.memory_space<semaphore_mem>>)
      %dma_wait3A_82 = arith.constant 0 : i32
      %dma_wait3A_83 = arith.constant 0 : i32
      %dma_wait3A_84 = tpu.memref_slice %arg2[%dma_wait3A_82, %dma_wait3A_83] : memref<10240x128xf32, #tpu.memory_space<hbm>> -> memref<10240x128xf32, #tpu.memory_space<hbm>>
      tpu.wait_indirect_dma semaphore(%arg15 : memref<!tpu.dma_semaphore, #tpu.memory_space<semaphore_mem>>) src(%dma_wait3A_84 : memref<10240x128xf32, #tpu.memory_space<hbm>>) dst(%arg12 : memref<80x128xf32, #tpu.memory_space<vmem>>)
      "tpu.region"() ({
        %run_scoped3A = tpu.sem_alloc : memref<!tpu.dma_semaphore, #tpu.memory_space<semaphore_mem>>
        %dma_start3A_99 = arith.constant 0 : i32
        %dma_start3A_100 = arith.constant 0 : i32
        %dma_start3A_101 = tpu.memref_slice %arg13[%dma_start3A_99, %dma_start3A_100] : memref<10240x128xf32, #tpu.memory_space<vmem_shared>> -> memref<10240x128xf32, #tpu.memory_space<vmem_shared>>
        tpu.enqueue_indirect_dma source(%arg12 : memref<80x128xf32, #tpu.memory_space<vmem>>) target(%dma_start3A_101 : memref<10240x128xf32, #tpu.memory_space<vmem_shared>>) offsets(%arg10 : memref<80xi32, #tpu.memory_space<vmem>>) semaphore(%run_scoped3A : memref<!tpu.dma_semaphore, #tpu.memory_space<semaphore_mem>>) {add = true}
        %dma_wait3A_102 = arith.constant 0 : i32
        %dma_wait3A_103 = arith.constant 0 : i32
        %dma_wait3A_104 = tpu.memref_slice %arg13[%dma_wait3A_102, %dma_wait3A_103] : memref<10240x128xf32, #tpu.memory_space<vmem_shared>> -> memref<10240x128xf32, #tpu.memory_space<vmem_shared>>
        tpu.wait_indirect_dma semaphore(%run_scoped3A : memref<!tpu.dma_semaphore, #tpu.memory_space<semaphore_mem>>) src(%arg12 : memref<80x128xf32, #tpu.memory_space<vmem>>) dst(%dma_wait3A_104 : memref<10240x128xf32, #tpu.memory_space<vmem_shared>>)
        tpu.yield
      }) : () -> ()
      %add3A_85 = arith.constant 2 : i32
      %add3A_86 = arith.addi %add3A_52, %add3A_85 : i32
      %mul3A_87 = arith.constant 80 : i32
      %mul3A_88 = arith.muli %add3A_86, %mul3A_87 : i32
      %add3A_89 = arith.addi %mul3A_6, %mul3A_88 : i32
      %dma_start3A_90 = tpu.memref_slice %arg3[%add3A_89] : memref<320080xi32, #tpu.memory_space<hbm>> -> memref<80xi32, #tpu.memory_space<hbm>>
      %dma_start3A_91 = tpu.memref_slice %arg3[%add3A_89] : memref<320080xi32, #tpu.memory_space<hbm>> -> memref<80xi32, #tpu.memory_space<hbm>>
      tpu.enqueue_dma source(%dma_start3A_91 : memref<80xi32, #tpu.memory_space<hbm>>) target(%arg9 : memref<80xi32, #tpu.memory_space<vmem>>) target_semaphore(%arg17 : memref<!tpu.dma_semaphore, #tpu.memory_space<semaphore_mem>>)
      %add3A_92 = arith.constant 2 : i32
      %add3A_93 = arith.addi %add3A_52, %add3A_92 : i32
      %mul3A_94 = arith.constant 80 : i32
      %mul3A_95 = arith.muli %add3A_93, %mul3A_94 : i32
      %add3A_96 = arith.addi %mul3A_6, %mul3A_95 : i32
      %dma_start3A_97 = tpu.memref_slice %arg4[%add3A_96] : memref<320080xi32, #tpu.memory_space<hbm>> -> memref<80xi32, #tpu.memory_space<hbm>>
      %dma_start3A_98 = tpu.memref_slice %arg4[%add3A_96] : memref<320080xi32, #tpu.memory_space<hbm>> -> memref<80xi32, #tpu.memory_space<hbm>>
      tpu.enqueue_dma source(%dma_start3A_98 : memref<80xi32, #tpu.memory_space<hbm>>) target(%arg10 : memref<80xi32, #tpu.memory_space<vmem>>) target_semaphore(%arg17 : memref<!tpu.dma_semaphore, #tpu.memory_space<semaphore_mem>>)
    }
    %scan3A_31 = arith.constant 62 : i32
    %dma_wait3A_32 = arith.constant 0 : i32
    %dma_wait3A_33 = arith.constant 0 : i32
    %dma_wait3A_34 = tpu.memref_slice %arg2[%dma_wait3A_32, %dma_wait3A_33] : memref<10240x128xf32, #tpu.memory_space<hbm>> -> memref<10240x128xf32, #tpu.memory_space<hbm>>
    tpu.wait_indirect_dma semaphore(%arg14 : memref<!tpu.dma_semaphore, #tpu.memory_space<semaphore_mem>>) src(%dma_wait3A_34 : memref<10240x128xf32, #tpu.memory_space<hbm>>) dst(%arg11 : memref<80x128xf32, #tpu.memory_space<vmem>>)
    "tpu.region"() ({
      %run_scoped3A = tpu.sem_alloc : memref<!tpu.dma_semaphore, #tpu.memory_space<semaphore_mem>>
      %dma_start3A_44 = arith.constant 0 : i32
      %dma_start3A_45 = arith.constant 0 : i32
      %dma_start3A_46 = tpu.memref_slice %arg13[%dma_start3A_44, %dma_start3A_45] : memref<10240x128xf32, #tpu.memory_space<vmem_shared>> -> memref<10240x128xf32, #tpu.memory_space<vmem_shared>>
      tpu.enqueue_indirect_dma source(%arg11 : memref<80x128xf32, #tpu.memory_space<vmem>>) target(%dma_start3A_46 : memref<10240x128xf32, #tpu.memory_space<vmem_shared>>) offsets(%arg8 : memref<80xi32, #tpu.memory_space<vmem>>) semaphore(%run_scoped3A : memref<!tpu.dma_semaphore, #tpu.memory_space<semaphore_mem>>) {add = true}
      %dma_wait3A_47 = arith.constant 0 : i32
      %dma_wait3A_48 = arith.constant 0 : i32
      %dma_wait3A_49 = tpu.memref_slice %arg13[%dma_wait3A_47, %dma_wait3A_48] : memref<10240x128xf32, #tpu.memory_space<vmem_shared>> -> memref<10240x128xf32, #tpu.memory_space<vmem_shared>>
      tpu.wait_indirect_dma semaphore(%run_scoped3A : memref<!tpu.dma_semaphore, #tpu.memory_space<semaphore_mem>>) src(%arg11 : memref<80x128xf32, #tpu.memory_space<vmem>>) dst(%dma_wait3A_49 : memref<10240x128xf32, #tpu.memory_space<vmem_shared>>)
      tpu.yield
    }) : () -> ()
    %dma_wait3A_35 = tpu.memref_slice %arg3[%mul3A_6] : memref<320080xi32, #tpu.memory_space<hbm>> -> memref<80xi32, #tpu.memory_space<hbm>>
    %dma_wait3A_36 = tpu.memref_slice %arg3[%mul3A_6] : memref<320080xi32, #tpu.memory_space<hbm>> -> memref<80xi32, #tpu.memory_space<hbm>>
    tpu.wait_dma2 semaphore(%arg17 : memref<!tpu.dma_semaphore, #tpu.memory_space<semaphore_mem>>) src(%dma_wait3A_36 : memref<80xi32, #tpu.memory_space<hbm>>) dst(%arg9 : memref<80xi32, #tpu.memory_space<vmem>>)
    %dma_wait3A_37 = tpu.memref_slice %arg4[%mul3A_6] : memref<320080xi32, #tpu.memory_space<hbm>> -> memref<80xi32, #tpu.memory_space<hbm>>
    %dma_wait3A_38 = tpu.memref_slice %arg4[%mul3A_6] : memref<320080xi32, #tpu.memory_space<hbm>> -> memref<80xi32, #tpu.memory_space<hbm>>
    tpu.wait_dma2 semaphore(%arg17 : memref<!tpu.dma_semaphore, #tpu.memory_space<semaphore_mem>>) src(%dma_wait3A_38 : memref<80xi32, #tpu.memory_space<hbm>>) dst(%arg10 : memref<80xi32, #tpu.memory_space<vmem>>)
    %barrier3A_39 = arith.constant 0 : index
    tpu.barrier barrier_id(%barrier3A_39)
    %mul3A_40 = arith.constant 640 : i32
    %mul3A_41 = arith.muli %arg1, %mul3A_40 : i32
    %mul3A_42 = arith.constant 640 : i32
    %mul3A_43 = arith.muli %arg1, %mul3A_42 : i32
    "tpu.region"() ({
      %run_scoped3A = tpu.sem_alloc : memref<!tpu.dma_semaphore, #tpu.memory_space<semaphore_mem>>
      %dma_start3A_44 = arith.constant 0 : i32
      %dma_start3A_45 = tpu.memref_slice %arg6[%arg0, %mul3A_43, %dma_start3A_44] : memref<2x10240x128xf32, #tpu.memory_space<hbm>> -> memref<1x640x128xf32, #tpu.memory_space<hbm>>
      %dma_start3A_46 = tpu.memref_squeeze %dma_start3A_45 : memref<1x640x128xf32, #tpu.memory_space<hbm>> -> memref<640x128xf32, #tpu.memory_space<hbm>>
      %dma_start3A_47 = arith.constant 0 : i32
      %dma_start3A_48 = tpu.memref_slice %arg13[%mul3A_41, %dma_start3A_47] : memref<10240x128xf32, #tpu.memory_space<vmem_shared>> -> memref<640x128xf32, #tpu.memory_space<vmem_shared>>
      tpu.enqueue_dma source(%dma_start3A_48 : memref<640x128xf32, #tpu.memory_space<vmem_shared>>) target(%dma_start3A_46 : memref<640x128xf32, #tpu.memory_space<hbm>>) target_semaphore(%run_scoped3A : memref<!tpu.dma_semaphore, #tpu.memory_space<semaphore_mem>>)
      %dma_wait3A_49 = arith.constant 0 : i32
      %dma_wait3A_50 = tpu.memref_slice %arg6[%arg0, %mul3A_43, %dma_wait3A_49] : memref<2x10240x128xf32, #tpu.memory_space<hbm>> -> memref<1x640x128xf32, #tpu.memory_space<hbm>>
      %dma_wait3A_51 = tpu.memref_squeeze %dma_wait3A_50 : memref<1x640x128xf32, #tpu.memory_space<hbm>> -> memref<640x128xf32, #tpu.memory_space<hbm>>
      %dma_wait3A_52 = arith.constant 0 : i32
      %dma_wait3A_53 = tpu.memref_slice %arg13[%mul3A_41, %dma_wait3A_52] : memref<10240x128xf32, #tpu.memory_space<vmem_shared>> -> memref<640x128xf32, #tpu.memory_space<vmem_shared>>
      tpu.wait_dma2 semaphore(%run_scoped3A : memref<!tpu.dma_semaphore, #tpu.memory_space<semaphore_mem>>) src(%dma_wait3A_53 : memref<640x128xf32, #tpu.memory_space<vmem_shared>>) dst(%dma_wait3A_51 : memref<640x128xf32, #tpu.memory_space<hbm>>)
      tpu.yield
    }) : () -> ()
    return
  }
}

#map = affine_map<(d0, d1) -> (0, 0)>
#map1 = affine_map<(d0, d1) -> (0)>
#map2 = affine_map<(d0, d1) -> (0, 0, 0)>
module attributes {stable_mosaic.version = 14 : i64} {
  func.func @agg_kernel(%arg0: i32, %arg1: i32, %arg2: memref<10240x128xf32, #tpu.memory_space<hbm>>, %arg3: memref<320080xi32, #tpu.memory_space<hbm>>, %arg4: memref<320080xi32, #tpu.memory_space<hbm>>, %arg5: memref<10240x128xf32, #tpu.memory_space<hbm>>, %arg6: memref<2x10240x128xf32, #tpu.memory_space<hbm>>, %arg7: memref<80xi32, #tpu.memory_space<vmem>>, %arg8: memref<80xi32, #tpu.memory_space<vmem>>, %arg9: memref<80xi32, #tpu.memory_space<vmem>>, %arg10: memref<80xi32, #tpu.memory_space<vmem>>, %arg11: memref<80x128xf32, #tpu.memory_space<vmem>>, %arg12: memref<80x128xf32, #tpu.memory_space<vmem>>, %arg13: memref<10240x128xf32, #tpu.memory_space<vmem_shared>>, %arg14: memref<!tpu.dma_semaphore, #tpu.memory_space<semaphore_mem>>, %arg15: memref<!tpu.dma_semaphore, #tpu.memory_space<semaphore_mem>>, %arg16: memref<!tpu.dma_semaphore, #tpu.memory_space<semaphore_mem>>, %arg17: memref<!tpu.dma_semaphore, #tpu.memory_space<semaphore_mem>>) attributes {dimension_semantics = [#tpu.dimension_semantics<core_parallel>, #tpu.dimension_semantics<subcore_parallel>], iteration_bounds = array<i64: 2, 16>, scalar_prefetch = 0 : i64, scratch_operands = 11 : i64, tpu.core_type = #tpu.core_type<sc_vector_subcore>, window_params = [{transform_indices = #map}, {transform_indices = #map1}, {transform_indices = #map1}, {transform_indices = #map}, {transform_indices = #map2}]} {
    %mul3A = arith.constant 640 : i32
    %mul3A_0 = arith.muli %arg1, %mul3A : i32
    %mul3A_1 = arith.constant 640 : i32
    %mul3A_2 = arith.muli %arg1, %mul3A_1 : i32
    "tpu.region"() ({
      %run_scoped3A = tpu.sem_alloc : memref<!tpu.dma_semaphore, #tpu.memory_space<semaphore_mem>>
      %dma_start3A_44 = arith.constant 0 : i32
      %dma_start3A_45 = tpu.memref_slice %arg13[%mul3A_2, %dma_start3A_44] : memref<10240x128xf32, #tpu.memory_space<vmem_shared>> -> memref<640x128xf32, #tpu.memory_space<vmem_shared>>
      %dma_start3A_46 = arith.constant 0 : i32
      %dma_start3A_47 = tpu.memref_slice %arg5[%mul3A_0, %dma_start3A_46] : memref<10240x128xf32, #tpu.memory_space<hbm>> -> memref<640x128xf32, #tpu.memory_space<hbm>>
      tpu.enqueue_dma source(%dma_start3A_47 : memref<640x128xf32, #tpu.memory_space<hbm>>) target(%dma_start3A_45 : memref<640x128xf32, #tpu.memory_space<vmem_shared>>) target_semaphore(%run_scoped3A : memref<!tpu.dma_semaphore, #tpu.memory_space<semaphore_mem>>)
      %dma_wait3A_48 = arith.constant 0 : i32
      %dma_wait3A_49 = tpu.memref_slice %arg13[%mul3A_2, %dma_wait3A_48] : memref<10240x128xf32, #tpu.memory_space<vmem_shared>> -> memref<640x128xf32, #tpu.memory_space<vmem_shared>>
      %dma_wait3A_50 = arith.constant 0 : i32
      %dma_wait3A_51 = tpu.memref_slice %arg5[%mul3A_0, %dma_wait3A_50] : memref<10240x128xf32, #tpu.memory_space<hbm>> -> memref<640x128xf32, #tpu.memory_space<hbm>>
      tpu.wait_dma2 semaphore(%run_scoped3A : memref<!tpu.dma_semaphore, #tpu.memory_space<semaphore_mem>>) src(%dma_wait3A_51 : memref<640x128xf32, #tpu.memory_space<hbm>>) dst(%dma_wait3A_49 : memref<640x128xf32, #tpu.memory_space<vmem_shared>>)
      tpu.yield
    }) : () -> ()
    %mul3A_3 = arith.constant 16 : i32
    %mul3A_4 = arith.muli %arg0, %mul3A_3 : i32
    %add3A = arith.addi %mul3A_4, %arg1 : i32
    %mul3A_5 = arith.constant 10000 : i32
    %mul3A_6 = arith.muli %add3A, %mul3A_5 : i32
    %barrier3A = arith.constant 0 : index
    tpu.barrier barrier_id(%barrier3A)
    %add3A_7 = arith.constant 0 : i32
    %add3A_8 = arith.addi %mul3A_6, %add3A_7 : i32
    %dma_start3A = tpu.memref_slice %arg3[%add3A_8] : memref<320080xi32, #tpu.memory_space<hbm>> -> memref<80xi32, #tpu.memory_space<hbm>>
    %dma_start3A_9 = tpu.memref_slice %arg3[%add3A_8] : memref<320080xi32, #tpu.memory_space<hbm>> -> memref<80xi32, #tpu.memory_space<hbm>>
    tpu.enqueue_dma source(%dma_start3A_9 : memref<80xi32, #tpu.memory_space<hbm>>) target(%arg7 : memref<80xi32, #tpu.memory_space<vmem>>) target_semaphore(%arg16 : memref<!tpu.dma_semaphore, #tpu.memory_space<semaphore_mem>>)
    %add3A_10 = arith.constant 0 : i32
    %add3A_11 = arith.addi %mul3A_6, %add3A_10 : i32
    %dma_start3A_12 = tpu.memref_slice %arg4[%add3A_11] : memref<320080xi32, #tpu.memory_space<hbm>> -> memref<80xi32, #tpu.memory_space<hbm>>
    %dma_start3A_13 = tpu.memref_slice %arg4[%add3A_11] : memref<320080xi32, #tpu.memory_space<hbm>> -> memref<80xi32, #tpu.memory_space<hbm>>
    tpu.enqueue_dma source(%dma_start3A_13 : memref<80xi32, #tpu.memory_space<hbm>>) target(%arg8 : memref<80xi32, #tpu.memory_space<vmem>>) target_semaphore(%arg16 : memref<!tpu.dma_semaphore, #tpu.memory_space<semaphore_mem>>)
    %dma_wait3A = tpu.memref_slice %arg3[%mul3A_6] : memref<320080xi32, #tpu.memory_space<hbm>> -> memref<80xi32, #tpu.memory_space<hbm>>
    %dma_wait3A_14 = tpu.memref_slice %arg3[%mul3A_6] : memref<320080xi32, #tpu.memory_space<hbm>> -> memref<80xi32, #tpu.memory_space<hbm>>
    tpu.wait_dma2 semaphore(%arg16 : memref<!tpu.dma_semaphore, #tpu.memory_space<semaphore_mem>>) src(%dma_wait3A_14 : memref<80xi32, #tpu.memory_space<hbm>>) dst(%arg7 : memref<80xi32, #tpu.memory_space<vmem>>)
    %dma_wait3A_15 = tpu.memref_slice %arg4[%mul3A_6] : memref<320080xi32, #tpu.memory_space<hbm>> -> memref<80xi32, #tpu.memory_space<hbm>>
    %dma_wait3A_16 = tpu.memref_slice %arg4[%mul3A_6] : memref<320080xi32, #tpu.memory_space<hbm>> -> memref<80xi32, #tpu.memory_space<hbm>>
    tpu.wait_dma2 semaphore(%arg16 : memref<!tpu.dma_semaphore, #tpu.memory_space<semaphore_mem>>) src(%dma_wait3A_16 : memref<80xi32, #tpu.memory_space<hbm>>) dst(%arg8 : memref<80xi32, #tpu.memory_space<vmem>>)
    %dma_start3A_17 = arith.constant 0 : i32
    %dma_start3A_18 = arith.constant 0 : i32
    %dma_start3A_19 = tpu.memref_slice %arg2[%dma_start3A_17, %dma_start3A_18] : memref<10240x128xf32, #tpu.memory_space<hbm>> -> memref<10240x128xf32, #tpu.memory_space<hbm>>
    tpu.enqueue_indirect_dma source(%dma_start3A_19 : memref<10240x128xf32, #tpu.memory_space<hbm>>) target(%arg11 : memref<80x128xf32, #tpu.memory_space<vmem>>) offsets(%arg7 : memref<80xi32, #tpu.memory_space<vmem>>) semaphore(%arg14 : memref<!tpu.dma_semaphore, #tpu.memory_space<semaphore_mem>>)
    %add3A_20 = arith.constant 80 : i32
    %add3A_21 = arith.addi %mul3A_6, %add3A_20 : i32
    %dma_start3A_22 = tpu.memref_slice %arg3[%add3A_21] : memref<320080xi32, #tpu.memory_space<hbm>> -> memref<80xi32, #tpu.memory_space<hbm>>
    %dma_start3A_23 = tpu.memref_slice %arg3[%add3A_21] : memref<320080xi32, #tpu.memory_space<hbm>> -> memref<80xi32, #tpu.memory_space<hbm>>
    tpu.enqueue_dma source(%dma_start3A_23 : memref<80xi32, #tpu.memory_space<hbm>>) target(%arg9 : memref<80xi32, #tpu.memory_space<vmem>>) target_semaphore(%arg17 : memref<!tpu.dma_semaphore, #tpu.memory_space<semaphore_mem>>)
    %add3A_24 = arith.constant 80 : i32
    %add3A_25 = arith.addi %mul3A_6, %add3A_24 : i32
    %dma_start3A_26 = tpu.memref_slice %arg4[%add3A_25] : memref<320080xi32, #tpu.memory_space<hbm>> -> memref<80xi32, #tpu.memory_space<hbm>>
    %dma_start3A_27 = tpu.memref_slice %arg4[%add3A_25] : memref<320080xi32, #tpu.memory_space<hbm>> -> memref<80xi32, #tpu.memory_space<hbm>>
    tpu.enqueue_dma source(%dma_start3A_27 : memref<80xi32, #tpu.memory_space<hbm>>) target(%arg10 : memref<80xi32, #tpu.memory_space<vmem>>) target_semaphore(%arg17 : memref<!tpu.dma_semaphore, #tpu.memory_space<semaphore_mem>>)
    %scan3A = arith.constant 0 : i32
    %scan3A_28 = arith.constant 62 : i32
    %scan3A_29 = arith.addi %scan3A, %scan3A_28 : i32
    %scan3A_30 = arith.constant 1 : i32
    scf.for %scan3A_44 = %scan3A to %scan3A_29 step %scan3A_30  : i32 {
      %mul3A_45 = arith.constant 1 : i32
      %mul3A_46 = arith.muli %scan3A_44, %mul3A_45 : i32
      %add3A_47 = arith.constant 0 : i32
      %add3A_48 = arith.addi %add3A_47, %mul3A_46 : i32
      %mul3A_49 = arith.constant 2 : i32
      %mul3A_50 = arith.muli %add3A_48, %mul3A_49 : i32
      %add3A_51 = arith.constant 1 : i32
      %add3A_52 = arith.addi %mul3A_50, %add3A_51 : i32
      %dma_wait3A_53 = tpu.memref_slice %arg3[%mul3A_6] : memref<320080xi32, #tpu.memory_space<hbm>> -> memref<80xi32, #tpu.memory_space<hbm>>
      %dma_wait3A_54 = tpu.memref_slice %arg3[%mul3A_6] : memref<320080xi32, #tpu.memory_space<hbm>> -> memref<80xi32, #tpu.memory_space<hbm>>
      tpu.wait_dma2 semaphore(%arg17 : memref<!tpu.dma_semaphore, #tpu.memory_space<semaphore_mem>>) src(%dma_wait3A_54 : memref<80xi32, #tpu.memory_space<hbm>>) dst(%arg9 : memref<80xi32, #tpu.memory_space<vmem>>)
      %dma_wait3A_55 = tpu.memref_slice %arg4[%mul3A_6] : memref<320080xi32, #tpu.memory_space<hbm>> -> memref<80xi32, #tpu.memory_space<hbm>>
      %dma_wait3A_56 = tpu.memref_slice %arg4[%mul3A_6] : memref<320080xi32, #tpu.memory_space<hbm>> -> memref<80xi32, #tpu.memory_space<hbm>>
      tpu.wait_dma2 semaphore(%arg17 : memref<!tpu.dma_semaphore, #tpu.memory_space<semaphore_mem>>) src(%dma_wait3A_56 : memref<80xi32, #tpu.memory_space<hbm>>) dst(%arg10 : memref<80xi32, #tpu.memory_space<vmem>>)
      %dma_start3A_57 = arith.constant 0 : i32
      %dma_start3A_58 = arith.constant 0 : i32
      %dma_start3A_59 = tpu.memref_slice %arg2[%dma_start3A_57, %dma_start3A_58] : memref<10240x128xf32, #tpu.memory_space<hbm>> -> memref<10240x128xf32, #tpu.memory_space<hbm>>
      tpu.enqueue_indirect_dma source(%dma_start3A_59 : memref<10240x128xf32, #tpu.memory_space<hbm>>) target(%arg12 : memref<80x128xf32, #tpu.memory_space<vmem>>) offsets(%arg9 : memref<80xi32, #tpu.memory_space<vmem>>) semaphore(%arg15 : memref<!tpu.dma_semaphore, #tpu.memory_space<semaphore_mem>>)
      %dma_wait3A_60 = arith.constant 0 : i32
      %dma_wait3A_61 = arith.constant 0 : i32
      %dma_wait3A_62 = tpu.memref_slice %arg2[%dma_wait3A_60, %dma_wait3A_61] : memref<10240x128xf32, #tpu.memory_space<hbm>> -> memref<10240x128xf32, #tpu.memory_space<hbm>>
      tpu.wait_indirect_dma semaphore(%arg14 : memref<!tpu.dma_semaphore, #tpu.memory_space<semaphore_mem>>) src(%dma_wait3A_62 : memref<10240x128xf32, #tpu.memory_space<hbm>>) dst(%arg11 : memref<80x128xf32, #tpu.memory_space<vmem>>)
      "tpu.region"() ({
        %run_scoped3A = tpu.sem_alloc : memref<!tpu.dma_semaphore, #tpu.memory_space<semaphore_mem>>
        %dma_start3A_99 = arith.constant 0 : i32
        %dma_start3A_100 = arith.constant 0 : i32
        %dma_start3A_101 = tpu.memref_slice %arg13[%dma_start3A_99, %dma_start3A_100] : memref<10240x128xf32, #tpu.memory_space<vmem_shared>> -> memref<10240x128xf32, #tpu.memory_space<vmem_shared>>
        tpu.enqueue_indirect_dma source(%arg11 : memref<80x128xf32, #tpu.memory_space<vmem>>) target(%dma_start3A_101 : memref<10240x128xf32, #tpu.memory_space<vmem_shared>>) offsets(%arg8 : memref<80xi32, #tpu.memory_space<vmem>>) semaphore(%run_scoped3A : memref<!tpu.dma_semaphore, #tpu.memory_space<semaphore_mem>>) {add = true}
        %dma_wait3A_102 = arith.constant 0 : i32
        %dma_wait3A_103 = arith.constant 0 : i32
        %dma_wait3A_104 = tpu.memref_slice %arg13[%dma_wait3A_102, %dma_wait3A_103] : memref<10240x128xf32, #tpu.memory_space<vmem_shared>> -> memref<10240x128xf32, #tpu.memory_space<vmem_shared>>
        tpu.wait_indirect_dma semaphore(%run_scoped3A : memref<!tpu.dma_semaphore, #tpu.memory_space<semaphore_mem>>) src(%arg11 : memref<80x128xf32, #tpu.memory_space<vmem>>) dst(%dma_wait3A_104 : memref<10240x128xf32, #tpu.memory_space<vmem_shared>>)
        tpu.yield
      }) : () -> ()
      %add3A_63 = arith.constant 1 : i32
      %add3A_64 = arith.addi %add3A_52, %add3A_63 : i32
      %mul3A_65 = arith.constant 80 : i32
      %mul3A_66 = arith.muli %add3A_64, %mul3A_65 : i32
      %add3A_67 = arith.addi %mul3A_6, %mul3A_66 : i32
      %dma_start3A_68 = tpu.memref_slice %arg3[%add3A_67] : memref<320080xi32, #tpu.memory_space<hbm>> -> memref<80xi32, #tpu.memory_space<hbm>>
      %dma_start3A_69 = tpu.memref_slice %arg3[%add3A_67] : memref<320080xi32, #tpu.memory_space<hbm>> -> memref<80xi32, #tpu.memory_space<hbm>>
      tpu.enqueue_dma source(%dma_start3A_69 : memref<80xi32, #tpu.memory_space<hbm>>) target(%arg7 : memref<80xi32, #tpu.memory_space<vmem>>) target_semaphore(%arg16 : memref<!tpu.dma_semaphore, #tpu.memory_space<semaphore_mem>>)
      %mul3A_70 = arith.constant 80 : i32
      %mul3A_71 = arith.muli %add3A_64, %mul3A_70 : i32
      %add3A_72 = arith.addi %mul3A_6, %mul3A_71 : i32
      %dma_start3A_73 = tpu.memref_slice %arg4[%add3A_72] : memref<320080xi32, #tpu.memory_space<hbm>> -> memref<80xi32, #tpu.memory_space<hbm>>
      %dma_start3A_74 = tpu.memref_slice %arg4[%add3A_72] : memref<320080xi32, #tpu.memory_space<hbm>> -> memref<80xi32, #tpu.memory_space<hbm>>
      tpu.enqueue_dma source(%dma_start3A_74 : memref<80xi32, #tpu.memory_space<hbm>>) target(%arg8 : memref<80xi32, #tpu.memory_space<vmem>>) target_semaphore(%arg16 : memref<!tpu.dma_semaphore, #tpu.memory_space<semaphore_mem>>)
      %dma_wait3A_75 = tpu.memref_slice %arg3[%mul3A_6] : memref<320080xi32, #tpu.memory_space<hbm>> -> memref<80xi32, #tpu.memory_space<hbm>>
      %dma_wait3A_76 = tpu.memref_slice %arg3[%mul3A_6] : memref<320080xi32, #tpu.memory_space<hbm>> -> memref<80xi32, #tpu.memory_space<hbm>>
      tpu.wait_dma2 semaphore(%arg16 : memref<!tpu.dma_semaphore, #tpu.memory_space<semaphore_mem>>) src(%dma_wait3A_76 : memref<80xi32, #tpu.memory_space<hbm>>) dst(%arg7 : memref<80xi32, #tpu.memory_space<vmem>>)
      %dma_wait3A_77 = tpu.memref_slice %arg4[%mul3A_6] : memref<320080xi32, #tpu.memory_space<hbm>> -> memref<80xi32, #tpu.memory_space<hbm>>
      %dma_wait3A_78 = tpu.memref_slice %arg4[%mul3A_6] : memref<320080xi32, #tpu.memory_space<hbm>> -> memref<80xi32, #tpu.memory_space<hbm>>
      tpu.wait_dma2 semaphore(%arg16 : memref<!tpu.dma_semaphore, #tpu.memory_space<semaphore_mem>>) src(%dma_wait3A_78 : memref<80xi32, #tpu.memory_space<hbm>>) dst(%arg8 : memref<80xi32, #tpu.memory_space<vmem>>)
      %dma_start3A_79 = arith.constant 0 : i32
      %dma_start3A_80 = arith.constant 0 : i32
      %dma_start3A_81 = tpu.memref_slice %arg2[%dma_start3A_79, %dma_start3A_80] : memref<10240x128xf32, #tpu.memory_space<hbm>> -> memref<10240x128xf32, #tpu.memory_space<hbm>>
      tpu.enqueue_indirect_dma source(%dma_start3A_81 : memref<10240x128xf32, #tpu.memory_space<hbm>>) target(%arg11 : memref<80x128xf32, #tpu.memory_space<vmem>>) offsets(%arg7 : memref<80xi32, #tpu.memory_space<vmem>>) semaphore(%arg14 : memref<!tpu.dma_semaphore, #tpu.memory_space<semaphore_mem>>)
      %dma_wait3A_82 = arith.constant 0 : i32
      %dma_wait3A_83 = arith.constant 0 : i32
      %dma_wait3A_84 = tpu.memref_slice %arg2[%dma_wait3A_82, %dma_wait3A_83] : memref<10240x128xf32, #tpu.memory_space<hbm>> -> memref<10240x128xf32, #tpu.memory_space<hbm>>
      tpu.wait_indirect_dma semaphore(%arg15 : memref<!tpu.dma_semaphore, #tpu.memory_space<semaphore_mem>>) src(%dma_wait3A_84 : memref<10240x128xf32, #tpu.memory_space<hbm>>) dst(%arg12 : memref<80x128xf32, #tpu.memory_space<vmem>>)
      "tpu.region"() ({
        %run_scoped3A = tpu.sem_alloc : memref<!tpu.dma_semaphore, #tpu.memory_space<semaphore_mem>>
        %dma_start3A_99 = arith.constant 0 : i32
        %dma_start3A_100 = arith.constant 0 : i32
        %dma_start3A_101 = tpu.memref_slice %arg13[%dma_start3A_99, %dma_start3A_100] : memref<10240x128xf32, #tpu.memory_space<vmem_shared>> -> memref<10240x128xf32, #tpu.memory_space<vmem_shared>>
        tpu.enqueue_indirect_dma source(%arg12 : memref<80x128xf32, #tpu.memory_space<vmem>>) target(%dma_start3A_101 : memref<10240x128xf32, #tpu.memory_space<vmem_shared>>) offsets(%arg10 : memref<80xi32, #tpu.memory_space<vmem>>) semaphore(%run_scoped3A : memref<!tpu.dma_semaphore, #tpu.memory_space<semaphore_mem>>) {add = true}
        %dma_wait3A_102 = arith.constant 0 : i32
        %dma_wait3A_103 = arith.constant 0 : i32
        %dma_wait3A_104 = tpu.memref_slice %arg13[%dma_wait3A_102, %dma_wait3A_103] : memref<10240x128xf32, #tpu.memory_space<vmem_shared>> -> memref<10240x128xf32, #tpu.memory_space<vmem_shared>>
        tpu.wait_indirect_dma semaphore(%run_scoped3A : memref<!tpu.dma_semaphore, #tpu.memory_space<semaphore_mem>>) src(%arg12 : memref<80x128xf32, #tpu.memory_space<vmem>>) dst(%dma_wait3A_104 : memref<10240x128xf32, #tpu.memory_space<vmem_shared>>)
        tpu.yield
      }) : () -> ()
      %add3A_85 = arith.constant 2 : i32
      %add3A_86 = arith.addi %add3A_52, %add3A_85 : i32
      %mul3A_87 = arith.constant 80 : i32
      %mul3A_88 = arith.muli %add3A_86, %mul3A_87 : i32
      %add3A_89 = arith.addi %mul3A_6, %mul3A_88 : i32
      %dma_start3A_90 = tpu.memref_slice %arg3[%add3A_89] : memref<320080xi32, #tpu.memory_space<hbm>> -> memref<80xi32, #tpu.memory_space<hbm>>
      %dma_start3A_91 = tpu.memref_slice %arg3[%add3A_89] : memref<320080xi32, #tpu.memory_space<hbm>> -> memref<80xi32, #tpu.memory_space<hbm>>
      tpu.enqueue_dma source(%dma_start3A_91 : memref<80xi32, #tpu.memory_space<hbm>>) target(%arg9 : memref<80xi32, #tpu.memory_space<vmem>>) target_semaphore(%arg17 : memref<!tpu.dma_semaphore, #tpu.memory_space<semaphore_mem>>)
      %add3A_92 = arith.constant 2 : i32
      %add3A_93 = arith.addi %add3A_52, %add3A_92 : i32
      %mul3A_94 = arith.constant 80 : i32
      %mul3A_95 = arith.muli %add3A_93, %mul3A_94 : i32
      %add3A_96 = arith.addi %mul3A_6, %mul3A_95 : i32
      %dma_start3A_97 = tpu.memref_slice %arg4[%add3A_96] : memref<320080xi32, #tpu.memory_space<hbm>> -> memref<80xi32, #tpu.memory_space<hbm>>
      %dma_start3A_98 = tpu.memref_slice %arg4[%add3A_96] : memref<320080xi32, #tpu.memory_space<hbm>> -> memref<80xi32, #tpu.memory_space<hbm>>
      tpu.enqueue_dma source(%dma_start3A_98 : memref<80xi32, #tpu.memory_space<hbm>>) target(%arg10 : memref<80xi32, #tpu.memory_space<vmem>>) target_semaphore(%arg17 : memref<!tpu.dma_semaphore, #tpu.memory_space<semaphore_mem>>)
    }
    %scan3A_31 = arith.constant 62 : i32
    %dma_wait3A_32 = arith.constant 0 : i32
    %dma_wait3A_33 = arith.constant 0 : i32
    %dma_wait3A_34 = tpu.memref_slice %arg2[%dma_wait3A_32, %dma_wait3A_33] : memref<10240x128xf32, #tpu.memory_space<hbm>> -> memref<10240x128xf32, #tpu.memory_space<hbm>>
    tpu.wait_indirect_dma semaphore(%arg14 : memref<!tpu.dma_semaphore, #tpu.memory_space<semaphore_mem>>) src(%dma_wait3A_34 : memref<10240x128xf32, #tpu.memory_space<hbm>>) dst(%arg11 : memref<80x128xf32, #tpu.memory_space<vmem>>)
    "tpu.region"() ({
      %run_scoped3A = tpu.sem_alloc : memref<!tpu.dma_semaphore, #tpu.memory_space<semaphore_mem>>
      %dma_start3A_44 = arith.constant 0 : i32
      %dma_start3A_45 = arith.constant 0 : i32
      %dma_start3A_46 = tpu.memref_slice %arg13[%dma_start3A_44, %dma_start3A_45] : memref<10240x128xf32, #tpu.memory_space<vmem_shared>> -> memref<10240x128xf32, #tpu.memory_space<vmem_shared>>
      tpu.enqueue_indirect_dma source(%arg11 : memref<80x128xf32, #tpu.memory_space<vmem>>) target(%dma_start3A_46 : memref<10240x128xf32, #tpu.memory_space<vmem_shared>>) offsets(%arg8 : memref<80xi32, #tpu.memory_space<vmem>>) semaphore(%run_scoped3A : memref<!tpu.dma_semaphore, #tpu.memory_space<semaphore_mem>>) {add = true}
      %dma_wait3A_47 = arith.constant 0 : i32
      %dma_wait3A_48 = arith.constant 0 : i32
      %dma_wait3A_49 = tpu.memref_slice %arg13[%dma_wait3A_47, %dma_wait3A_48] : memref<10240x128xf32, #tpu.memory_space<vmem_shared>> -> memref<10240x128xf32, #tpu.memory_space<vmem_shared>>
      tpu.wait_indirect_dma semaphore(%run_scoped3A : memref<!tpu.dma_semaphore, #tpu.memory_space<semaphore_mem>>) src(%arg11 : memref<80x128xf32, #tpu.memory_space<vmem>>) dst(%dma_wait3A_49 : memref<10240x128xf32, #tpu.memory_space<vmem_shared>>)
      tpu.yield
    }) : () -> ()
    %dma_wait3A_35 = tpu.memref_slice %arg3[%mul3A_6] : memref<320080xi32, #tpu.memory_space<hbm>> -> memref<80xi32, #tpu.memory_space<hbm>>
    %dma_wait3A_36 = tpu.memref_slice %arg3[%mul3A_6] : memref<320080xi32, #tpu.memory_space<hbm>> -> memref<80xi32, #tpu.memory_space<hbm>>
    tpu.wait_dma2 semaphore(%arg17 : memref<!tpu.dma_semaphore, #tpu.memory_space<semaphore_mem>>) src(%dma_wait3A_36 : memref<80xi32, #tpu.memory_space<hbm>>) dst(%arg9 : memref<80xi32, #tpu.memory_space<vmem>>)
    %dma_wait3A_37 = tpu.memref_slice %arg4[%mul3A_6] : memref<320080xi32, #tpu.memory_space<hbm>> -> memref<80xi32, #tpu.memory_space<hbm>>
    %dma_wait3A_38 = tpu.memref_slice %arg4[%mul3A_6] : memref<320080xi32, #tpu.memory_space<hbm>> -> memref<80xi32, #tpu.memory_space<hbm>>
    tpu.wait_dma2 semaphore(%arg17 : memref<!tpu.dma_semaphore, #tpu.memory_space<semaphore_mem>>) src(%dma_wait3A_38 : memref<80xi32, #tpu.memory_space<hbm>>) dst(%arg10 : memref<80xi32, #tpu.memory_space<vmem>>)
    %barrier3A_39 = arith.constant 0 : index
    tpu.barrier barrier_id(%barrier3A_39)
    %mul3A_40 = arith.constant 640 : i32
    %mul3A_41 = arith.muli %arg1, %mul3A_40 : i32
    %mul3A_42 = arith.constant 640 : i32
    %mul3A_43 = arith.muli %arg1, %mul3A_42 : i32
    "tpu.region"() ({
      %run_scoped3A = tpu.sem_alloc : memref<!tpu.dma_semaphore, #tpu.memory_space<semaphore_mem>>
      %dma_start3A_44 = arith.constant 0 : i32
      %dma_start3A_45 = tpu.memref_slice %arg6[%arg0, %mul3A_43, %dma_start3A_44] : memref<2x10240x128xf32, #tpu.memory_space<hbm>> -> memref<1x640x128xf32, #tpu.memory_space<hbm>>
      %dma_start3A_46 = tpu.memref_squeeze %dma_start3A_45 : memref<1x640x128xf32, #tpu.memory_space<hbm>> -> memref<640x128xf32, #tpu.memory_space<hbm>>
      %dma_start3A_47 = arith.constant 0 : i32
      %dma_start3A_48 = tpu.memref_slice %arg13[%mul3A_41, %dma_start3A_47] : memref<10240x128xf32, #tpu.memory_space<vmem_shared>> -> memref<640x128xf32, #tpu.memory_space<vmem_shared>>
      tpu.enqueue_dma source(%dma_start3A_48 : memref<640x128xf32, #tpu.memory_space<vmem_shared>>) target(%dma_start3A_46 : memref<640x128xf32, #tpu.memory_space<hbm>>) target_semaphore(%run_scoped3A : memref<!tpu.dma_semaphore, #tpu.memory_space<semaphore_mem>>)
      %dma_wait3A_49 = arith.constant 0 : i32
      %dma_wait3A_50 = tpu.memref_slice %arg6[%arg0, %mul3A_43, %dma_wait3A_49] : memref<2x10240x128xf32, #tpu.memory_space<hbm>> -> memref<1x640x128xf32, #tpu.memory_space<hbm>>
      %dma_wait3A_51 = tpu.memref_squeeze %dma_wait3A_50 : memref<1x640x128xf32, #tpu.memory_space<hbm>> -> memref<640x128xf32, #tpu.memory_space<hbm>>
      %dma_wait3A_52 = arith.constant 0 : i32
      %dma_wait3A_53 = tpu.memref_slice %arg13[%mul3A_41, %dma_wait3A_52] : memref<10240x128xf32, #tpu.memory_space<vmem_shared>> -> memref<640x128xf32, #tpu.memory_space<vmem_shared>>
      tpu.wait_dma2 semaphore(%run_scoped3A : memref<!tpu.dma_semaphore, #tpu.memory_space<semaphore_mem>>) src(%dma_wait3A_53 : memref<640x128xf32, #tpu.memory_space<vmem_shared>>) dst(%dma_wait3A_51 : memref<640x128xf32, #tpu.memory_space<hbm>>)
      tpu.yield
    }) : () -> ()
    return
  }
}

module attributes {stable_mosaic.version = 14 : i64} {
  func.func @body(%arg0: i32, %arg1: memref<32x1280xf32, #tpu.memory_space<vmem>>, %arg2: memref<32x1280xf32, #tpu.memory_space<vmem>>, %arg3: memref<1280x128xf32, #tpu.memory_space<vmem>>, %arg4: memref<1280x16xf32, #tpu.memory_space<vmem>>, %arg5: memref<1280x16xf32, #tpu.memory_space<vmem>>, %arg6: memref<1280x128xf32, #tpu.memory_space<vmem>>) attributes {dimension_semantics = [#tpu.dimension_semantics<arbitrary>], iteration_bounds = array<i64: 8>, scalar_prefetch = 0 : i64, scratch_operands = 0 : i64, tpu.core_type = #tpu.core_type<tc>, window_params = [{transform_indices = @transform_0, window_bounds = array<i64: 32, 1280>}, {transform_indices = @transform_1, window_bounds = array<i64: 32, 1280>}, {transform_indices = @transform_2, window_bounds = array<i64: 1280, 128>}, {transform_indices = @transform_3, window_bounds = array<i64: 1280, 16>}, {transform_indices = @transform_4, window_bounds = array<i64: 1280, 16>}, {transform_indices = @transform_5, window_bounds = array<i64: 1280, 128>}]} {
    %get3A = arith.constant 0 : index
    %get3A_0 = arith.constant 0 : index
    %get3A_1 = vector.load %arg1[%get3A, %get3A_0] : memref<32x1280xf32, #tpu.memory_space<vmem>>, vector<32x1280xf32>
    %reduce_sum3A = arith.constant dense<0.000000e+00> : vector<1280xf32>
    %reduce_sum3A_2 = vector.multi_reduction <add>, %get3A_1, %reduce_sum3A [0] : vector<32x1280xf32> to vector<1280xf32>
    %get3A_3 = arith.constant 0 : index
    %get3A_4 = arith.constant 0 : index
    %get3A_5 = vector.load %arg2[%get3A_3, %get3A_4] : memref<32x1280xf32, #tpu.memory_space<vmem>>, vector<32x1280xf32>
    %reduce_sum3A_6 = arith.constant dense<0.000000e+00> : vector<1280xf32>
    %reduce_sum3A_7 = vector.multi_reduction <add>, %get3A_5, %reduce_sum3A_6 [0] : vector<32x1280xf32> to vector<1280xf32>
    %max3A = arith.constant 1.000000e+00 : f32
    %max3A_8 = vector.broadcast %max3A : f32 to vector<1280xf32>
    %max3A_9 = arith.maximumf %reduce_sum3A_2, %max3A_8 : vector<1280xf32>
    %rsqrt3A = math.rsqrt %max3A_9 : vector<1280xf32>
    %max3A_10 = arith.constant 1.000000e+00 : f32
    %max3A_11 = vector.broadcast %max3A_10 : f32 to vector<1280xf32>
    %max3A_12 = arith.maximumf %reduce_sum3A_7, %max3A_11 : vector<1280xf32>
    %rsqrt3A_13 = math.rsqrt %max3A_12 : vector<1280xf32>
    %broadcast_in_dim3A = vector.shape_cast %rsqrt3A : vector<1280xf32> to vector<1280x1xf32>
    %broadcast_in_dim3A_14 = vector.shape_cast %broadcast_in_dim3A : vector<1280x1xf32> to vector<1280x1xf32>
    %broadcast_in_dim3A_15 = vector.broadcast %broadcast_in_dim3A_14 : vector<1280x1xf32> to vector<1280x16xf32>
    %swap3A = arith.constant 0 : index
    %swap3A_16 = arith.constant 0 : index
    %swap3A_17 = vector.load %arg4[%swap3A, %swap3A_16] : memref<1280x16xf32, #tpu.memory_space<vmem>>, vector<1280x16xf32>
    tpu.vector_store %arg4[%swap3A, %swap3A_16], %broadcast_in_dim3A_15 {strides = array<i32>} : memref<1280x16xf32, #tpu.memory_space<vmem>>, vector<1280x16xf32>,
    %broadcast_in_dim3A_18 = vector.shape_cast %rsqrt3A_13 : vector<1280xf32> to vector<1280x1xf32>
    %broadcast_in_dim3A_19 = vector.shape_cast %broadcast_in_dim3A_18 : vector<1280x1xf32> to vector<1280x1xf32>
    %broadcast_in_dim3A_20 = vector.broadcast %broadcast_in_dim3A_19 : vector<1280x1xf32> to vector<1280x16xf32>
    %swap3A_21 = arith.constant 0 : index
    %swap3A_22 = arith.constant 0 : index
    %swap3A_23 = vector.load %arg5[%swap3A_21, %swap3A_22] : memref<1280x16xf32, #tpu.memory_space<vmem>>, vector<1280x16xf32>
    tpu.vector_store %arg5[%swap3A_21, %swap3A_22], %broadcast_in_dim3A_20 {strides = array<i32>} : memref<1280x16xf32, #tpu.memory_space<vmem>>, vector<1280x16xf32>,
    %get3A_24 = arith.constant 0 : index
    %get3A_25 = arith.constant 0 : index
    %get3A_26 = vector.load %arg3[%get3A_24, %get3A_25] : memref<1280x128xf32, #tpu.memory_space<vmem>>, vector<1280x128xf32>
    %broadcast_in_dim3A_27 = vector.shape_cast %rsqrt3A : vector<1280xf32> to vector<1280x1xf32>
    %mul3A = vector.broadcast %broadcast_in_dim3A_27 : vector<1280x1xf32> to vector<1280x128xf32>
    %mul3A_28 = arith.mulf %get3A_26, %mul3A : vector<1280x128xf32>
    %swap3A_29 = arith.constant 0 : index
    %swap3A_30 = arith.constant 0 : index
    %swap3A_31 = vector.load %arg6[%swap3A_29, %swap3A_30] : memref<1280x128xf32, #tpu.memory_space<vmem>>, vector<1280x128xf32>
    tpu.vector_store %arg6[%swap3A_29, %swap3A_30], %mul3A_28 {strides = array<i32>} : memref<1280x128xf32, #tpu.memory_space<vmem>>, vector<1280x128xf32>,
    return
  }
  func.func @transform_0(%arg0: i32) -> (i32, i32) {
    %c0_i32 = arith.constant 0 : i32
    %c0_i32_0 = arith.constant 0 : i32
    return %c0_i32, %arg0 : i32, i32
  }
  func.func @transform_1(%arg0: i32) -> (i32, i32) {
    %c0_i32 = arith.constant 0 : i32
    %c0_i32_0 = arith.constant 0 : i32
    return %c0_i32, %arg0 : i32, i32
  }
  func.func @transform_2(%arg0: i32) -> (i32, i32) {
    %c0_i32 = arith.constant 0 : i32
    %c0_i32_0 = arith.constant 0 : i32
    return %arg0, %c0_i32 : i32, i32
  }
  func.func @transform_3(%arg0: i32) -> (i32, i32) {
    %c0_i32 = arith.constant 0 : i32
    %c0_i32_0 = arith.constant 0 : i32
    return %arg0, %c0_i32 : i32, i32
  }
  func.func @transform_4(%arg0: i32) -> (i32, i32) {
    %c0_i32 = arith.constant 0 : i32
    %c0_i32_0 = arith.constant 0 : i32
    return %arg0, %c0_i32 : i32, i32
  }
  func.func @transform_5(%arg0: i32) -> (i32, i32) {
    %c0_i32 = arith.constant 0 : i32
    %c0_i32_0 = arith.constant 0 : i32
    return %arg0, %c0_i32 : i32, i32
  }
}

module attributes {stable_mosaic.version = 14 : i64} {
  func.func @body(%arg0: i32, %arg1: memref<2x1280x128xf32, #tpu.memory_space<vmem>>, %arg2: memref<1280x16xf32, #tpu.memory_space<vmem>>, %arg3: memref<1280x16xf32, #tpu.memory_space<vmem>>, %arg4: memref<1280x128xf32, #tpu.memory_space<vmem>>, %arg5: memref<128x128xf32, #tpu.memory_space<vmem>>, %arg6: memref<1x128xf32, #tpu.memory_space<vmem>>, %arg7: memref<1280x128xf32, #tpu.memory_space<vmem>>) attributes {dimension_semantics = [#tpu.dimension_semantics<arbitrary>], iteration_bounds = array<i64: 8>, scalar_prefetch = 0 : i64, scratch_operands = 0 : i64, tpu.core_type = #tpu.core_type<tc>, window_params = [{transform_indices = @transform_0, window_bounds = array<i64: 2, 1280, 128>}, {transform_indices = @transform_1, window_bounds = array<i64: 1280, 16>}, {transform_indices = @transform_2, window_bounds = array<i64: 1280, 16>}, {transform_indices = @transform_3, window_bounds = array<i64: 1280, 128>}, {pipeline_mode = #tpu.pipeline_mode<synchronous>, transform_indices = @transform_4, window_bounds = array<i64: 128, 128>}, {pipeline_mode = #tpu.pipeline_mode<synchronous>, transform_indices = @transform_5, window_bounds = array<i64: 1, 128>}, {transform_indices = @transform_6, window_bounds = array<i64: 1280, 128>}]} {
    %get3A = arith.constant 0 : index
    %get3A_0 = arith.constant 0 : index
    %get3A_1 = arith.constant 0 : index
    %get3A_2 = vector.load %arg1[%get3A, %get3A_0, %get3A_1] : memref<2x1280x128xf32, #tpu.memory_space<vmem>>, vector<1x1280x128xf32>
    %get3A_3 = vector.shape_cast %get3A_2 : vector<1x1280x128xf32> to vector<1280x128xf32>
    %get3A_4 = arith.constant 1 : index
    %get3A_5 = arith.constant 0 : index
    %get3A_6 = arith.constant 0 : index
    %get3A_7 = vector.load %arg1[%get3A_4, %get3A_5, %get3A_6] : memref<2x1280x128xf32, #tpu.memory_space<vmem>>, vector<1x1280x128xf32>
    %get3A_8 = vector.shape_cast %get3A_7 : vector<1x1280x128xf32> to vector<1280x128xf32>
    %add3A = arith.addf %get3A_3, %get3A_8 : vector<1280x128xf32>
    %get3A_9 = arith.constant 0 : index
    %get3A_10 = arith.constant 0 : index
    %get3A_11 = vector.load %arg2[%get3A_9, %get3A_10] : memref<1280x16xf32, #tpu.memory_space<vmem>>, vector<1280x1xf32>
    %mul3A = vector.broadcast %get3A_11 : vector<1280x1xf32> to vector<1280x128xf32>
    %mul3A_12 = arith.mulf %add3A, %mul3A : vector<1280x128xf32>
    %get3A_13 = arith.constant 0 : index
    %get3A_14 = arith.constant 0 : index
    %get3A_15 = vector.load %arg5[%get3A_13, %get3A_14] : memref<128x128xf32, #tpu.memory_space<vmem>>, vector<128x128xf32>
    %dot_general3A = arith.constant dense<0.000000e+00> : vector<1280x128xf32>
    %dot_general3A_16 = tpu.matmul %mul3A_12, %get3A_15, %dot_general3A {dimension_numbers = #tpu.dot_dimension_numbers<[1], [0], [0], [1], [0, 0, 1, 1], [], []>, precision = #tpu.contract_precision<fp32>, transpose_lhs_hint = false} : vector<1280x128xf32>, vector<128x128xf32>, vector<1280x128xf32> -> vector<1280x128xf32>
    %get3A_17 = arith.constant 0 : index
    %get3A_18 = arith.constant 0 : index
    %get3A_19 = vector.load %arg6[%get3A_17, %get3A_18] : memref<1x128xf32, #tpu.memory_space<vmem>>, vector<1x128xf32>
    %add3A_20 = vector.broadcast %get3A_19 : vector<1x128xf32> to vector<1280x128xf32>
    %add3A_21 = arith.addf %dot_general3A_16, %add3A_20 : vector<1280x128xf32>
    %max3A = arith.constant 0.000000e+00 : f32
    %max3A_22 = vector.broadcast %max3A : f32 to vector<1280x128xf32>
    %max3A_23 = arith.maximumf %add3A_21, %max3A_22 : vector<1280x128xf32>
    %get3A_24 = arith.constant 0 : index
    %get3A_25 = arith.constant 0 : index
    %get3A_26 = vector.load %arg4[%get3A_24, %get3A_25] : memref<1280x128xf32, #tpu.memory_space<vmem>>, vector<1280x128xf32>
    %add3A_27 = arith.addf %max3A_23, %get3A_26 : vector<1280x128xf32>
    %get3A_28 = arith.constant 0 : index
    %get3A_29 = arith.constant 0 : index
    %get3A_30 = vector.load %arg3[%get3A_28, %get3A_29] : memref<1280x16xf32, #tpu.memory_space<vmem>>, vector<1280x1xf32>
    %mul3A_31 = vector.broadcast %get3A_30 : vector<1280x1xf32> to vector<1280x128xf32>
    %mul3A_32 = arith.mulf %add3A_27, %mul3A_31 : vector<1280x128xf32>
    %swap3A = arith.constant 0 : index
    %swap3A_33 = arith.constant 0 : index
    %swap3A_34 = vector.load %arg7[%swap3A, %swap3A_33] : memref<1280x128xf32, #tpu.memory_space<vmem>>, vector<1280x128xf32>
    tpu.vector_store %arg7[%swap3A, %swap3A_33], %mul3A_32 {strides = array<i32>} : memref<1280x128xf32, #tpu.memory_space<vmem>>, vector<1280x128xf32>,
    return
  }
  func.func @transform_0(%arg0: i32) -> (i32, i32, i32) {
    %c0_i32 = arith.constant 0 : i32
    %c0_i32_0 = arith.constant 0 : i32
    %c0_i32_1 = arith.constant 0 : i32
    return %c0_i32, %arg0, %c0_i32_0 : i32, i32, i32
  }
  func.func @transform_1(%arg0: i32) -> (i32, i32) {
    %c0_i32 = arith.constant 0 : i32
    %c0_i32_0 = arith.constant 0 : i32
    return %arg0, %c0_i32 : i32, i32
  }
  func.func @transform_2(%arg0: i32) -> (i32, i32) {
    %c0_i32 = arith.constant 0 : i32
    %c0_i32_0 = arith.constant 0 : i32
    return %arg0, %c0_i32 : i32, i32
  }
  func.func @transform_3(%arg0: i32) -> (i32, i32) {
    %c0_i32 = arith.constant 0 : i32
    %c0_i32_0 = arith.constant 0 : i32
    return %arg0, %c0_i32 : i32, i32
  }
  func.func @transform_4(%arg0: i32) -> (i32, i32) {
    %c0_i32 = arith.constant 0 : i32
    %c0_i32_0 = arith.constant 0 : i32
    %c0_i32_1 = arith.constant 0 : i32
    return %c0_i32, %c0_i32_0 : i32, i32
  }
  func.func @transform_5(%arg0: i32) -> (i32, i32) {
    %c0_i32 = arith.constant 0 : i32
    %c0_i32_0 = arith.constant 0 : i32
    %c0_i32_1 = arith.constant 0 : i32
    return %c0_i32, %c0_i32_0 : i32, i32
  }
  func.func @transform_6(%arg0: i32) -> (i32, i32) {
    %c0_i32 = arith.constant 0 : i32
    %c0_i32_0 = arith.constant 0 : i32
    return %arg0, %c0_i32 : i32, i32
  }
}

module attributes {stable_mosaic.version = 14 : i64} {
  func.func @body(%arg0: i32, %arg1: memref<2x1280x128xf32, #tpu.memory_space<vmem>>, %arg2: memref<1280x16xf32, #tpu.memory_space<vmem>>, %arg3: memref<128x128xf32, #tpu.memory_space<vmem>>, %arg4: memref<1x128xf32, #tpu.memory_space<vmem>>, %arg5: memref<128x40xf32, #tpu.memory_space<vmem>>, %arg6: memref<1x40xf32, #tpu.memory_space<vmem>>, %arg7: memref<1280x40xf32, #tpu.memory_space<vmem>>) attributes {dimension_semantics = [#tpu.dimension_semantics<arbitrary>], iteration_bounds = array<i64: 8>, scalar_prefetch = 0 : i64, scratch_operands = 0 : i64, tpu.core_type = #tpu.core_type<tc>, window_params = [{transform_indices = @transform_0, window_bounds = array<i64: 2, 1280, 128>}, {transform_indices = @transform_1, window_bounds = array<i64: 1280, 16>}, {pipeline_mode = #tpu.pipeline_mode<synchronous>, transform_indices = @transform_2, window_bounds = array<i64: 128, 128>}, {pipeline_mode = #tpu.pipeline_mode<synchronous>, transform_indices = @transform_3, window_bounds = array<i64: 1, 128>}, {pipeline_mode = #tpu.pipeline_mode<synchronous>, transform_indices = @transform_4, window_bounds = array<i64: 128, 40>}, {pipeline_mode = #tpu.pipeline_mode<synchronous>, transform_indices = @transform_5, window_bounds = array<i64: 1, 40>}, {transform_indices = @transform_6, window_bounds = array<i64: 1280, 40>}]} {
    %get3A = arith.constant 0 : index
    %get3A_0 = arith.constant 0 : index
    %get3A_1 = arith.constant 0 : index
    %get3A_2 = vector.load %arg1[%get3A, %get3A_0, %get3A_1] : memref<2x1280x128xf32, #tpu.memory_space<vmem>>, vector<1x1280x128xf32>
    %get3A_3 = vector.shape_cast %get3A_2 : vector<1x1280x128xf32> to vector<1280x128xf32>
    %get3A_4 = arith.constant 1 : index
    %get3A_5 = arith.constant 0 : index
    %get3A_6 = arith.constant 0 : index
    %get3A_7 = vector.load %arg1[%get3A_4, %get3A_5, %get3A_6] : memref<2x1280x128xf32, #tpu.memory_space<vmem>>, vector<1x1280x128xf32>
    %get3A_8 = vector.shape_cast %get3A_7 : vector<1x1280x128xf32> to vector<1280x128xf32>
    %add3A = arith.addf %get3A_3, %get3A_8 : vector<1280x128xf32>
    %get3A_9 = arith.constant 0 : index
    %get3A_10 = arith.constant 0 : index
    %get3A_11 = vector.load %arg2[%get3A_9, %get3A_10] : memref<1280x16xf32, #tpu.memory_space<vmem>>, vector<1280x1xf32>
    %mul3A = vector.broadcast %get3A_11 : vector<1280x1xf32> to vector<1280x128xf32>
    %mul3A_12 = arith.mulf %add3A, %mul3A : vector<1280x128xf32>
    %get3A_13 = arith.constant 0 : index
    %get3A_14 = arith.constant 0 : index
    %get3A_15 = vector.load %arg3[%get3A_13, %get3A_14] : memref<128x128xf32, #tpu.memory_space<vmem>>, vector<128x128xf32>
    %dot_general3A = arith.constant dense<0.000000e+00> : vector<1280x128xf32>
    %dot_general3A_16 = tpu.matmul %mul3A_12, %get3A_15, %dot_general3A {dimension_numbers = #tpu.dot_dimension_numbers<[1], [0], [0], [1], [0, 0, 1, 1], [], []>, precision = #tpu.contract_precision<fp32>, transpose_lhs_hint = false} : vector<1280x128xf32>, vector<128x128xf32>, vector<1280x128xf32> -> vector<1280x128xf32>
    %get3A_17 = arith.constant 0 : index
    %get3A_18 = arith.constant 0 : index
    %get3A_19 = vector.load %arg4[%get3A_17, %get3A_18] : memref<1x128xf32, #tpu.memory_space<vmem>>, vector<1x128xf32>
    %add3A_20 = vector.broadcast %get3A_19 : vector<1x128xf32> to vector<1280x128xf32>
    %add3A_21 = arith.addf %dot_general3A_16, %add3A_20 : vector<1280x128xf32>
    %max3A = arith.constant 0.000000e+00 : f32
    %max3A_22 = vector.broadcast %max3A : f32 to vector<1280x128xf32>
    %max3A_23 = arith.maximumf %add3A_21, %max3A_22 : vector<1280x128xf32>
    %get3A_24 = arith.constant 0 : index
    %get3A_25 = arith.constant 0 : index
    %get3A_26 = vector.load %arg5[%get3A_24, %get3A_25] : memref<128x40xf32, #tpu.memory_space<vmem>>, vector<128x40xf32>
    %dot_general3A_27 = arith.constant dense<0.000000e+00> : vector<1280x40xf32>
    %dot_general3A_28 = tpu.matmul %max3A_23, %get3A_26, %dot_general3A_27 {dimension_numbers = #tpu.dot_dimension_numbers<[1], [0], [0], [1], [0, 0, 1, 1], [], []>, precision = #tpu.contract_precision<fp32>, transpose_lhs_hint = false} : vector<1280x128xf32>, vector<128x40xf32>, vector<1280x40xf32> -> vector<1280x40xf32>
    %get3A_29 = arith.constant 0 : index
    %get3A_30 = arith.constant 0 : index
    %get3A_31 = vector.load %arg6[%get3A_29, %get3A_30] : memref<1x40xf32, #tpu.memory_space<vmem>>, vector<1x40xf32>
    %add3A_32 = vector.broadcast %get3A_31 : vector<1x40xf32> to vector<1280x40xf32>
    %add3A_33 = arith.addf %dot_general3A_28, %add3A_32 : vector<1280x40xf32>
    %swap3A = arith.constant 0 : index
    %swap3A_34 = arith.constant 0 : index
    %swap3A_35 = vector.load %arg7[%swap3A, %swap3A_34] : memref<1280x40xf32, #tpu.memory_space<vmem>>, vector<1280x40xf32>
    tpu.vector_store %arg7[%swap3A, %swap3A_34], %add3A_33 {strides = array<i32>} : memref<1280x40xf32, #tpu.memory_space<vmem>>, vector<1280x40xf32>,
    return
  }
  func.func @transform_0(%arg0: i32) -> (i32, i32, i32) {
    %c0_i32 = arith.constant 0 : i32
    %c0_i32_0 = arith.constant 0 : i32
    %c0_i32_1 = arith.constant 0 : i32
    return %c0_i32, %arg0, %c0_i32_0 : i32, i32, i32
  }
  func.func @transform_1(%arg0: i32) -> (i32, i32) {
    %c0_i32 = arith.constant 0 : i32
    %c0_i32_0 = arith.constant 0 : i32
    return %arg0, %c0_i32 : i32, i32
  }
  func.func @transform_2(%arg0: i32) -> (i32, i32) {
    %c0_i32 = arith.constant 0 : i32
    %c0_i32_0 = arith.constant 0 : i32
    %c0_i32_1 = arith.constant 0 : i32
    return %c0_i32, %c0_i32_0 : i32, i32
  }
  func.func @transform_3(%arg0: i32) -> (i32, i32) {
    %c0_i32 = arith.constant 0 : i32
    %c0_i32_0 = arith.constant 0 : i32
    %c0_i32_1 = arith.constant 0 : i32
    return %c0_i32, %c0_i32_0 : i32, i32
  }
  func.func @transform_4(%arg0: i32) -> (i32, i32) {
    %c0_i32 = arith.constant 0 : i32
    %c0_i32_0 = arith.constant 0 : i32
    %c0_i32_1 = arith.constant 0 : i32
    return %c0_i32, %c0_i32_0 : i32, i32
  }
  func.func @transform_5(%arg0: i32) -> (i32, i32) {
    %c0_i32 = arith.constant 0 : i32
    %c0_i32_0 = arith.constant 0 : i32
    %c0_i32_1 = arith.constant 0 : i32
    return %c0_i32, %c0_i32_0 : i32, i32
  }
  func.func @transform_6(%arg0: i32) -> (i32, i32) {
    %c0_i32 = arith.constant 0 : i32
    %c0_i32_0 = arith.constant 0 : i32
    return %arg0, %c0_i32 : i32, i32
  }
}

</mosaic_0001>

<sc_bundles>
// kernel: kernel.12.cloned.1.call-start
scs
__scs_entry_jumppad:
0x0: {  	(pc) =	sbr.rel $0x88, $3  }
0x1: {  	(tag) =	ssettag $0x0;
	lr =	simm.s32 $0x1  }
0x2: {  	[smem:$0x3F95] =	sst lr;
	_ =	strace $0xD0000000  }
0x3: {  	_ = 	snop  }
0x4: {  	_ = 	snop  }
0x5: {  	_ = 	snop  }
0x6: {  	_ = 	snop  }
0x7: {  	_ = 	snop  }
__scs_overlays_trampoline_lowered:
0x8: {  	[smem:$0x3FA4] =	sst s0  }
0x9: {  	[smem:$0x3FA5] =	sst s1  }
0xa: {  	[smem:$0x3FA6] =	sst s2  }
0xb: {  	[smem:$0x3FA7] =	sst s3  }
0xc: {  	[smem:$0x3FA8] =	sst s4  }
0xd: {  	[smem:$0x3FA9] =	sst s5  }
0xe: {  	[smem:$0x3FAA] =	sst s6  }
0xf: {  	[smem:$0x3FAB] =	sst s7  }
0x10: {  	[smem:$0x3FAC] =	sst s8  }
0x11: {  	[smem:$0x3FAD] =	sst s9;
	s0 =	simm.s32 @!p0 $0x0  }
0x12: {  	s1 =	sld [smem:$0x3F93];
	s0 =	simm.s32 @p0 $0x1  }
0x13: {  	[smem:$0x3FAE] =	sst s0;
	s0 =	simm.s32 @!p1 $0x0  }
0x14: {  	s2 =	sld [smem:$0x3F92];
	s0 =	simm.s32 @p1 $0x1  }
0x15: {  	[smem:$0x3FAF] =	sst s0;
	s0 =	simm.s32 @!p2 $0x0  }
0x16: {  	s3 =	sld [smem:$0x3FDB];
	s0 =	simm.s32 @p2 $0x1  }
0x17: {  	s4 =	simm.s32 $0x1BF5;
	[smem:$0x3FB1] =	sst s0  }
0x18: {  	s0 =	sld [smem:$0x3F94];
	_ =	swait.ge [sflag:s4], $0x0  }
0x19: {  	s7 =	sld [smem:$0x3F95]  }
0x1a: {  	s8 =	sadd.s32 $0xFFFFE003, lr  }
0x1b: {  	s9 =	sadd.s32 $0xFFFFFEF7, lr;
	s5 =	simm.s32 $0xFFFFFFFF;
	p2 =	slt.u32 s8, $0xFFFFF086  }
0x1c: {  	p1 =	slt.u32 s9, $0xF7A;
	s5 =	simm.s32 @!p2 $0x0  }
0x1d: {  	s5 =	simm.s32 @p1 $0x1;
	p0 =	seq.s32 s7, s2  }
0x1e: {  	s7 =	smul.u32 @!p0 $0xF7A, s2;
	p2 =	seq.s32 @!p0 s5, $0x0  }
0x1f: {  	s9 =	smul.u32 $0xF7A, s1;
	s8 =	simm.s32 @!p0 $0x1BF5;
	p2 =	por !p2, p0  }
0x20: {  	[sflag:s8] =	ssyncset.s32 @!p0 $0xFFFFF086;
	s6 =	sadd.s32 @!p0 s3, s7;
	s7 =	simm.s32 @!p0 $0x108  }
0x21: {  	s3 =	sadd.s32 s3, s9;
	s6 =	sadd.s32 @!p0 $0x88, s6;
	s7 =	simm.s32 @p2 $0x1082  }
0x22: {  	[simem:s7], [sflag:s8] =	dma.local @!p0 [hbm:s6], $0xF7A  }
0x23: {  	s9 =	sor.u32 $0xD0000000, s2;
	s6 =	simm.s32 $0x108;
	_ =	swait.ge @!p0 [sflag:s8], $0x0  }
0x24: {  	s3 =	sadd.s32 $0x88, s3;
	s6 =	simm.s32 @!p1 $0x1082;
	[sflag:s4] =	ssyncset.s32 $0xFFFFF086  }
0x25: {  	[simem:s6], [sflag:s4] =	dma.local [hbm:s3], $0xF7A  }
0x26: {  	[smem:$0x3F95] =	sst s1;
	(tag) =	ssettag s2;
	_ =	strace s9  }
0x27: {  	s1 =	sld [smem:$0x3FA5]  }
0x28: {  	s2 =	sld [smem:$0x3FA6]  }
0x29: {  	s4 =	sld [smem:$0x3FA8]  }
0x2a: {  	p0 =	seq.s32 s5, $0x0;
	s5 =	sld [smem:$0x3FA9]  }
0x2b: {  	s6 =	sld [smem:$0x3FAA]  }
0x2c: {  	s7 =	sld [smem:$0x3FAB]  }
0x2d: {  	s3 =	simm.s32 $0x108;
	s8 =	sld [smem:$0x3FAC]  }
0x2e: {  	s3 =	simm.s32 @!p0 $0x1082;
	s9 =	sld [smem:$0x3FAD]  }
0x2f: {  	lr =	sadd.s32 s0, s3;
	s0 =	sld [smem:$0x3FA4]  }
0x30: {  	s3 =	sld [smem:$0x3FA7]  }
0x31: {  	[smem:$0x3FB0] =	sst s10  }
0x32: {  	s10 =	sld [smem:$0x3FAE];
	_ =	sdelay $0x3  }
0x33: {  	p0 =	seq.s32 s10, $0x1;
	s10 =	sld [smem:$0x3FB0];
	_ =	sdelay $0x3  }
0x34: {  	[smem:$0x3FB0] =	sst s10  }
0x35: {  	s10 =	sld [smem:$0x3FAF];
	_ =	sdelay $0x3  }
0x36: {  	p1 =	seq.s32 s10, $0x1;
	s10 =	sld [smem:$0x3FB0];
	_ =	sdelay $0x3  }
0x37: {  	[smem:$0x3FB0] =	sst s10  }
0x38: {  	s10 =	sld [smem:$0x3FB1]  }
0x39: {  	_ = 	snop;
	(pc) =	sbr.ind lr, $3  }
0x3a: {  	_ = 	snop  }
0x3b: {  	_ = 	snop  }
0x3c: {  	p2 =	seq.s32 s10, $0x1;
	s10 =	sld [smem:$0x3FB0]  }
0x3d: {  	_ =	shalt  }
0x3e: {  	_ =	shalt  }
0x3f: {  	_ =	shalt  }
0x40: {  	_ =	shalt  }
0x41: {  	_ =	shalt  }
0x42: {  	_ =	shalt  }
0x43: {  	_ =	shalt  }
0x44: {  	_ =	shalt  }
0x45: {  	_ =	shalt  }
0x46: {  	_ =	shalt  }
0x47: {  	_ =	shalt  }
0x48: {  	_ =	shalt  }
0x49: {  	_ =	shalt  }
0x4a: {  	_ =	shalt  }
0x4b: {  	_ =	shalt  }
0x4c: {  	_ =	shalt  }
0x4d: {  	_ =	shalt  }
0x4e: {  	_ =	shalt  }
0x4f: {  	_ =	shalt  }
0x50: {  	_ =	shalt  }
0x51: {  	_ =	shalt  }
0x52: {  	_ =	shalt  }
0x53: {  	_ =	shalt  }
0x54: {  	_ =	shalt  }
0x55: {  	_ =	shalt  }
0x56: {  	_ =	shalt  }
0x57: {  	_ =	shalt  }
0x58: {  	_ =	shalt  }
0x59: {  	_ =	shalt  }
0x5a: {  	_ =	shalt  }
0x5b: {  	_ =	shalt  }
0x5c: {  	_ =	shalt  }
0x5d: {  	_ =	shalt  }
0x5e: {  	_ =	shalt  }
0x5f: {  	_ =	shalt  }
0x60: {  	_ =	shalt  }
0x61: {  	_ =	shalt  }
0x62: {  	_ =	shalt  }
0x63: {  	_ =	shalt  }
0x64: {  	_ =	shalt  }
0x65: {  	_ =	shalt  }
0x66: {  	_ =	shalt  }
0x67: {  	_ =	shalt  }
0x68: {  	_ =	shalt  }
0x69: {  	_ =	shalt  }
0x6a: {  	_ =	shalt  }
0x6b: {  	_ =	shalt  }
0x6c: {  	_ =	shalt  }
0x6d: {  	_ =	shalt  }
0x6e: {  	_ =	shalt  }
0x6f: {  	_ =	shalt  }
0x70: {  	_ =	shalt  }
0x71: {  	_ =	shalt  }
0x72: {  	_ =	shalt  }
0x73: {  	_ =	shalt  }
0x74: {  	_ =	shalt  }
0x75: {  	_ =	shalt  }
0x76: {  	_ =	shalt  }
0x77: {  	_ =	shalt  }
0x78: {  	_ =	shalt  }
0x79: {  	_ =	shalt  }
0x7a: {  	_ =	shalt  }
0x7b: {  	_ =	shalt  }
0x7c: {  	_ =	shalt  }
0x7d: {  	_ =	shalt  }
0x7e: {  	_ =	shalt  }
0x7f: {  	_ =	shalt  }
0x80: {  	_ =	shalt  }
0x81: {  	_ =	shalt  }
0x82: {  	_ =	shalt  }
0x83: {  	_ =	shalt  }
0x84: {  	_ =	shalt  }
0x85: {  	_ =	shalt  }
0x86: {  	_ =	shalt  }
0x87: {  	_ =	shalt  }
.Lfunc_end0:
.L_simem_size_0:
called_computation_lowered:
.L_overlay_start_0:
0x88: {  	s2 =	sld [smem:$0x3FD9]  }
0x89: {  	s3 =	sld [smem:$0x3FFE];
	_ =	sdelay $0x1  }
0x8a: {  	s1 =	srdreg.scid  }
0x8b: {  	s0 =	sand.u32 $0x1, s1  }
0x8c: {  	s17 =	sshll.u32 s0, $0xA;
	s2 =	sadd.s32 s3, s2  }
0x8d: {  	s2 =	sadd.s32 s2, s17  }
0x8e: {  	[smem:$0x3FBC] =	sst s2  }
0x8f: {  	_ = 	snop  }
0x90: {  	s2 =	sld [smem:$0x3FD0];
	(tm) =	ssettm $0x1  }
0x91: {  	s18 =	sld [smem:$0x3FFB];
	_ =	sdelay $0x3  }
0x92: {  	_ =	strace s18  }
0x93: {  	s3 =	sld [smem:$0x3FFC];
	_ =	sdelay $0x3  }
0x94: {  	_ =	strace s3  }
0x95: {  	s3 =	sld [smem:$0x3FFD];
	_ =	sdelay $0x3  }
0x96: {  	_ =	strace s3  }
0x97: {  	_ =	strace $0x8FFFFFFF  }
0x98: {  	s19 =	sld [smem:$0x3FDB];
	_ =	sdelay $0x1  }
0x99: {  	s4 =	simm.s32 $_scs_section_size  }
0x9a: {  	s5 =	simm.s32 $_size__tile_overlayer_lowered;
	s6 =	simm.s32 $_tile_overlayer_lowered  }
0x9b: {  	s22 =	simm.s32 $0x1BFF;
	s21 =	sshll.u32 s6, $0x1;
	s3 =	sadd.s32 s4, s19  }
0x9c: {  	s7 =	simm.s32 $0x0;
	s20 =	sshll.u32 s5, $0x1;
	s5 =	sadd.s32 s21, s3  }
0x9d: {  	[timem:s7], [sflag:s22] =	dma.local [hbm:s5], s20  }
0x9e: {  	_ =	swait.ge [sflag:s22], s20  }
0x9f: {  	s4 =	ssub.s32 $0x0, s20;
	[sflag:s22] =	ssyncset.done $0x0  }
0xa0: {  	[sflag:s22] =	ssyncadd.s32 s4;
	_ =	sdelay $0x1  }
0xa1: {  	s23 =	simm.s32 $0x1B8B  }
0xa2: {  	_ =	swait.ge [sflag:s23], $0x1  }
0xa3: {  	[sflag:s23] =	ssyncset.done $0x0  }
0xa4: {  	s25 =	simm.s32 $0x1B8E;
	s24 =	sld [smem:$0x3FFE];
	[sflag:s23] =	ssyncadd.s32 $0xFFFFFFFF  }
0xa5: {  	s26 =	simm.s32 $execute0_lowered;
	[smem:$0x3FD2] =	sst s25  }
0xa6: {  	s5 =	sshll.u32 s26, $0x1;
	_ =	strace $0x80000046;
	[dreg:$0x1] =	wrdreg $0xFFFFFFFF  }
0xa7: {  	s28 =	simm.s32 $_size_execute0_lowered;
	s3 =	sadd.s32 s3, s5;
	[dreg:$0x0] =	wrdreg $0x0  }
0xa8: {  	s5 =	sshll.u32 s28, $0x1;
	[dreg:$0x2] =	wrdreg s3  }
0xa9: {  	[dreg:$0x3] =	wrdreg s5  }
0xaa: {  	[dreg:$0x4] =	wrdreg $0xC0  }
0xab: {  	_ =	task [dreg:s7], $0x5FFFF  }
0xac: {  	[dreg:$0x1] =	wrdreg $0xFFFFFFFF  }
0xad: {  	[dreg:$0x0] =	wrdreg $0x60  }
0xae: {  	[dreg:$0x2] =	wrdreg s24  }
0xaf: {  	[dreg:$0x3] =	wrdreg s2  }
0xb0: {  	[dreg:$0x4] =	wrdreg $0x9  }
0xb1: {  	_ =	task.clear_ibuf [dreg:s7], $0x5FFFF;
	_ =	strace $0x90000046  }
0xb2: {  	s29 =	simm.s32 $0x9;
	_ =	strace $0x80000048  }
0xb3: {  	_ =	swait.ge [sflag:s29], $0x1  }
0xb4: {  	[sflag:s29] =	ssyncadd.s32 $0xFFFFFFFF  }
0xb5: {  	_ =	strace $0x90000048  }
0xb6: {  	_ =	sfence  }
0xb7: {  	s30 =	sld [smem:$0x0];
	_ =	sdelay $0x2  }
0xb8: {  	s31 =	sshll.u32 s1, $0xD;
	s1 =	sshrl.u32 s1, $0x2  }
0xb9: {  	s3 =	sand.u32 $0x4000, s31;
	s1 =	sadd.s32 s1, s30  }
0xba: {  	s0 =	sor.u32 s3, s0;
	s1 =	sshll.u32 s1, $0x11  }
0xbb: {  	s0 =	sor.u32 s1, s0  }
0xbc: {  	s0 =	sadd.s32 $0x8F2B, s0  }
0xbd: {  	[sflag:s0] =	ssyncadd.remote.s32 $0x1  }
0xbe: {  	_ =	sfence.sel $0xFFFF  }
0xbf: {  	[dreg:$0x0] =	wrdreg $0xFFFFFFFF;
	(pc) =	sbr.abs _section_cstart, $3  }
0xc0: {  	[dreg:$0x1] =	wrdreg $0xFFFFFFFF  }
0xc1: {  	_ =	task.clear_ibuf [dreg:s7], $0x2FFFF;
	_ =	strace $0x9FFFFFFF  }
0xc2: {  	(tm) =	ssettm $0x7FFFFFFF  }
0xc3: {  	_ =	shalt  }
tec
execute0_lowered:
.L_overlay_start_1:
0x0: {  	(tag) =	ssettag $0x1  }
0x1: {  	s4 =	rddreg [dreg:$0x0]  }
0x2: {  	s0 =	srdreg.scid;
	s6 =	rddreg [dreg:$0x1]  }
0x3: {  	s2 =	simm.s32 $0x0;
	s11 =	simm.s32 $0x7700;
	s12 =	simm.s32 $0x2780  }
0x4: {  	s13 =	simm.s32 $0x80;
	s14 =	simm.s32 $0x400;
	s3 =	sand.u32 $0x1, s0  }
0x5: {  	s15 =	simm.s32 $0x0;
	s0 =	stileid.u32;
	s1 =	sshll.u32 s3, $0x4  }
0x6: {  	[smem:$0x7FF] =	sst s2;
	s8 =	sshll.u32 s0, $0x7;
	s5 =	sor.u32 s0, s1  }
0x7: {  	s31 =	ssub.s32 $0x2, s3;
	s7 =	sshrl.u32 s5, $0x3;
	s5 =	smul.u32 $0x4E2, s5  }
0x8: {  	s3 =	sadd.s32 $0x18000, s4;
	s1 =	rddreg [dreg:$0x2];
	s7 =	smul.u32 $0x14000, s7  }
0x9: {  	s8 =	sand.u32 $0x380, s8;
	_ =	strace $0x80000047;
	s9 =	sshrl.u32 s31, $0x1  }
0xa: {  	s5 =	sadd.s32 s5, s4;
	s7 =	sor.u32 s8, s7;
	s8 =	ssub.s32 s31, s9  }
0xb: {  	s9 =	simm.s32 $0x4F00;
	s7 =	sshrl.u32 s7, $0x3;
	s8 =	smax.u32 s8, $0x1  }
0xc: {  	s10 =	sadd.s32 s7, s4;
	s4 =	sadd.s32 $0x4400, s5;
	s5 =	sadd.s32 $0xE200, s5  }
0xd: {  	v0 =	vimm.f32 $1.000000000e+00;
	s6 =	sadd.s32 s6, s7;
	s7 =	sadd.s32 $0x18600, s10;
	s10 =	simm.s32 $0x1  }
.LBB2_1:
0xe: {  	[tilespmem:s9], [sflag:$0x1] =	stream.linear.gather [hbm4b:s3+s2], $0x2800, $0x38;
	[tilespmem:$0x9F00] =	vst v63  }
0xf: {  	_ =	swait.ge [sflag:s10], $0x2800  }
0x10: {  	[sflag:s10] =	ssyncset.done $0x0  }
0x11: {  	[sflag:s10] =	ssyncadd.s32 $0xFFFFD800  }
0x12: {  	[tilespmem:s11], [sflag:$0x1] =	stream.linear.gather [hbm4b:s3+s2], $0x2800, $0x38;
	[tilespmem:$0x9F00] =	vst v63  }
0x13: {  	_ =	swait.ge [sflag:s10], $0x2800  }
0x14: {  	[sflag:s10] =	ssyncset.done $0x0  }
0x15: {  	[sflag:s10] =	ssyncadd.s32 $0xFFFFD800  }
0x16: {  	[tilespmem:s2], [sflag:$0x1] =	stream.linear.gather [hbm4b:s4+s2], $0x2710, $0x38;
	[tilespmem:$0x9F00] =	vst v63  }
0x17: {  	_ =	swait.ge [sflag:s10], $0x2710  }
0x18: {  	[sflag:s10] =	ssyncset.done $0x0  }
0x19: {  	[sflag:s10] =	ssyncadd.s32 $0xFFFFD8F0  }
0x1a: {  	[tilespmem:s12], [sflag:$0x1] =	stream.linear.gather [hbm4b:s5+s2], $0x2710, $0x38;
	[tilespmem:$0x9F00] =	vst v63  }
0x1b: {  	_ =	swait.ge [sflag:s10], $0x2710  }
0x1c: {  	[sflag:s10] =	ssyncset.done $0x0  }
0x1d: {  	s17 =	simm.s32 $0x0;
	[sflag:s10] =	ssyncadd.s32 $0xFFFFD8F0  }
0x1e: {  	s16 =	simm.s32 $0x40;
	v1 =	vld [tilespmem:s17+$0x0]  }
.LBB2_2:
0x1f: {  	p0 =	sne.s32 s16, $0x9C00;
	v2 =	vld [tilespmem:s17+$0x2780];
	_ =	sdelay $0x4  }
.Ltmp0:
0x20: {  	(pc) =	sbr.rel @p0 .LBB2_2-.Ltmp0, $4  }
0x21: {  	_ = 	snop  }
0x22: {  	[tilespmem:v1+s9+$0x0] =	vst.idx.add.f32.msk $0xffff, v0  }
0x23: {  	s17 =	sshra.s32 s16, $0x2;
	[tilespmem:v2+s11+$0x0] =	vst.idx.add.f32.msk $0xffff, v0  }
0x24: {  	s16 =	sadd.s32 $0x40, s16;
	v1 =	vld [tilespmem:s17+$0x0]  }
0x25: {  	_ = 	snop  }
0x26: {  	v2 =	vld [tilespmem:s17+$0x2780];
	_ =	sdelay $0x6  }
0x27: {  	[tilespmem:v1+s9+$0x0] =	vst.idx.add.f32.msk $0xffff, v0  }
0x28: {  	[tilespmem:v2+s11+$0x0] =	vst.idx.add.f32.msk $0xffff, v0  }
0x29: {  	[hbm4b:s6+s13] =	stream.strided.scatter [tilespmem:s9], [sflag:$0x1], $0x2800, s14, s13, $0x38;
	[tilespmem:$0x9F00] =	vst v63  }
0x2a: {  	s15 =	sadd.s32 $0x1, s15;
	_ =	swait.ge [sflag:s10], $0x2800  }
0x2b: {  	p0 =	sne.s32 s15, s8;
	[sflag:s10] =	ssyncset.done $0x0  }
.Ltmp1:
0x2c: {  	[sflag:s10] =	ssyncadd.s32 $0xFFFFD800;
	(pc) =	sbr.rel @p0 .LBB2_1-.Ltmp1, $4  }
0x2d: {  	[hbm4b:s7+s13] =	stream.strided.scatter [tilespmem:s11], [sflag:$0x1], $0x2800, s14, s13, $0x38;
	[tilespmem:$0x9F00] =	vst v63  }
0x2e: {  	_ =	swait.ge [sflag:s10], $0x2800  }
0x2f: {  	[sflag:s10] =	ssyncset.done $0x0  }
0x30: {  	[sflag:s10] =	ssyncadd.s32 $0xFFFFD800  }
0x31: {  	_ =	sfence.sel $0x180000  }
0x32: {  	[bflag:$0x0] =	sbarrier.arrive $0xFFFF  }
0x33: {  	p0 =	sne.s32 s0, $0x0;
	_ =	strace $0x90000047  }
0x34: {  	s0 =	sadd.s32 @!p0 $0x100000, s1;
	[bflag:$0x2] =	sbarrier.arrive $0xFFFF  }
0x35: {  	[sflag:s0] =	ssyncadd.tile.s32 @!p0 $0x1;
	_ =	shalt  }
.Lfunc_end2:
_tile_overlayer_lowered:
.L_overlay_start_2:
0x36: {  	(tag) =	ssettag $0x2  }
0x37: {  	s0 =	rddreg [dreg:$0x0];
	s2 =	stileid.u32  }
0x38: {  	s1 =	rddreg [dreg:$0x1];
	p0 =	sne.s32 s2, $0x0  }
0x39: {  	s3 =	rddreg [dreg:$0x2];
	[bflag:$0x3] =	sbarrier.arrive $0xFFFF;
	s2 =	simm.s32 @!p0 $0x1C01  }
0x3a: {  	[timem:s3], [sflag:s2] =	dma.local @!p0 [hbm:s0], s1  }
0x3b: {  	s0 =	simm.s32 @!p0 $0x1  }
0x3c: {  	_ =	swait.ge @!p0 [sflag:s0], s1  }
0x3d: {  	s1 =	ssub.s32 @!p0 $0x0, s1;
	[sflag:s0] =	ssyncset.done @!p0 $0x0  }
0x3e: {  	[sflag:s0] =	ssyncadd.s32 @!p0 s1  }
0x3f: {  	[bflag:$0x3] =	sbarrier.arrive $0xFFFF  }
0x40: {  	_ =	shalt  }

// kernel: kernel.15.cloned.1.call-start
scs
__scs_entry_jumppad:
0x0: {  	(pc) =	sbr.rel $0x88, $3  }
0x1: {  	(tag) =	ssettag $0x0;
	lr =	simm.s32 $0x1  }
0x2: {  	[smem:$0x3F95] =	sst lr;
	_ =	strace $0xD0000000  }
0x3: {  	_ = 	snop  }
0x4: {  	_ = 	snop  }
0x5: {  	_ = 	snop  }
0x6: {  	_ = 	snop  }
0x7: {  	_ = 	snop  }
__scs_overlays_trampoline_lowered:
0x8: {  	[smem:$0x3FA4] =	sst s0  }
0x9: {  	[smem:$0x3FA5] =	sst s1  }
0xa: {  	[smem:$0x3FA6] =	sst s2  }
0xb: {  	[smem:$0x3FA7] =	sst s3  }
0xc: {  	[smem:$0x3FA8] =	sst s4  }
0xd: {  	[smem:$0x3FA9] =	sst s5  }
0xe: {  	[smem:$0x3FAA] =	sst s6  }
0xf: {  	[smem:$0x3FAB] =	sst s7  }
0x10: {  	[smem:$0x3FAC] =	sst s8  }
0x11: {  	[smem:$0x3FAD] =	sst s9;
	s0 =	simm.s32 @!p0 $0x0  }
0x12: {  	s1 =	sld [smem:$0x3F93];
	s0 =	simm.s32 @p0 $0x1  }
0x13: {  	[smem:$0x3FAE] =	sst s0;
	s0 =	simm.s32 @!p1 $0x0  }
0x14: {  	s2 =	sld [smem:$0x3F92];
	s0 =	simm.s32 @p1 $0x1  }
0x15: {  	[smem:$0x3FAF] =	sst s0;
	s0 =	simm.s32 @!p2 $0x0  }
0x16: {  	s3 =	sld [smem:$0x3FDB];
	s0 =	simm.s32 @p2 $0x1  }
0x17: {  	s4 =	simm.s32 $0x1BF5;
	[smem:$0x3FB1] =	sst s0  }
0x18: {  	s0 =	sld [smem:$0x3F94];
	_ =	swait.ge [sflag:s4], $0x0  }
0x19: {  	s7 =	sld [smem:$0x3F95]  }
0x1a: {  	s8 =	sadd.s32 $0xFFFFE003, lr  }
0x1b: {  	s9 =	sadd.s32 $0xFFFFFEF7, lr;
	s5 =	simm.s32 $0xFFFFFFFF;
	p2 =	slt.u32 s8, $0xFFFFF086  }
0x1c: {  	p1 =	slt.u32 s9, $0xF7A;
	s5 =	simm.s32 @!p2 $0x0  }
0x1d: {  	s5 =	simm.s32 @p1 $0x1;
	p0 =	seq.s32 s7, s2  }
0x1e: {  	s7 =	smul.u32 @!p0 $0xF7A, s2;
	p2 =	seq.s32 @!p0 s5, $0x0  }
0x1f: {  	s9 =	smul.u32 $0xF7A, s1;
	s8 =	simm.s32 @!p0 $0x1BF5;
	p2 =	por !p2, p0  }
0x20: {  	[sflag:s8] =	ssyncset.s32 @!p0 $0xFFFFF086;
	s6 =	sadd.s32 @!p0 s3, s7;
	s7 =	simm.s32 @!p0 $0x108  }
0x21: {  	s3 =	sadd.s32 s3, s9;
	s6 =	sadd.s32 @!p0 $0x88, s6;
	s7 =	simm.s32 @p2 $0x1082  }
0x22: {  	[simem:s7], [sflag:s8] =	dma.local @!p0 [hbm:s6], $0xF7A  }
0x23: {  	s9 =	sor.u32 $0xD0000000, s2;
	s6 =	simm.s32 $0x108;
	_ =	swait.ge @!p0 [sflag:s8], $0x0  }
0x24: {  	s3 =	sadd.s32 $0x88, s3;
	s6 =	simm.s32 @!p1 $0x1082;
	[sflag:s4] =	ssyncset.s32 $0xFFFFF086  }
0x25: {  	[simem:s6], [sflag:s4] =	dma.local [hbm:s3], $0xF7A  }
0x26: {  	[smem:$0x3F95] =	sst s1;
	(tag) =	ssettag s2;
	_ =	strace s9  }
0x27: {  	s1 =	sld [smem:$0x3FA5]  }
0x28: {  	s2 =	sld [smem:$0x3FA6]  }
0x29: {  	s4 =	sld [smem:$0x3FA8]  }
0x2a: {  	p0 =	seq.s32 s5, $0x0;
	s5 =	sld [smem:$0x3FA9]  }
0x2b: {  	s6 =	sld [smem:$0x3FAA]  }
0x2c: {  	s7 =	sld [smem:$0x3FAB]  }
0x2d: {  	s3 =	simm.s32 $0x108;
	s8 =	sld [smem:$0x3FAC]  }
0x2e: {  	s3 =	simm.s32 @!p0 $0x1082;
	s9 =	sld [smem:$0x3FAD]  }
0x2f: {  	lr =	sadd.s32 s0, s3;
	s0 =	sld [smem:$0x3FA4]  }
0x30: {  	s3 =	sld [smem:$0x3FA7]  }
0x31: {  	[smem:$0x3FB0] =	sst s10  }
0x32: {  	s10 =	sld [smem:$0x3FAE];
	_ =	sdelay $0x3  }
0x33: {  	p0 =	seq.s32 s10, $0x1;
	s10 =	sld [smem:$0x3FB0];
	_ =	sdelay $0x3  }
0x34: {  	[smem:$0x3FB0] =	sst s10  }
0x35: {  	s10 =	sld [smem:$0x3FAF];
	_ =	sdelay $0x3  }
0x36: {  	p1 =	seq.s32 s10, $0x1;
	s10 =	sld [smem:$0x3FB0];
	_ =	sdelay $0x3  }
0x37: {  	[smem:$0x3FB0] =	sst s10  }
0x38: {  	s10 =	sld [smem:$0x3FB1]  }
0x39: {  	_ = 	snop;
	(pc) =	sbr.ind lr, $3  }
0x3a: {  	_ = 	snop  }
0x3b: {  	_ = 	snop  }
0x3c: {  	p2 =	seq.s32 s10, $0x1;
	s10 =	sld [smem:$0x3FB0]  }
0x3d: {  	_ =	shalt  }
0x3e: {  	_ =	shalt  }
0x3f: {  	_ =	shalt  }
0x40: {  	_ =	shalt  }
0x41: {  	_ =	shalt  }
0x42: {  	_ =	shalt  }
0x43: {  	_ =	shalt  }
0x44: {  	_ =	shalt  }
0x45: {  	_ =	shalt  }
0x46: {  	_ =	shalt  }
0x47: {  	_ =	shalt  }
0x48: {  	_ =	shalt  }
0x49: {  	_ =	shalt  }
0x4a: {  	_ =	shalt  }
0x4b: {  	_ =	shalt  }
0x4c: {  	_ =	shalt  }
0x4d: {  	_ =	shalt  }
0x4e: {  	_ =	shalt  }
0x4f: {  	_ =	shalt  }
0x50: {  	_ =	shalt  }
0x51: {  	_ =	shalt  }
0x52: {  	_ =	shalt  }
0x53: {  	_ =	shalt  }
0x54: {  	_ =	shalt  }
0x55: {  	_ =	shalt  }
0x56: {  	_ =	shalt  }
0x57: {  	_ =	shalt  }
0x58: {  	_ =	shalt  }
0x59: {  	_ =	shalt  }
0x5a: {  	_ =	shalt  }
0x5b: {  	_ =	shalt  }
0x5c: {  	_ =	shalt  }
0x5d: {  	_ =	shalt  }
0x5e: {  	_ =	shalt  }
0x5f: {  	_ =	shalt  }
0x60: {  	_ =	shalt  }
0x61: {  	_ =	shalt  }
0x62: {  	_ =	shalt  }
0x63: {  	_ =	shalt  }
0x64: {  	_ =	shalt  }
0x65: {  	_ =	shalt  }
0x66: {  	_ =	shalt  }
0x67: {  	_ =	shalt  }
0x68: {  	_ =	shalt  }
0x69: {  	_ =	shalt  }
0x6a: {  	_ =	shalt  }
0x6b: {  	_ =	shalt  }
0x6c: {  	_ =	shalt  }
0x6d: {  	_ =	shalt  }
0x6e: {  	_ =	shalt  }
0x6f: {  	_ =	shalt  }
0x70: {  	_ =	shalt  }
0x71: {  	_ =	shalt  }
0x72: {  	_ =	shalt  }
0x73: {  	_ =	shalt  }
0x74: {  	_ =	shalt  }
0x75: {  	_ =	shalt  }
0x76: {  	_ =	shalt  }
0x77: {  	_ =	shalt  }
0x78: {  	_ =	shalt  }
0x79: {  	_ =	shalt  }
0x7a: {  	_ =	shalt  }
0x7b: {  	_ =	shalt  }
0x7c: {  	_ =	shalt  }
0x7d: {  	_ =	shalt  }
0x7e: {  	_ =	shalt  }
0x7f: {  	_ =	shalt  }
0x80: {  	_ =	shalt  }
0x81: {  	_ =	shalt  }
0x82: {  	_ =	shalt  }
0x83: {  	_ =	shalt  }
0x84: {  	_ =	shalt  }
0x85: {  	_ =	shalt  }
0x86: {  	_ =	shalt  }
0x87: {  	_ =	shalt  }
.Lfunc_end0:
.L_simem_size_0:
called_computation.1_lowered:
.L_overlay_start_0:
0x88: {  	s2 =	sld [smem:$0x3FD9]  }
0x89: {  	s3 =	sld [smem:$0x3FFE];
	_ =	sdelay $0x1  }
0x8a: {  	s1 =	srdreg.scid  }
0x8b: {  	s0 =	sand.u32 $0x1, s1  }
0x8c: {  	s16 =	sshll.u32 s0, $0xA;
	s2 =	sadd.s32 s3, s2  }
0x8d: {  	s2 =	sadd.s32 s2, s16  }
0x8e: {  	[smem:$0x3FBC] =	sst s2  }
0x8f: {  	_ = 	snop  }
0x90: {  	(tm) =	ssettm $0x1  }
0x91: {  	s17 =	sld [smem:$0x3FFB];
	_ =	sdelay $0x3  }
0x92: {  	_ =	strace s17  }
0x93: {  	s2 =	sld [smem:$0x3FFC];
	_ =	sdelay $0x3  }
0x94: {  	_ =	strace s2  }
0x95: {  	s2 =	sld [smem:$0x3FFD];
	_ =	sdelay $0x3  }
0x96: {  	_ =	strace s2  }
0x97: {  	_ =	strace $0x8FFFFFFF  }
0x98: {  	s18 =	sld [smem:$0x3FDB];
	_ =	sdelay $0x1  }
0x99: {  	s19 =	simm.s32 $_scs_section_size  }
0x9a: {  	s4 =	simm.s32 $_size__tile_overlayer_lowered;
	s5 =	simm.s32 $_tile_overlayer_lowered  }
0x9b: {  	s22 =	simm.s32 $0x1BFF;
	s21 =	sshll.u32 s5, $0x1;
	s2 =	sadd.s32 s19, s18  }
0x9c: {  	s6 =	simm.s32 $0x0;
	s20 =	sshll.u32 s4, $0x1;
	s4 =	sadd.s32 s21, s2  }
0x9d: {  	[timem:s6], [sflag:s22] =	dma.local [hbm:s4], s20  }
0x9e: {  	_ =	swait.ge [sflag:s22], s20  }
0x9f: {  	s3 =	ssub.s32 $0x0, s20;
	[sflag:s22] =	ssyncset.done $0x0  }
0xa0: {  	[sflag:s22] =	ssyncadd.s32 s3;
	_ =	sdelay $0x1  }
0xa1: {  	s23 =	simm.s32 $0x1B8B  }
0xa2: {  	_ =	swait.ge [sflag:s23], $0x1  }
0xa3: {  	[sflag:s23] =	ssyncset.done $0x0  }
0xa4: {  	s25 =	simm.s32 $0x1B8E;
	s24 =	sld [smem:$0x3FFE];
	[sflag:s23] =	ssyncadd.s32 $0xFFFFFFFF  }
0xa5: {  	s26 =	simm.s32 $execute0_lowered;
	[smem:$0x3FD2] =	sst s25  }
0xa6: {  	s4 =	sshll.u32 s26, $0x1;
	_ =	strace $0x80000049;
	[dreg:$0x1] =	wrdreg $0xFFFFFFFF  }
0xa7: {  	s28 =	simm.s32 $_size_execute0_lowered;
	s2 =	sadd.s32 s2, s4;
	[dreg:$0x0] =	wrdreg $0x0  }
0xa8: {  	s4 =	sshll.u32 s28, $0x1;
	[dreg:$0x2] =	wrdreg s2  }
0xa9: {  	[dreg:$0x3] =	wrdreg s4  }
0xaa: {  	[dreg:$0x4] =	wrdreg $0xC0  }
0xab: {  	_ =	task [dreg:s6], $0x5FFFF  }
0xac: {  	[dreg:$0x1] =	wrdreg $0xFFFFFFFF  }
0xad: {  	[dreg:$0x0] =	wrdreg $0x60  }
0xae: {  	[dreg:$0x2] =	wrdreg s24  }
0xaf: {  	[dreg:$0x3] =	wrdreg $0x52000  }
0xb0: {  	[dreg:$0x4] =	wrdreg $0x9  }
0xb1: {  	_ =	task.clear_ibuf [dreg:s6], $0x5FFFF;
	_ =	strace $0x90000049  }
0xb2: {  	s29 =	simm.s32 $0x9;
	_ =	strace $0x8000004B  }
0xb3: {  	_ =	swait.ge [sflag:s29], $0x1  }
0xb4: {  	[sflag:s29] =	ssyncadd.s32 $0xFFFFFFFF  }
0xb5: {  	_ =	strace $0x9000004B  }
0xb6: {  	_ =	sfence  }
0xb7: {  	s30 =	sld [smem:$0x0];
	_ =	sdelay $0x2  }
0xb8: {  	s31 =	sshll.u32 s1, $0xD;
	s1 =	sshrl.u32 s1, $0x2  }
0xb9: {  	s3 =	sand.u32 $0x4000, s31;
	s1 =	sadd.s32 s1, s30  }
0xba: {  	s0 =	sor.u32 s3, s0;
	s1 =	sshll.u32 s1, $0x11  }
0xbb: {  	s0 =	sor.u32 s1, s0  }
0xbc: {  	s0 =	sadd.s32 $0x8F2B, s0  }
0xbd: {  	[sflag:s0] =	ssyncadd.remote.s32 $0x1  }
0xbe: {  	_ =	sfence.sel $0xFFFF  }
0xbf: {  	[dreg:$0x0] =	wrdreg $0xFFFFFFFF;
	(pc) =	sbr.abs _section_cstart, $3  }
0xc0: {  	[dreg:$0x1] =	wrdreg $0xFFFFFFFF  }
0xc1: {  	_ =	task.clear_ibuf [dreg:s6], $0x2FFFF;
	_ =	strace $0x9FFFFFFF  }
0xc2: {  	(tm) =	ssettm $0x7FFFFFFF  }
0xc3: {  	_ =	shalt  }
tec
execute0_lowered:
.L_overlay_start_1:
0x0: {  	(tag) =	ssettag $0x1  }
0x1: {  	s0 =	rddreg [dreg:$0x0]  }
0x2: {  	s2 =	rddreg [dreg:$0x1]  }
0x3: {  	s3 =	simm.s32 $0x0;
	s12 =	stileid.u32;
	s1 =	srdreg.scid  }
0x4: {  	s28 =	simm.s32 $0x2A00;
	s29 =	simm.s32 $0x1;
	s30 =	simm.s32 $0x2  }
0x5: {  	s31 =	simm.s32 $0x0;
	[smem:$0x7FF] =	sst s3;
	s7 =	smul.u32 $0x14000, s12  }
0x6: {  	s1 =	sand.u32 $0x1, s1;
	s4 =	sadd.s32 $0x4A600, s0;
	s10 =	smul.u32 $0x50000, s12  }
0x7: {  	s5 =	sadd.s32 $0x4400, s0;
	s6 =	sadd.s32 $0xE200, s0;
	s21 =	smul.u32 $0x2710, s12  }
0x8: {  	s22 =	sshll.u32 s12, $0x6;
	_ =	strace $0x8000004A;
	s8 =	smul.u32 $0x140000, s1  }
0x9: {  	s19 =	sshll.u32 s1, $0x4;
	s20 =	ssub.s32 $0x2, s1;
	s1 =	smul.u32 $0x27100, s1  }
0xa: {  	s9 =	sshrl.u32 s7, $0x3;
	s11 =	sshrl.u32 s20, $0x1;
	s10 =	sshrl.u32 s10, $0x2  }
0xb: {  	s9 =	sadd.s32 s9, s0;
	s7 =	sadd.s32 s7, s8;
	s8 =	sor.u32 s12, s19  }
0xc: {  	s18 =	sadd.s32 s10, s2;
	s1 =	sadd.s32 s21, s1;
	s19 =	simm.s32 $0x5  }
0xd: {  	s21 =	simm.s32 $0x3;
	s7 =	sshrl.u32 s7, $0x3;
	s8 =	smul.u32 $0x2710, s8  }
0xe: {  	s9 =	sadd.s32 $0x72600, s9;
	s13 =	sadd.s32 $0xF0, s1;
	s17 =	sadd.s32 $0xA0, s1  }
0xf: {  	s18 =	sshrl.u32 s18, $0x3;
	s0 =	sadd.s32 s7, s0;
	s7 =	ssub.s32 s20, s11  }
0x10: {  	[dreg:$0x3] =	wrdreg s9;
	s16 =	sshrl.u32 s13, $0x3;
	s20 =	simm.s32 $0x80  }
0x11: {  	s23 =	sshrl.u32 s8, $0x3;
	s8 =	sor.u32 $0x1C05, s22;
	s13 =	sadd.s32 $0x9A600, s0  }
0x12: {  	s14 =	smax.u32 s7, $0x1;
	s15 =	sadd.s32 s16, s6;
	s16 =	sadd.s32 s16, s5  }
0x13: {  	s22 =	simm.s32 $0x50;
	s24 =	sadd.s32 s5, s23;
	s25 =	sadd.s32 s6, s23  }
0x14: {  	s26 =	sadd.s32 $0xA, s23;
	s23 =	simm.s32 $0x200;
	[dreg:$0x4] =	wrdreg s24  }
0x15: {  	[dreg:$0x5] =	wrdreg s25;
	s11 =	sadd.s32 s5, s26;
	s12 =	sadd.s32 s6, s26  }
0x16: {  	s24 =	simm.s32 $0x100;
	s25 =	simm.s32 $0x180;
	s26 =	simm.s32 $0x4  }
.LBB2_1:
0x17: {  	s0 =	rddreg [dreg:$0x3]  }
0x18: {  	[spmem:s18], [sflag:s8] =	dma.local [hbm:s0], $0x2800  }
0x19: {  	_ =	swait.ge [sflag:s19], $0x2800  }
0x1a: {  	[sflag:s19] =	ssyncset.done $0x0  }
0x1b: {  	[sflag:s19] =	ssyncadd.s32 $0xFFFFD800  }
0x1c: {  	[bflag:$0x0] =	sbarrier.arrive $0xFFFF  }
0x1d: {  	s1 =	rddreg [dreg:$0x4]  }
0x1e: {  	[tilespmem:s3], [sflag:$0x3] =	stream.linear.gather [hbm4b:s1+s3], $0x50, $0x38;
	[tilespmem:$0x19200] =	vst v63  }
0x1f: {  	s7 =	rddreg [dreg:$0x5]  }
0x20: {  	[tilespmem:s20], [sflag:$0x3] =	stream.linear.gather [hbm4b:s7+s3], $0x50, $0x38;
	[tilespmem:$0x19200] =	vst v63  }
0x21: {  	_ =	swait.ge [sflag:s21], $0x50  }
0x22: {  	[sflag:s21] =	ssyncset.done $0x0  }
0x23: {  	[sflag:s21] =	ssyncadd.s32 $0xFFFFFFB0  }
0x24: {  	_ =	swait.ge [sflag:s21], $0x50  }
0x25: {  	[sflag:s21] =	ssyncset.done $0x0  }
0x26: {  	[sflag:s21] =	ssyncadd.s32 $0xFFFFFFB0  }
0x27: {  	[tilespmem:s23], [sflag:$0x1] =	stream.indirect.gather [hbm4b:s4+s22], $0x80, s3, s22, $0xb8;
	[tilespmem:$0x19200] =	vst v63  }
0x28: {  	_ = 	snop  }
0x29: {  	[tilespmem:s24], [sflag:$0x4] =	stream.linear.gather [hbm4b:s11+s3], $0x50, $0x38;
	[tilespmem:$0x19200] =	vst v63  }
0x2a: {  	_ = 	snop  }
0x2b: {  	[tilespmem:s25], [sflag:$0x4] =	stream.linear.gather [hbm4b:s12+s3], $0x50, $0x38;
	[tilespmem:$0x19200] =	vst v63  }
0x2c: {  	_ =	swait.ge [sflag:s26], $0x50  }
0x2d: {  	[sflag:s26] =	ssyncset.done $0x0  }
0x2e: {  	[sflag:s26] =	ssyncadd.s32 $0xFFFFFFB0  }
0x2f: {  	_ =	swait.ge [sflag:s26], $0x50  }
0x30: {  	[sflag:s26] =	ssyncset.done $0x0  }
0x31: {  	[sflag:s26] =	ssyncadd.s32 $0xFFFFFFB0  }
0x32: {  	[tilespmem:s28], [sflag:$0x2] =	stream.indirect.gather [hbm4b:s4+s22], $0x80, s24, s22, $0xb8;
	[tilespmem:$0x19200] =	vst v63  }
0x33: {  	_ =	swait.ge [sflag:s29], $0x2800  }
0x34: {  	[sflag:s29] =	ssyncset.done $0x0  }
0x35: {  	[sflag:s29] =	ssyncadd.s32 $0xFFFFD800  }
0x36: {  	[spmem:s2] =	stream.indirect.scatter.add.f32 [tilespmem:s23], [sflag:$0x5], $0x80, s20, s22, $0xb8;
	[tilespmem:$0x19200] =	vst v63  }
0x37: {  	_ =	swait.ge [sflag:s19], $0x2800  }
0x38: {  	s9 =	sshrl.u32 s17, $0x3;
	[sflag:s19] =	ssyncset.done $0x0  }
0x39: {  	s1 =	sadd.s32 s5, s9;
	[sflag:s19] =	ssyncadd.s32 $0xFFFFD800  }
0x3a: {  	[tilespmem:s3], [sflag:$0x3] =	stream.linear.gather [hbm4b:s1+s3], $0x50, $0x38;
	[tilespmem:$0x19200] =	vst v63  }
0x3b: {  	s0 =	sadd.s32 s6, s9  }
0x3c: {  	[tilespmem:s20], [sflag:$0x3] =	stream.linear.gather [hbm4b:s0+s3], $0x50, $0x38;
	[tilespmem:$0x19200] =	vst v63  }
0x3d: {  	_ =	swait.ge [sflag:s21], $0x50  }
0x3e: {  	[sflag:s21] =	ssyncset.done $0x0  }
0x3f: {  	[sflag:s21] =	ssyncadd.s32 $0xFFFFFFB0  }
0x40: {  	_ =	swait.ge [sflag:s21], $0x50  }
0x41: {  	[sflag:s21] =	ssyncset.done $0x0  }
0x42: {  	[sflag:s21] =	ssyncadd.s32 $0xFFFFFFB0  }
0x43: {  	[tilespmem:s23], [sflag:$0x1] =	stream.indirect.gather [hbm4b:s4+s22], $0x80, s3, s22, $0xb8;
	[tilespmem:$0x19200] =	vst v63  }
0x44: {  	_ =	swait.ge [sflag:s30], $0x2800  }
0x45: {  	[sflag:s30] =	ssyncset.done $0x0  }
0x46: {  	[sflag:s30] =	ssyncadd.s32 $0xFFFFD800  }
0x47: {  	[spmem:s2] =	stream.indirect.scatter.add.f32 [tilespmem:s28], [sflag:$0x5], $0x80, s25, s22, $0xb8;
	[tilespmem:$0x19200] =	vst v63  }
0x48: {  	_ =	swait.ge [sflag:s19], $0x2800  }
0x49: {  	s10 =	sadd.s32 $0x0, s16;
	s7 =	sadd.s32 $0x0, s15;
	[sflag:s19] =	ssyncset.done $0x0  }
0x4a: {  	s1 =	sadd.s32 $0xA0, s17;
	s0 =	simm.s32 $0x14;
	[sflag:s19] =	ssyncadd.s32 $0xFFFFD800  }
0x4b: {  	[tilespmem:s24], [sflag:$0x4] =	stream.linear.gather [hbm4b:s10+s3], $0x50, $0x38;
	[tilespmem:$0x19200] =	vst v63  }
.LBB2_2:
0x4c: {  	[tilespmem:s25], [sflag:$0x4] =	stream.linear.gather [hbm4b:s7+s3], $0x50, $0x38;
	[tilespmem:$0x19200] =	vst v63  }
0x4d: {  	s7 =	smov.u32 s0  }
0x4e: {  	p0 =	sne.s32 s0, $0x4C4;
	s0 =	sadd.s32 $0x14, s0;
	_ =	swait.ge [sflag:s26], $0x50  }
0x4f: {  	[sflag:s26] =	ssyncset.done $0x0  }
0x50: {  	[sflag:s26] =	ssyncadd.s32 $0xFFFFFFB0  }
0x51: {  	_ =	swait.ge [sflag:s26], $0x50  }
0x52: {  	[sflag:s26] =	ssyncset.done $0x0  }
0x53: {  	[sflag:s26] =	ssyncadd.s32 $0xFFFFFFB0  }
0x54: {  	[tilespmem:s28], [sflag:$0x2] =	stream.indirect.gather [hbm4b:s4+s22], $0x80, s24, s22, $0xb8;
	[tilespmem:$0x19200] =	vst v63  }
0x55: {  	_ =	swait.ge [sflag:s29], $0x2800  }
0x56: {  	[sflag:s29] =	ssyncset.done $0x0  }
0x57: {  	[sflag:s29] =	ssyncadd.s32 $0xFFFFD800  }
0x58: {  	[spmem:s2] =	stream.indirect.scatter.add.f32 [tilespmem:s23], [sflag:$0x5], $0x80, s20, s22, $0xb8;
	[tilespmem:$0x19200] =	vst v63  }
0x59: {  	_ =	swait.ge [sflag:s19], $0x2800  }
0x5a: {  	s9 =	sshrl.u32 s1, $0x3;
	[sflag:s19] =	ssyncset.done $0x0  }
0x5b: {  	s10 =	sadd.s32 s5, s9;
	[sflag:s19] =	ssyncadd.s32 $0xFFFFD800  }
0x5c: {  	[tilespmem:s3], [sflag:$0x3] =	stream.linear.gather [hbm4b:s10+s3], $0x50, $0x38;
	[tilespmem:$0x19200] =	vst v63  }
0x5d: {  	s9 =	sadd.s32 s6, s9  }
0x5e: {  	[tilespmem:s20], [sflag:$0x3] =	stream.linear.gather [hbm4b:s9+s3], $0x50, $0x38;
	[tilespmem:$0x19200] =	vst v63  }
0x5f: {  	_ =	swait.ge [sflag:s21], $0x50  }
0x60: {  	[sflag:s21] =	ssyncset.done $0x0  }
0x61: {  	[sflag:s21] =	ssyncadd.s32 $0xFFFFFFB0  }
0x62: {  	_ =	swait.ge [sflag:s21], $0x50  }
0x63: {  	[sflag:s21] =	ssyncset.done $0x0  }
0x64: {  	[sflag:s21] =	ssyncadd.s32 $0xFFFFFFB0  }
0x65: {  	[tilespmem:s23], [sflag:$0x1] =	stream.indirect.gather [hbm4b:s4+s22], $0x80, s3, s22, $0xb8;
	[tilespmem:$0x19200] =	vst v63  }
0x66: {  	_ =	swait.ge [sflag:s30], $0x2800  }
0x67: {  	[sflag:s30] =	ssyncset.done $0x0  }
0x68: {  	[sflag:s30] =	ssyncadd.s32 $0xFFFFD800  }
0x69: {  	[spmem:s2] =	stream.indirect.scatter.add.f32 [tilespmem:s28], [sflag:$0x5], $0x80, s25, s22, $0xb8;
	[tilespmem:$0x19200] =	vst v63  }
.Ltmp0:
0x6a: {  	_ =	swait.ge [sflag:s19], $0x2800;
	(pc) =	sbr.rel @p0 .LBB2_2-.Ltmp0, $4  }
0x6b: {  	[sflag:s19] =	ssyncset.done $0x0  }
0x6c: {  	s9 =	sadd.s32 s7, s16;
	[sflag:s19] =	ssyncadd.s32 $0xFFFFD800  }
0x6d: {  	[tilespmem:s24], [sflag:$0x4] =	stream.linear.gather [hbm4b:s9+s3], $0x50, $0x38;
	[tilespmem:$0x19200] =	vst v63  }
0x6e: {  	s1 =	sadd.s32 $0xA0, s1;
	s7 =	sadd.s32 s7, s15  }
0x6f: {  	[tilespmem:s25], [sflag:$0x4] =	stream.linear.gather [hbm4b:s7+s3], $0x50, $0x38;
	[tilespmem:$0x19200] =	vst v63  }
0x70: {  	_ =	swait.ge [sflag:s29], $0x2800  }
0x71: {  	[sflag:s29] =	ssyncset.done $0x0  }
0x72: {  	[sflag:s29] =	ssyncadd.s32 $0xFFFFD800  }
0x73: {  	[spmem:s2] =	stream.indirect.scatter.add.f32 [tilespmem:s23], [sflag:$0x5], $0x80, s20, s22, $0xb8;
	[tilespmem:$0x19200] =	vst v63  }
0x74: {  	_ =	swait.ge [sflag:s19], $0x2800  }
0x75: {  	[sflag:s19] =	ssyncset.done $0x0  }
0x76: {  	[sflag:s19] =	ssyncadd.s32 $0xFFFFD800  }
0x77: {  	_ =	swait.ge [sflag:s26], $0x50  }
0x78: {  	[sflag:s26] =	ssyncset.done $0x0  }
0x79: {  	[sflag:s26] =	ssyncadd.s32 $0xFFFFFFB0  }
0x7a: {  	_ =	swait.ge [sflag:s26], $0x50  }
0x7b: {  	s31 =	sadd.s32 $0x1, s31;
	[sflag:s26] =	ssyncset.done $0x0  }
0x7c: {  	p0 =	sne.s32 s31, s14;
	[sflag:s26] =	ssyncadd.s32 $0xFFFFFFB0  }
.Ltmp1:
0x7d: {  	[bflag:$0x0] =	sbarrier.arrive $0xFFFF;
	(pc) =	sbr.rel @p0 .LBB2_1-.Ltmp1, $4  }
0x7e: {  	[hbm:s13], [sflag:s8] =	dma.local [spmem:s18], $0x2800  }
0x7f: {  	_ =	swait.ge [sflag:s19], $0x2800  }
0x80: {  	[sflag:s19] =	ssyncset.done $0x0  }
0x81: {  	[sflag:s19] =	ssyncadd.s32 $0xFFFFD800  }
0x82: {  	_ =	sfence.sel $0x180000  }
0x83: {  	[bflag:$0x0] =	sbarrier.arrive $0xFFFF  }
0x84: {  	_ =	strace $0x9000004A  }
0x85: {  	s0 =	stileid.u32;
	[bflag:$0x2] =	sbarrier.arrive $0xFFFF  }
0x86: {  	p0 =	sne.s32 s0, $0x0;
	s0 =	rddreg [dreg:$0x2]  }
0x87: {  	s0 =	sadd.s32 @!p0 $0x100000, s0  }
0x88: {  	[sflag:s0] =	ssyncadd.tile.s32 @!p0 $0x1;
	_ =	shalt  }
.Lfunc_end2:
_tile_overlayer_lowered:
.L_overlay_start_2:
0x89: {  	(tag) =	ssettag $0x2  }
0x8a: {  	s0 =	rddreg [dreg:$0x0];
	s2 =	stileid.u32  }
0x8b: {  	s1 =	rddreg [dreg:$0x1];
	p0 =	sne.s32 s2, $0x0  }
0x8c: {  	s3 =	rddreg [dreg:$0x2];
	[bflag:$0x3] =	sbarrier.arrive $0xFFFF;
	s2 =	simm.s32 @!p0 $0x1C05  }
0x8d: {  	[timem:s3], [sflag:s2] =	dma.local @!p0 [hbm:s0], s1  }
0x8e: {  	s0 =	simm.s32 @!p0 $0x5  }
0x8f: {  	_ =	swait.ge @!p0 [sflag:s0], s1  }
0x90: {  	s1 =	ssub.s32 @!p0 $0x0, s1;
	[sflag:s0] =	ssyncset.done @!p0 $0x0  }
0x91: {  	[sflag:s0] =	ssyncadd.s32 @!p0 s1  }
0x92: {  	[bflag:$0x3] =	sbarrier.arrive $0xFFFF  }
0x93: {  	_ =	shalt  }

// kernel: kernel.18.cloned.1.call-start
scs
__scs_entry_jumppad:
0x0: {  	(pc) =	sbr.rel $0x88, $3  }
0x1: {  	(tag) =	ssettag $0x0;
	lr =	simm.s32 $0x1  }
0x2: {  	[smem:$0x3F95] =	sst lr;
	_ =	strace $0xD0000000  }
0x3: {  	_ = 	snop  }
0x4: {  	_ = 	snop  }
0x5: {  	_ = 	snop  }
0x6: {  	_ = 	snop  }
0x7: {  	_ = 	snop  }
__scs_overlays_trampoline_lowered:
0x8: {  	[smem:$0x3FA4] =	sst s0  }
0x9: {  	[smem:$0x3FA5] =	sst s1  }
0xa: {  	[smem:$0x3FA6] =	sst s2  }
0xb: {  	[smem:$0x3FA7] =	sst s3  }
0xc: {  	[smem:$0x3FA8] =	sst s4  }
0xd: {  	[smem:$0x3FA9] =	sst s5  }
0xe: {  	[smem:$0x3FAA] =	sst s6  }
0xf: {  	[smem:$0x3FAB] =	sst s7  }
0x10: {  	[smem:$0x3FAC] =	sst s8  }
0x11: {  	[smem:$0x3FAD] =	sst s9;
	s0 =	simm.s32 @!p0 $0x0  }
0x12: {  	s1 =	sld [smem:$0x3F93];
	s0 =	simm.s32 @p0 $0x1  }
0x13: {  	[smem:$0x3FAE] =	sst s0;
	s0 =	simm.s32 @!p1 $0x0  }
0x14: {  	s2 =	sld [smem:$0x3F92];
	s0 =	simm.s32 @p1 $0x1  }
0x15: {  	[smem:$0x3FAF] =	sst s0;
	s0 =	simm.s32 @!p2 $0x0  }
0x16: {  	s3 =	sld [smem:$0x3FDB];
	s0 =	simm.s32 @p2 $0x1  }
0x17: {  	s4 =	simm.s32 $0x1BF5;
	[smem:$0x3FB1] =	sst s0  }
0x18: {  	s0 =	sld [smem:$0x3F94];
	_ =	swait.ge [sflag:s4], $0x0  }
0x19: {  	s7 =	sld [smem:$0x3F95]  }
0x1a: {  	s8 =	sadd.s32 $0xFFFFE003, lr  }
0x1b: {  	s9 =	sadd.s32 $0xFFFFFEF7, lr;
	s5 =	simm.s32 $0xFFFFFFFF;
	p2 =	slt.u32 s8, $0xFFFFF086  }
0x1c: {  	p1 =	slt.u32 s9, $0xF7A;
	s5 =	simm.s32 @!p2 $0x0  }
0x1d: {  	s5 =	simm.s32 @p1 $0x1;
	p0 =	seq.s32 s7, s2  }
0x1e: {  	s7 =	smul.u32 @!p0 $0xF7A, s2;
	p2 =	seq.s32 @!p0 s5, $0x0  }
0x1f: {  	s9 =	smul.u32 $0xF7A, s1;
	s8 =	simm.s32 @!p0 $0x1BF5;
	p2 =	por !p2, p0  }
0x20: {  	[sflag:s8] =	ssyncset.s32 @!p0 $0xFFFFF086;
	s6 =	sadd.s32 @!p0 s3, s7;
	s7 =	simm.s32 @!p0 $0x108  }
0x21: {  	s3 =	sadd.s32 s3, s9;
	s6 =	sadd.s32 @!p0 $0x88, s6;
	s7 =	simm.s32 @p2 $0x1082  }
0x22: {  	[simem:s7], [sflag:s8] =	dma.local @!p0 [hbm:s6], $0xF7A  }
0x23: {  	s9 =	sor.u32 $0xD0000000, s2;
	s6 =	simm.s32 $0x108;
	_ =	swait.ge @!p0 [sflag:s8], $0x0  }
0x24: {  	s3 =	sadd.s32 $0x88, s3;
	s6 =	simm.s32 @!p1 $0x1082;
	[sflag:s4] =	ssyncset.s32 $0xFFFFF086  }
0x25: {  	[simem:s6], [sflag:s4] =	dma.local [hbm:s3], $0xF7A  }
0x26: {  	[smem:$0x3F95] =	sst s1;
	(tag) =	ssettag s2;
	_ =	strace s9  }
0x27: {  	s1 =	sld [smem:$0x3FA5]  }
0x28: {  	s2 =	sld [smem:$0x3FA6]  }
0x29: {  	s4 =	sld [smem:$0x3FA8]  }
0x2a: {  	p0 =	seq.s32 s5, $0x0;
	s5 =	sld [smem:$0x3FA9]  }
0x2b: {  	s6 =	sld [smem:$0x3FAA]  }
0x2c: {  	s7 =	sld [smem:$0x3FAB]  }
0x2d: {  	s3 =	simm.s32 $0x108;
	s8 =	sld [smem:$0x3FAC]  }
0x2e: {  	s3 =	simm.s32 @!p0 $0x1082;
	s9 =	sld [smem:$0x3FAD]  }
0x2f: {  	lr =	sadd.s32 s0, s3;
	s0 =	sld [smem:$0x3FA4]  }
0x30: {  	s3 =	sld [smem:$0x3FA7]  }
0x31: {  	[smem:$0x3FB0] =	sst s10  }
0x32: {  	s10 =	sld [smem:$0x3FAE];
	_ =	sdelay $0x3  }
0x33: {  	p0 =	seq.s32 s10, $0x1;
	s10 =	sld [smem:$0x3FB0];
	_ =	sdelay $0x3  }
0x34: {  	[smem:$0x3FB0] =	sst s10  }
0x35: {  	s10 =	sld [smem:$0x3FAF];
	_ =	sdelay $0x3  }
0x36: {  	p1 =	seq.s32 s10, $0x1;
	s10 =	sld [smem:$0x3FB0];
	_ =	sdelay $0x3  }
0x37: {  	[smem:$0x3FB0] =	sst s10  }
0x38: {  	s10 =	sld [smem:$0x3FB1]  }
0x39: {  	_ = 	snop;
	(pc) =	sbr.ind lr, $3  }
0x3a: {  	_ = 	snop  }
0x3b: {  	_ = 	snop  }
0x3c: {  	p2 =	seq.s32 s10, $0x1;
	s10 =	sld [smem:$0x3FB0]  }
0x3d: {  	_ =	shalt  }
0x3e: {  	_ =	shalt  }
0x3f: {  	_ =	shalt  }
0x40: {  	_ =	shalt  }
0x41: {  	_ =	shalt  }
0x42: {  	_ =	shalt  }
0x43: {  	_ =	shalt  }
0x44: {  	_ =	shalt  }
0x45: {  	_ =	shalt  }
0x46: {  	_ =	shalt  }
0x47: {  	_ =	shalt  }
0x48: {  	_ =	shalt  }
0x49: {  	_ =	shalt  }
0x4a: {  	_ =	shalt  }
0x4b: {  	_ =	shalt  }
0x4c: {  	_ =	shalt  }
0x4d: {  	_ =	shalt  }
0x4e: {  	_ =	shalt  }
0x4f: {  	_ =	shalt  }
0x50: {  	_ =	shalt  }
0x51: {  	_ =	shalt  }
0x52: {  	_ =	shalt  }
0x53: {  	_ =	shalt  }
0x54: {  	_ =	shalt  }
0x55: {  	_ =	shalt  }
0x56: {  	_ =	shalt  }
0x57: {  	_ =	shalt  }
0x58: {  	_ =	shalt  }
0x59: {  	_ =	shalt  }
0x5a: {  	_ =	shalt  }
0x5b: {  	_ =	shalt  }
0x5c: {  	_ =	shalt  }
0x5d: {  	_ =	shalt  }
0x5e: {  	_ =	shalt  }
0x5f: {  	_ =	shalt  }
0x60: {  	_ =	shalt  }
0x61: {  	_ =	shalt  }
0x62: {  	_ =	shalt  }
0x63: {  	_ =	shalt  }
0x64: {  	_ =	shalt  }
0x65: {  	_ =	shalt  }
0x66: {  	_ =	shalt  }
0x67: {  	_ =	shalt  }
0x68: {  	_ =	shalt  }
0x69: {  	_ =	shalt  }
0x6a: {  	_ =	shalt  }
0x6b: {  	_ =	shalt  }
0x6c: {  	_ =	shalt  }
0x6d: {  	_ =	shalt  }
0x6e: {  	_ =	shalt  }
0x6f: {  	_ =	shalt  }
0x70: {  	_ =	shalt  }
0x71: {  	_ =	shalt  }
0x72: {  	_ =	shalt  }
0x73: {  	_ =	shalt  }
0x74: {  	_ =	shalt  }
0x75: {  	_ =	shalt  }
0x76: {  	_ =	shalt  }
0x77: {  	_ =	shalt  }
0x78: {  	_ =	shalt  }
0x79: {  	_ =	shalt  }
0x7a: {  	_ =	shalt  }
0x7b: {  	_ =	shalt  }
0x7c: {  	_ =	shalt  }
0x7d: {  	_ =	shalt  }
0x7e: {  	_ =	shalt  }
0x7f: {  	_ =	shalt  }
0x80: {  	_ =	shalt  }
0x81: {  	_ =	shalt  }
0x82: {  	_ =	shalt  }
0x83: {  	_ =	shalt  }
0x84: {  	_ =	shalt  }
0x85: {  	_ =	shalt  }
0x86: {  	_ =	shalt  }
0x87: {  	_ =	shalt  }
.Lfunc_end0:
.L_simem_size_0:
called_computation.2_lowered:
.L_overlay_start_0:
0x88: {  	s2 =	sld [smem:$0x3FD9]  }
0x89: {  	s3 =	sld [smem:$0x3FFE];
	_ =	sdelay $0x1  }
0x8a: {  	s1 =	srdreg.scid  }
0x8b: {  	s0 =	sand.u32 $0x1, s1  }
0x8c: {  	s16 =	sshll.u32 s0, $0xA;
	s2 =	sadd.s32 s3, s2  }
0x8d: {  	s2 =	sadd.s32 s2, s16  }
0x8e: {  	[smem:$0x3FBC] =	sst s2  }
0x8f: {  	_ = 	snop  }
0x90: {  	(tm) =	ssettm $0x1  }
0x91: {  	s17 =	sld [smem:$0x3FFB];
	_ =	sdelay $0x3  }
0x92: {  	_ =	strace s17  }
0x93: {  	s2 =	sld [smem:$0x3FFC];
	_ =	sdelay $0x3  }
0x94: {  	_ =	strace s2  }
0x95: {  	s2 =	sld [smem:$0x3FFD];
	_ =	sdelay $0x3  }
0x96: {  	_ =	strace s2  }
0x97: {  	_ =	strace $0x8FFFFFFF  }
0x98: {  	s18 =	sld [smem:$0x3FDB];
	_ =	sdelay $0x1  }
0x99: {  	s19 =	simm.s32 $_scs_section_size  }
0x9a: {  	s4 =	simm.s32 $_size__tile_overlayer_lowered;
	s5 =	simm.s32 $_tile_overlayer_lowered  }
0x9b: {  	s22 =	simm.s32 $0x1BFF;
	s21 =	sshll.u32 s5, $0x1;
	s2 =	sadd.s32 s19, s18  }
0x9c: {  	s6 =	simm.s32 $0x0;
	s20 =	sshll.u32 s4, $0x1;
	s4 =	sadd.s32 s21, s2  }
0x9d: {  	[timem:s6], [sflag:s22] =	dma.local [hbm:s4], s20  }
0x9e: {  	_ =	swait.ge [sflag:s22], s20  }
0x9f: {  	s3 =	ssub.s32 $0x0, s20;
	[sflag:s22] =	ssyncset.done $0x0  }
0xa0: {  	[sflag:s22] =	ssyncadd.s32 s3;
	_ =	sdelay $0x1  }
0xa1: {  	s23 =	simm.s32 $0x1B8B  }
0xa2: {  	_ =	swait.ge [sflag:s23], $0x1  }
0xa3: {  	[sflag:s23] =	ssyncset.done $0x0  }
0xa4: {  	s25 =	simm.s32 $0x1B8E;
	s24 =	sld [smem:$0x3FFE];
	[sflag:s23] =	ssyncadd.s32 $0xFFFFFFFF  }
0xa5: {  	s26 =	simm.s32 $execute0_lowered;
	[smem:$0x3FD2] =	sst s25  }
0xa6: {  	s4 =	sshll.u32 s26, $0x1;
	_ =	strace $0x8000004C;
	[dreg:$0x1] =	wrdreg $0xFFFFFFFF  }
0xa7: {  	s28 =	simm.s32 $_size_execute0_lowered;
	s2 =	sadd.s32 s2, s4;
	[dreg:$0x0] =	wrdreg $0x0  }
0xa8: {  	s4 =	sshll.u32 s28, $0x1;
	[dreg:$0x2] =	wrdreg s2  }
0xa9: {  	[dreg:$0x3] =	wrdreg s4  }
0xaa: {  	[dreg:$0x4] =	wrdreg $0xC0  }
0xab: {  	_ =	task [dreg:s6], $0x5FFFF  }
0xac: {  	[dreg:$0x1] =	wrdreg $0xFFFFFFFF  }
0xad: {  	[dreg:$0x0] =	wrdreg $0x60  }
0xae: {  	[dreg:$0x2] =	wrdreg s24  }
0xaf: {  	[dreg:$0x3] =	wrdreg $0x52000  }
0xb0: {  	[dreg:$0x4] =	wrdreg $0x9  }
0xb1: {  	_ =	task.clear_ibuf [dreg:s6], $0x5FFFF;
	_ =	strace $0x9000004C  }
0xb2: {  	s29 =	simm.s32 $0x9;
	_ =	strace $0x8000004E  }
0xb3: {  	_ =	swait.ge [sflag:s29], $0x1  }
0xb4: {  	[sflag:s29] =	ssyncadd.s32 $0xFFFFFFFF  }
0xb5: {  	_ =	strace $0x9000004E  }
0xb6: {  	_ =	sfence  }
0xb7: {  	s30 =	sld [smem:$0x0];
	_ =	sdelay $0x2  }
0xb8: {  	s31 =	sshll.u32 s1, $0xD;
	s1 =	sshrl.u32 s1, $0x2  }
0xb9: {  	s3 =	sand.u32 $0x4000, s31;
	s1 =	sadd.s32 s1, s30  }
0xba: {  	s0 =	sor.u32 s3, s0;
	s1 =	sshll.u32 s1, $0x11  }
0xbb: {  	s0 =	sor.u32 s1, s0  }
0xbc: {  	s0 =	sadd.s32 $0x8F2B, s0  }
0xbd: {  	[sflag:s0] =	ssyncadd.remote.s32 $0x1  }
0xbe: {  	_ =	sfence.sel $0xFFFF  }
0xbf: {  	[dreg:$0x0] =	wrdreg $0xFFFFFFFF;
	(pc) =	sbr.abs _section_cstart, $3  }
0xc0: {  	[dreg:$0x1] =	wrdreg $0xFFFFFFFF  }
0xc1: {  	_ =	task.clear_ibuf [dreg:s6], $0x2FFFF;
	_ =	strace $0x9FFFFFFF  }
0xc2: {  	(tm) =	ssettm $0x7FFFFFFF  }
0xc3: {  	_ =	shalt  }
tec
execute0_lowered:
.L_overlay_start_1:
0x0: {  	(tag) =	ssettag $0x1  }
0x1: {  	s0 =	rddreg [dreg:$0x0]  }
0x2: {  	s2 =	rddreg [dreg:$0x1]  }
0x3: {  	s3 =	simm.s32 $0x0;
	s12 =	stileid.u32;
	s1 =	srdreg.scid  }
0x4: {  	s28 =	simm.s32 $0x2A00;
	s29 =	simm.s32 $0x1;
	s30 =	simm.s32 $0x2  }
0x5: {  	s31 =	simm.s32 $0x0;
	[smem:$0x7FF] =	sst s3;
	s7 =	smul.u32 $0x14000, s12  }
0x6: {  	s1 =	sand.u32 $0x1, s1;
	s4 =	sadd.s32 $0x18000, s0;
	s10 =	smul.u32 $0x50000, s12  }
0x7: {  	s5 =	sadd.s32 $0x4400, s0;
	s6 =	sadd.s32 $0xE200, s0;
	s21 =	smul.u32 $0x2710, s12  }
0x8: {  	s22 =	sshll.u32 s12, $0x6;
	_ =	strace $0x8000004D;
	s8 =	smul.u32 $0x140000, s1  }
0x9: {  	s19 =	sshll.u32 s1, $0x4;
	s20 =	ssub.s32 $0x2, s1;
	s1 =	smul.u32 $0x27100, s1  }
0xa: {  	s9 =	sshrl.u32 s7, $0x3;
	s11 =	sshrl.u32 s20, $0x1;
	s10 =	sshrl.u32 s10, $0x2  }
0xb: {  	s9 =	sadd.s32 s9, s0;
	s7 =	sadd.s32 s7, s8;
	s8 =	sor.u32 s12, s19  }
0xc: {  	s18 =	sadd.s32 s10, s2;
	s1 =	sadd.s32 s21, s1;
	s19 =	simm.s32 $0x5  }
0xd: {  	s21 =	simm.s32 $0x3;
	s7 =	sshrl.u32 s7, $0x3;
	s8 =	smul.u32 $0x2710, s8  }
0xe: {  	s9 =	sadd.s32 $0x72600, s9;
	s13 =	sadd.s32 $0xF0, s1;
	s17 =	sadd.s32 $0xA0, s1  }
0xf: {  	s18 =	sshrl.u32 s18, $0x3;
	s0 =	sadd.s32 s7, s0;
	s7 =	ssub.s32 s20, s11  }
0x10: {  	[dreg:$0x3] =	wrdreg s9;
	s16 =	sshrl.u32 s13, $0x3;
	s20 =	simm.s32 $0x80  }
0x11: {  	s23 =	sshrl.u32 s8, $0x3;
	s8 =	sor.u32 $0x1C05, s22;
	s13 =	sadd.s32 $0x9A600, s0  }
0x12: {  	s14 =	smax.u32 s7, $0x1;
	s15 =	sadd.s32 s16, s6;
	s16 =	sadd.s32 s16, s5  }
0x13: {  	s22 =	simm.s32 $0x50;
	s24 =	sadd.s32 s5, s23;
	s25 =	sadd.s32 s6, s23  }
0x14: {  	s26 =	sadd.s32 $0xA, s23;
	s23 =	simm.s32 $0x200;
	[dreg:$0x4] =	wrdreg s24  }
0x15: {  	[dreg:$0x5] =	wrdreg s25;
	s11 =	sadd.s32 s5, s26;
	s12 =	sadd.s32 s6, s26  }
0x16: {  	s24 =	simm.s32 $0x100;
	s25 =	simm.s32 $0x180;
	s26 =	simm.s32 $0x4  }
.LBB2_1:
0x17: {  	s0 =	rddreg [dreg:$0x3]  }
0x18: {  	[spmem:s18], [sflag:s8] =	dma.local [hbm:s0], $0x2800  }
0x19: {  	_ =	swait.ge [sflag:s19], $0x2800  }
0x1a: {  	[sflag:s19] =	ssyncset.done $0x0  }
0x1b: {  	[sflag:s19] =	ssyncadd.s32 $0xFFFFD800  }
0x1c: {  	[bflag:$0x0] =	sbarrier.arrive $0xFFFF  }
0x1d: {  	s1 =	rddreg [dreg:$0x4]  }
0x1e: {  	[tilespmem:s3], [sflag:$0x3] =	stream.linear.gather [hbm4b:s1+s3], $0x50, $0x38;
	[tilespmem:$0x19200] =	vst v63  }
0x1f: {  	s7 =	rddreg [dreg:$0x5]  }
0x20: {  	[tilespmem:s20], [sflag:$0x3] =	stream.linear.gather [hbm4b:s7+s3], $0x50, $0x38;
	[tilespmem:$0x19200] =	vst v63  }
0x21: {  	_ =	swait.ge [sflag:s21], $0x50  }
0x22: {  	[sflag:s21] =	ssyncset.done $0x0  }
0x23: {  	[sflag:s21] =	ssyncadd.s32 $0xFFFFFFB0  }
0x24: {  	_ =	swait.ge [sflag:s21], $0x50  }
0x25: {  	[sflag:s21] =	ssyncset.done $0x0  }
0x26: {  	[sflag:s21] =	ssyncadd.s32 $0xFFFFFFB0  }
0x27: {  	[tilespmem:s23], [sflag:$0x1] =	stream.indirect.gather [hbm4b:s4+s22], $0x80, s3, s22, $0xb8;
	[tilespmem:$0x19200] =	vst v63  }
0x28: {  	_ = 	snop  }
0x29: {  	[tilespmem:s24], [sflag:$0x4] =	stream.linear.gather [hbm4b:s11+s3], $0x50, $0x38;
	[tilespmem:$0x19200] =	vst v63  }
0x2a: {  	_ = 	snop  }
0x2b: {  	[tilespmem:s25], [sflag:$0x4] =	stream.linear.gather [hbm4b:s12+s3], $0x50, $0x38;
	[tilespmem:$0x19200] =	vst v63  }
0x2c: {  	_ =	swait.ge [sflag:s26], $0x50  }
0x2d: {  	[sflag:s26] =	ssyncset.done $0x0  }
0x2e: {  	[sflag:s26] =	ssyncadd.s32 $0xFFFFFFB0  }
0x2f: {  	_ =	swait.ge [sflag:s26], $0x50  }
0x30: {  	[sflag:s26] =	ssyncset.done $0x0  }
0x31: {  	[sflag:s26] =	ssyncadd.s32 $0xFFFFFFB0  }
0x32: {  	[tilespmem:s28], [sflag:$0x2] =	stream.indirect.gather [hbm4b:s4+s22], $0x80, s24, s22, $0xb8;
	[tilespmem:$0x19200] =	vst v63  }
0x33: {  	_ =	swait.ge [sflag:s29], $0x2800  }
0x34: {  	[sflag:s29] =	ssyncset.done $0x0  }
0x35: {  	[sflag:s29] =	ssyncadd.s32 $0xFFFFD800  }
0x36: {  	[spmem:s2] =	stream.indirect.scatter.add.f32 [tilespmem:s23], [sflag:$0x5], $0x80, s20, s22, $0xb8;
	[tilespmem:$0x19200] =	vst v63  }
0x37: {  	_ =	swait.ge [sflag:s19], $0x2800  }
0x38: {  	s9 =	sshrl.u32 s17, $0x3;
	[sflag:s19] =	ssyncset.done $0x0  }
0x39: {  	s1 =	sadd.s32 s5, s9;
	[sflag:s19] =	ssyncadd.s32 $0xFFFFD800  }
0x3a: {  	[tilespmem:s3], [sflag:$0x3] =	stream.linear.gather [hbm4b:s1+s3], $0x50, $0x38;
	[tilespmem:$0x19200] =	vst v63  }
0x3b: {  	s0 =	sadd.s32 s6, s9  }
0x3c: {  	[tilespmem:s20], [sflag:$0x3] =	stream.linear.gather [hbm4b:s0+s3], $0x50, $0x38;
	[tilespmem:$0x19200] =	vst v63  }
0x3d: {  	_ =	swait.ge [sflag:s21], $0x50  }
0x3e: {  	[sflag:s21] =	ssyncset.done $0x0  }
0x3f: {  	[sflag:s21] =	ssyncadd.s32 $0xFFFFFFB0  }
0x40: {  	_ =	swait.ge [sflag:s21], $0x50  }
0x41: {  	[sflag:s21] =	ssyncset.done $0x0  }
0x42: {  	[sflag:s21] =	ssyncadd.s32 $0xFFFFFFB0  }
0x43: {  	[tilespmem:s23], [sflag:$0x1] =	stream.indirect.gather [hbm4b:s4+s22], $0x80, s3, s22, $0xb8;
	[tilespmem:$0x19200] =	vst v63  }
0x44: {  	_ =	swait.ge [sflag:s30], $0x2800  }
0x45: {  	[sflag:s30] =	ssyncset.done $0x0  }
0x46: {  	[sflag:s30] =	ssyncadd.s32 $0xFFFFD800  }
0x47: {  	[spmem:s2] =	stream.indirect.scatter.add.f32 [tilespmem:s28], [sflag:$0x5], $0x80, s25, s22, $0xb8;
	[tilespmem:$0x19200] =	vst v63  }
0x48: {  	_ =	swait.ge [sflag:s19], $0x2800  }
0x49: {  	s10 =	sadd.s32 $0x0, s16;
	s7 =	sadd.s32 $0x0, s15;
	[sflag:s19] =	ssyncset.done $0x0  }
0x4a: {  	s1 =	sadd.s32 $0xA0, s17;
	s0 =	simm.s32 $0x14;
	[sflag:s19] =	ssyncadd.s32 $0xFFFFD800  }
0x4b: {  	[tilespmem:s24], [sflag:$0x4] =	stream.linear.gather [hbm4b:s10+s3], $0x50, $0x38;
	[tilespmem:$0x19200] =	vst v63  }
.LBB2_2:
0x4c: {  	[tilespmem:s25], [sflag:$0x4] =	stream.linear.gather [hbm4b:s7+s3], $0x50, $0x38;
	[tilespmem:$0x19200] =	vst v63  }
0x4d: {  	s7 =	smov.u32 s0  }
0x4e: {  	p0 =	sne.s32 s0, $0x4C4;
	s0 =	sadd.s32 $0x14, s0;
	_ =	swait.ge [sflag:s26], $0x50  }
0x4f: {  	[sflag:s26] =	ssyncset.done $0x0  }
0x50: {  	[sflag:s26] =	ssyncadd.s32 $0xFFFFFFB0  }
0x51: {  	_ =	swait.ge [sflag:s26], $0x50  }
0x52: {  	[sflag:s26] =	ssyncset.done $0x0  }
0x53: {  	[sflag:s26] =	ssyncadd.s32 $0xFFFFFFB0  }
0x54: {  	[tilespmem:s28], [sflag:$0x2] =	stream.indirect.gather [hbm4b:s4+s22], $0x80, s24, s22, $0xb8;
	[tilespmem:$0x19200] =	vst v63  }
0x55: {  	_ =	swait.ge [sflag:s29], $0x2800  }
0x56: {  	[sflag:s29] =	ssyncset.done $0x0  }
0x57: {  	[sflag:s29] =	ssyncadd.s32 $0xFFFFD800  }
0x58: {  	[spmem:s2] =	stream.indirect.scatter.add.f32 [tilespmem:s23], [sflag:$0x5], $0x80, s20, s22, $0xb8;
	[tilespmem:$0x19200] =	vst v63  }
0x59: {  	_ =	swait.ge [sflag:s19], $0x2800  }
0x5a: {  	s9 =	sshrl.u32 s1, $0x3;
	[sflag:s19] =	ssyncset.done $0x0  }
0x5b: {  	s10 =	sadd.s32 s5, s9;
	[sflag:s19] =	ssyncadd.s32 $0xFFFFD800  }
0x5c: {  	[tilespmem:s3], [sflag:$0x3] =	stream.linear.gather [hbm4b:s10+s3], $0x50, $0x38;
	[tilespmem:$0x19200] =	vst v63  }
0x5d: {  	s9 =	sadd.s32 s6, s9  }
0x5e: {  	[tilespmem:s20], [sflag:$0x3] =	stream.linear.gather [hbm4b:s9+s3], $0x50, $0x38;
	[tilespmem:$0x19200] =	vst v63  }
0x5f: {  	_ =	swait.ge [sflag:s21], $0x50  }
0x60: {  	[sflag:s21] =	ssyncset.done $0x0  }
0x61: {  	[sflag:s21] =	ssyncadd.s32 $0xFFFFFFB0  }
0x62: {  	_ =	swait.ge [sflag:s21], $0x50  }
0x63: {  	[sflag:s21] =	ssyncset.done $0x0  }
0x64: {  	[sflag:s21] =	ssyncadd.s32 $0xFFFFFFB0  }
0x65: {  	[tilespmem:s23], [sflag:$0x1] =	stream.indirect.gather [hbm4b:s4+s22], $0x80, s3, s22, $0xb8;
	[tilespmem:$0x19200] =	vst v63  }
0x66: {  	_ =	swait.ge [sflag:s30], $0x2800  }
0x67: {  	[sflag:s30] =	ssyncset.done $0x0  }
0x68: {  	[sflag:s30] =	ssyncadd.s32 $0xFFFFD800  }
0x69: {  	[spmem:s2] =	stream.indirect.scatter.add.f32 [tilespmem:s28], [sflag:$0x5], $0x80, s25, s22, $0xb8;
	[tilespmem:$0x19200] =	vst v63  }
.Ltmp0:
0x6a: {  	_ =	swait.ge [sflag:s19], $0x2800;
	(pc) =	sbr.rel @p0 .LBB2_2-.Ltmp0, $4  }
0x6b: {  	[sflag:s19] =	ssyncset.done $0x0  }
0x6c: {  	s9 =	sadd.s32 s7, s16;
	[sflag:s19] =	ssyncadd.s32 $0xFFFFD800  }
0x6d: {  	[tilespmem:s24], [sflag:$0x4] =	stream.linear.gather [hbm4b:s9+s3], $0x50, $0x38;
	[tilespmem:$0x19200] =	vst v63  }
0x6e: {  	s1 =	sadd.s32 $0xA0, s1;
	s7 =	sadd.s32 s7, s15  }
0x6f: {  	[tilespmem:s25], [sflag:$0x4] =	stream.linear.gather [hbm4b:s7+s3], $0x50, $0x38;
	[tilespmem:$0x19200] =	vst v63  }
0x70: {  	_ =	swait.ge [sflag:s29], $0x2800  }
0x71: {  	[sflag:s29] =	ssyncset.done $0x0  }
0x72: {  	[sflag:s29] =	ssyncadd.s32 $0xFFFFD800  }
0x73: {  	[spmem:s2] =	stream.indirect.scatter.add.f32 [tilespmem:s23], [sflag:$0x5], $0x80, s20, s22, $0xb8;
	[tilespmem:$0x19200] =	vst v63  }
0x74: {  	_ =	swait.ge [sflag:s19], $0x2800  }
0x75: {  	[sflag:s19] =	ssyncset.done $0x0  }
0x76: {  	[sflag:s19] =	ssyncadd.s32 $0xFFFFD800  }
0x77: {  	_ =	swait.ge [sflag:s26], $0x50  }
0x78: {  	[sflag:s26] =	ssyncset.done $0x0  }
0x79: {  	[sflag:s26] =	ssyncadd.s32 $0xFFFFFFB0  }
0x7a: {  	_ =	swait.ge [sflag:s26], $0x50  }
0x7b: {  	s31 =	sadd.s32 $0x1, s31;
	[sflag:s26] =	ssyncset.done $0x0  }
0x7c: {  	p0 =	sne.s32 s31, s14;
	[sflag:s26] =	ssyncadd.s32 $0xFFFFFFB0  }
.Ltmp1:
0x7d: {  	[bflag:$0x0] =	sbarrier.arrive $0xFFFF;
	(pc) =	sbr.rel @p0 .LBB2_1-.Ltmp1, $4  }
0x7e: {  	[hbm:s13], [sflag:s8] =	dma.local [spmem:s18], $0x2800  }
0x7f: {  	_ =	swait.ge [sflag:s19], $0x2800  }
0x80: {  	[sflag:s19] =	ssyncset.done $0x0  }
0x81: {  	[sflag:s19] =	ssyncadd.s32 $0xFFFFD800  }
0x82: {  	_ =	sfence.sel $0x180000  }
0x83: {  	[bflag:$0x0] =	sbarrier.arrive $0xFFFF  }
0x84: {  	_ =	strace $0x9000004D  }
0x85: {  	s0 =	stileid.u32;
	[bflag:$0x2] =	sbarrier.arrive $0xFFFF  }
0x86: {  	p0 =	sne.s32 s0, $0x0;
	s0 =	rddreg [dreg:$0x2]  }
0x87: {  	s0 =	sadd.s32 @!p0 $0x100000, s0  }
0x88: {  	[sflag:s0] =	ssyncadd.tile.s32 @!p0 $0x1;
	_ =	shalt  }
.Lfunc_end2:
_tile_overlayer_lowered:
.L_overlay_start_2:
0x89: {  	(tag) =	ssettag $0x2  }
0x8a: {  	s0 =	rddreg [dreg:$0x0];
	s2 =	stileid.u32  }
0x8b: {  	s1 =	rddreg [dreg:$0x1];
	p0 =	sne.s32 s2, $0x0  }
0x8c: {  	s3 =	rddreg [dreg:$0x2];
	[bflag:$0x3] =	sbarrier.arrive $0xFFFF;
	s2 =	simm.s32 @!p0 $0x1C05  }
0x8d: {  	[timem:s3], [sflag:s2] =	dma.local @!p0 [hbm:s0], s1  }
0x8e: {  	s0 =	simm.s32 @!p0 $0x5  }
0x8f: {  	_ =	swait.ge @!p0 [sflag:s0], s1  }
0x90: {  	s1 =	ssub.s32 @!p0 $0x0, s1;
	[sflag:s0] =	ssyncset.done @!p0 $0x0  }
0x91: {  	[sflag:s0] =	ssyncadd.s32 @!p0 s1  }
0x92: {  	[bflag:$0x3] =	sbarrier.arrive $0xFFFF  }
0x93: {  	_ =	shalt  }

// kernel: kernel.21.cloned.1.call-start
scs
__scs_entry_jumppad:
0x0: {  	(pc) =	sbr.rel $0x88, $3  }
0x1: {  	(tag) =	ssettag $0x0;
	lr =	simm.s32 $0x1  }
0x2: {  	[smem:$0x3F95] =	sst lr;
	_ =	strace $0xD0000000  }
0x3: {  	_ = 	snop  }
0x4: {  	_ = 	snop  }
0x5: {  	_ = 	snop  }
0x6: {  	_ = 	snop  }
0x7: {  	_ = 	snop  }
__scs_overlays_trampoline_lowered:
0x8: {  	[smem:$0x3FA4] =	sst s0  }
0x9: {  	[smem:$0x3FA5] =	sst s1  }
0xa: {  	[smem:$0x3FA6] =	sst s2  }
0xb: {  	[smem:$0x3FA7] =	sst s3  }
0xc: {  	[smem:$0x3FA8] =	sst s4  }
0xd: {  	[smem:$0x3FA9] =	sst s5  }
0xe: {  	[smem:$0x3FAA] =	sst s6  }
0xf: {  	[smem:$0x3FAB] =	sst s7  }
0x10: {  	[smem:$0x3FAC] =	sst s8  }
0x11: {  	[smem:$0x3FAD] =	sst s9;
	s0 =	simm.s32 @!p0 $0x0  }
0x12: {  	s1 =	sld [smem:$0x3F93];
	s0 =	simm.s32 @p0 $0x1  }
0x13: {  	[smem:$0x3FAE] =	sst s0;
	s0 =	simm.s32 @!p1 $0x0  }
0x14: {  	s2 =	sld [smem:$0x3F92];
	s0 =	simm.s32 @p1 $0x1  }
0x15: {  	[smem:$0x3FAF] =	sst s0;
	s0 =	simm.s32 @!p2 $0x0  }
0x16: {  	s3 =	sld [smem:$0x3FDB];
	s0 =	simm.s32 @p2 $0x1  }
0x17: {  	s4 =	simm.s32 $0x1BF5;
	[smem:$0x3FB1] =	sst s0  }
0x18: {  	s0 =	sld [smem:$0x3F94];
	_ =	swait.ge [sflag:s4], $0x0  }
0x19: {  	s7 =	sld [smem:$0x3F95]  }
0x1a: {  	s8 =	sadd.s32 $0xFFFFE003, lr  }
0x1b: {  	s9 =	sadd.s32 $0xFFFFFEF7, lr;
	s5 =	simm.s32 $0xFFFFFFFF;
	p2 =	slt.u32 s8, $0xFFFFF086  }
0x1c: {  	p1 =	slt.u32 s9, $0xF7A;
	s5 =	simm.s32 @!p2 $0x0  }
0x1d: {  	s5 =	simm.s32 @p1 $0x1;
	p0 =	seq.s32 s7, s2  }
0x1e: {  	s7 =	smul.u32 @!p0 $0xF7A, s2;
	p2 =	seq.s32 @!p0 s5, $0x0  }
0x1f: {  	s9 =	smul.u32 $0xF7A, s1;
	s8 =	simm.s32 @!p0 $0x1BF5;
	p2 =	por !p2, p0  }
0x20: {  	[sflag:s8] =	ssyncset.s32 @!p0 $0xFFFFF086;
	s6 =	sadd.s32 @!p0 s3, s7;
	s7 =	simm.s32 @!p0 $0x108  }
0x21: {  	s3 =	sadd.s32 s3, s9;
	s6 =	sadd.s32 @!p0 $0x88, s6;
	s7 =	simm.s32 @p2 $0x1082  }
0x22: {  	[simem:s7], [sflag:s8] =	dma.local @!p0 [hbm:s6], $0xF7A  }
0x23: {  	s9 =	sor.u32 $0xD0000000, s2;
	s6 =	simm.s32 $0x108;
	_ =	swait.ge @!p0 [sflag:s8], $0x0  }
0x24: {  	s3 =	sadd.s32 $0x88, s3;
	s6 =	simm.s32 @!p1 $0x1082;
	[sflag:s4] =	ssyncset.s32 $0xFFFFF086  }
0x25: {  	[simem:s6], [sflag:s4] =	dma.local [hbm:s3], $0xF7A  }
0x26: {  	[smem:$0x3F95] =	sst s1;
	(tag) =	ssettag s2;
	_ =	strace s9  }
0x27: {  	s1 =	sld [smem:$0x3FA5]  }
0x28: {  	s2 =	sld [smem:$0x3FA6]  }
0x29: {  	s4 =	sld [smem:$0x3FA8]  }
0x2a: {  	p0 =	seq.s32 s5, $0x0;
	s5 =	sld [smem:$0x3FA9]  }
0x2b: {  	s6 =	sld [smem:$0x3FAA]  }
0x2c: {  	s7 =	sld [smem:$0x3FAB]  }
0x2d: {  	s3 =	simm.s32 $0x108;
	s8 =	sld [smem:$0x3FAC]  }
0x2e: {  	s3 =	simm.s32 @!p0 $0x1082;
	s9 =	sld [smem:$0x3FAD]  }
0x2f: {  	lr =	sadd.s32 s0, s3;
	s0 =	sld [smem:$0x3FA4]  }
0x30: {  	s3 =	sld [smem:$0x3FA7]  }
0x31: {  	[smem:$0x3FB0] =	sst s10  }
0x32: {  	s10 =	sld [smem:$0x3FAE];
	_ =	sdelay $0x3  }
0x33: {  	p0 =	seq.s32 s10, $0x1;
	s10 =	sld [smem:$0x3FB0];
	_ =	sdelay $0x3  }
0x34: {  	[smem:$0x3FB0] =	sst s10  }
0x35: {  	s10 =	sld [smem:$0x3FAF];
	_ =	sdelay $0x3  }
0x36: {  	p1 =	seq.s32 s10, $0x1;
	s10 =	sld [smem:$0x3FB0];
	_ =	sdelay $0x3  }
0x37: {  	[smem:$0x3FB0] =	sst s10  }
0x38: {  	s10 =	sld [smem:$0x3FB1]  }
0x39: {  	_ = 	snop;
	(pc) =	sbr.ind lr, $3  }
0x3a: {  	_ = 	snop  }
0x3b: {  	_ = 	snop  }
0x3c: {  	p2 =	seq.s32 s10, $0x1;
	s10 =	sld [smem:$0x3FB0]  }
0x3d: {  	_ =	shalt  }
0x3e: {  	_ =	shalt  }
0x3f: {  	_ =	shalt  }
0x40: {  	_ =	shalt  }
0x41: {  	_ =	shalt  }
0x42: {  	_ =	shalt  }
0x43: {  	_ =	shalt  }
0x44: {  	_ =	shalt  }
0x45: {  	_ =	shalt  }
0x46: {  	_ =	shalt  }
0x47: {  	_ =	shalt  }
0x48: {  	_ =	shalt  }
0x49: {  	_ =	shalt  }
0x4a: {  	_ =	shalt  }
0x4b: {  	_ =	shalt  }
0x4c: {  	_ =	shalt  }
0x4d: {  	_ =	shalt  }
0x4e: {  	_ =	shalt  }
0x4f: {  	_ =	shalt  }
0x50: {  	_ =	shalt  }
0x51: {  	_ =	shalt  }
0x52: {  	_ =	shalt  }
0x53: {  	_ =	shalt  }
0x54: {  	_ =	shalt  }
0x55: {  	_ =	shalt  }
0x56: {  	_ =	shalt  }
0x57: {  	_ =	shalt  }
0x58: {  	_ =	shalt  }
0x59: {  	_ =	shalt  }
0x5a: {  	_ =	shalt  }
0x5b: {  	_ =	shalt  }
0x5c: {  	_ =	shalt  }
0x5d: {  	_ =	shalt  }
0x5e: {  	_ =	shalt  }
0x5f: {  	_ =	shalt  }
0x60: {  	_ =	shalt  }
0x61: {  	_ =	shalt  }
0x62: {  	_ =	shalt  }
0x63: {  	_ =	shalt  }
0x64: {  	_ =	shalt  }
0x65: {  	_ =	shalt  }
0x66: {  	_ =	shalt  }
0x67: {  	_ =	shalt  }
0x68: {  	_ =	shalt  }
0x69: {  	_ =	shalt  }
0x6a: {  	_ =	shalt  }
0x6b: {  	_ =	shalt  }
0x6c: {  	_ =	shalt  }
0x6d: {  	_ =	shalt  }
0x6e: {  	_ =	shalt  }
0x6f: {  	_ =	shalt  }
0x70: {  	_ =	shalt  }
0x71: {  	_ =	shalt  }
0x72: {  	_ =	shalt  }
0x73: {  	_ =	shalt  }
0x74: {  	_ =	shalt  }
0x75: {  	_ =	shalt  }
0x76: {  	_ =	shalt  }
0x77: {  	_ =	shalt  }
0x78: {  	_ =	shalt  }
0x79: {  	_ =	shalt  }
0x7a: {  	_ =	shalt  }
0x7b: {  	_ =	shalt  }
0x7c: {  	_ =	shalt  }
0x7d: {  	_ =	shalt  }
0x7e: {  	_ =	shalt  }
0x7f: {  	_ =	shalt  }
0x80: {  	_ =	shalt  }
0x81: {  	_ =	shalt  }
0x82: {  	_ =	shalt  }
0x83: {  	_ =	shalt  }
0x84: {  	_ =	shalt  }
0x85: {  	_ =	shalt  }
0x86: {  	_ =	shalt  }
0x87: {  	_ =	shalt  }
.Lfunc_end0:
.L_simem_size_0:
called_computation.3_lowered:
.L_overlay_start_0:
0x88: {  	s2 =	sld [smem:$0x3FD9]  }
0x89: {  	s3 =	sld [smem:$0x3FFE];
	_ =	sdelay $0x1  }
0x8a: {  	s1 =	srdreg.scid  }
0x8b: {  	s0 =	sand.u32 $0x1, s1  }
0x8c: {  	s16 =	sshll.u32 s0, $0xA;
	s2 =	sadd.s32 s3, s2  }
0x8d: {  	s2 =	sadd.s32 s2, s16  }
0x8e: {  	[smem:$0x3FBC] =	sst s2  }
0x8f: {  	_ = 	snop  }
0x90: {  	(tm) =	ssettm $0x1  }
0x91: {  	s17 =	sld [smem:$0x3FFB];
	_ =	sdelay $0x3  }
0x92: {  	_ =	strace s17  }
0x93: {  	s2 =	sld [smem:$0x3FFC];
	_ =	sdelay $0x3  }
0x94: {  	_ =	strace s2  }
0x95: {  	s2 =	sld [smem:$0x3FFD];
	_ =	sdelay $0x3  }
0x96: {  	_ =	strace s2  }
0x97: {  	_ =	strace $0x8FFFFFFF  }
0x98: {  	s18 =	sld [smem:$0x3FDB];
	_ =	sdelay $0x1  }
0x99: {  	s19 =	simm.s32 $_scs_section_size  }
0x9a: {  	s4 =	simm.s32 $_size__tile_overlayer_lowered;
	s5 =	simm.s32 $_tile_overlayer_lowered  }
0x9b: {  	s22 =	simm.s32 $0x1BFF;
	s21 =	sshll.u32 s5, $0x1;
	s2 =	sadd.s32 s19, s18  }
0x9c: {  	s6 =	simm.s32 $0x0;
	s20 =	sshll.u32 s4, $0x1;
	s4 =	sadd.s32 s21, s2  }
0x9d: {  	[timem:s6], [sflag:s22] =	dma.local [hbm:s4], s20  }
0x9e: {  	_ =	swait.ge [sflag:s22], s20  }
0x9f: {  	s3 =	ssub.s32 $0x0, s20;
	[sflag:s22] =	ssyncset.done $0x0  }
0xa0: {  	[sflag:s22] =	ssyncadd.s32 s3;
	_ =	sdelay $0x1  }
0xa1: {  	s23 =	simm.s32 $0x1B8B  }
0xa2: {  	_ =	swait.ge [sflag:s23], $0x1  }
0xa3: {  	[sflag:s23] =	ssyncset.done $0x0  }
0xa4: {  	s25 =	simm.s32 $0x1B8E;
	s24 =	sld [smem:$0x3FFE];
	[sflag:s23] =	ssyncadd.s32 $0xFFFFFFFF  }
0xa5: {  	s26 =	simm.s32 $execute0_lowered;
	[smem:$0x3FD2] =	sst s25  }
0xa6: {  	s4 =	sshll.u32 s26, $0x1;
	_ =	strace $0x8000004F;
	[dreg:$0x1] =	wrdreg $0xFFFFFFFF  }
0xa7: {  	s28 =	simm.s32 $_size_execute0_lowered;
	s2 =	sadd.s32 s2, s4;
	[dreg:$0x0] =	wrdreg $0x0  }
0xa8: {  	s4 =	sshll.u32 s28, $0x1;
	[dreg:$0x2] =	wrdreg s2  }
0xa9: {  	[dreg:$0x3] =	wrdreg s4  }
0xaa: {  	[dreg:$0x4] =	wrdreg $0xC0  }
0xab: {  	_ =	task [dreg:s6], $0x5FFFF  }
0xac: {  	[dreg:$0x1] =	wrdreg $0xFFFFFFFF  }
0xad: {  	[dreg:$0x0] =	wrdreg $0x60  }
0xae: {  	[dreg:$0x2] =	wrdreg s24  }
0xaf: {  	[dreg:$0x3] =	wrdreg $0x52000  }
0xb0: {  	[dreg:$0x4] =	wrdreg $0x9  }
0xb1: {  	_ =	task.clear_ibuf [dreg:s6], $0x5FFFF;
	_ =	strace $0x9000004F  }
0xb2: {  	s29 =	simm.s32 $0x9;
	_ =	strace $0x80000051  }
0xb3: {  	_ =	swait.ge [sflag:s29], $0x1  }
0xb4: {  	[sflag:s29] =	ssyncadd.s32 $0xFFFFFFFF  }
0xb5: {  	_ =	strace $0x90000051  }
0xb6: {  	_ =	sfence  }
0xb7: {  	s30 =	sld [smem:$0x0];
	_ =	sdelay $0x2  }
0xb8: {  	s31 =	sshll.u32 s1, $0xD;
	s1 =	sshrl.u32 s1, $0x2  }
0xb9: {  	s3 =	sand.u32 $0x4000, s31;
	s1 =	sadd.s32 s1, s30  }
0xba: {  	s0 =	sor.u32 s3, s0;
	s1 =	sshll.u32 s1, $0x11  }
0xbb: {  	s0 =	sor.u32 s1, s0  }
0xbc: {  	s0 =	sadd.s32 $0x8F2B, s0  }
0xbd: {  	[sflag:s0] =	ssyncadd.remote.s32 $0x1  }
0xbe: {  	_ =	sfence.sel $0xFFFF  }
0xbf: {  	[dreg:$0x0] =	wrdreg $0xFFFFFFFF;
	(pc) =	sbr.abs _section_cstart, $3  }
0xc0: {  	[dreg:$0x1] =	wrdreg $0xFFFFFFFF  }
0xc1: {  	_ =	task.clear_ibuf [dreg:s6], $0x2FFFF;
	_ =	strace $0x9FFFFFFF  }
0xc2: {  	(tm) =	ssettm $0x7FFFFFFF  }
0xc3: {  	_ =	shalt  }
tec
execute0_lowered:
.L_overlay_start_1:
0x0: {  	(tag) =	ssettag $0x1  }
0x1: {  	s0 =	rddreg [dreg:$0x0]  }
0x2: {  	s2 =	rddreg [dreg:$0x1]  }
0x3: {  	s3 =	simm.s32 $0x0;
	s12 =	stileid.u32;
	s1 =	srdreg.scid  }
0x4: {  	s28 =	simm.s32 $0x2A00;
	s29 =	simm.s32 $0x1;
	s30 =	simm.s32 $0x2  }
0x5: {  	s31 =	simm.s32 $0x0;
	[smem:$0x7FF] =	sst s3;
	s7 =	smul.u32 $0x14000, s12  }
0x6: {  	s1 =	sand.u32 $0x1, s1;
	s4 =	sadd.s32 $0x18000, s0;
	s10 =	smul.u32 $0x50000, s12  }
0x7: {  	s5 =	sadd.s32 $0x4400, s0;
	s6 =	sadd.s32 $0xE200, s0;
	s21 =	smul.u32 $0x2710, s12  }
0x8: {  	s22 =	sshll.u32 s12, $0x6;
	_ =	strace $0x80000050;
	s8 =	smul.u32 $0x140000, s1  }
0x9: {  	s19 =	sshll.u32 s1, $0x4;
	s20 =	ssub.s32 $0x2, s1;
	s1 =	smul.u32 $0x27100, s1  }
0xa: {  	s9 =	sshrl.u32 s7, $0x3;
	s11 =	sshrl.u32 s20, $0x1;
	s10 =	sshrl.u32 s10, $0x2  }
0xb: {  	s9 =	sadd.s32 s9, s0;
	s7 =	sadd.s32 s7, s8;
	s8 =	sor.u32 s12, s19  }
0xc: {  	s18 =	sadd.s32 s10, s2;
	s1 =	sadd.s32 s21, s1;
	s19 =	simm.s32 $0x5  }
0xd: {  	s21 =	simm.s32 $0x3;
	s7 =	sshrl.u32 s7, $0x3;
	s8 =	smul.u32 $0x2710, s8  }
0xe: {  	s9 =	sadd.s32 $0x72600, s9;
	s13 =	sadd.s32 $0xF0, s1;
	s17 =	sadd.s32 $0xA0, s1  }
0xf: {  	s18 =	sshrl.u32 s18, $0x3;
	s0 =	sadd.s32 s7, s0;
	s7 =	ssub.s32 s20, s11  }
0x10: {  	[dreg:$0x3] =	wrdreg s9;
	s16 =	sshrl.u32 s13, $0x3;
	s20 =	simm.s32 $0x80  }
0x11: {  	s23 =	sshrl.u32 s8, $0x3;
	s8 =	sor.u32 $0x1C05, s22;
	s13 =	sadd.s32 $0x9A600, s0  }
0x12: {  	s14 =	smax.u32 s7, $0x1;
	s15 =	sadd.s32 s16, s6;
	s16 =	sadd.s32 s16, s5  }
0x13: {  	s22 =	simm.s32 $0x50;
	s24 =	sadd.s32 s5, s23;
	s25 =	sadd.s32 s6, s23  }
0x14: {  	s26 =	sadd.s32 $0xA, s23;
	s23 =	simm.s32 $0x200;
	[dreg:$0x4] =	wrdreg s24  }
0x15: {  	[dreg:$0x5] =	wrdreg s25;
	s11 =	sadd.s32 s5, s26;
	s12 =	sadd.s32 s6, s26  }
0x16: {  	s24 =	simm.s32 $0x100;
	s25 =	simm.s32 $0x180;
	s26 =	simm.s32 $0x4  }
.LBB2_1:
0x17: {  	s0 =	rddreg [dreg:$0x3]  }
0x18: {  	[spmem:s18], [sflag:s8] =	dma.local [hbm:s0], $0x2800  }
0x19: {  	_ =	swait.ge [sflag:s19], $0x2800  }
0x1a: {  	[sflag:s19] =	ssyncset.done $0x0  }
0x1b: {  	[sflag:s19] =	ssyncadd.s32 $0xFFFFD800  }
0x1c: {  	[bflag:$0x0] =	sbarrier.arrive $0xFFFF  }
0x1d: {  	s1 =	rddreg [dreg:$0x4]  }
0x1e: {  	[tilespmem:s3], [sflag:$0x3] =	stream.linear.gather [hbm4b:s1+s3], $0x50, $0x38;
	[tilespmem:$0x19200] =	vst v63  }
0x1f: {  	s7 =	rddreg [dreg:$0x5]  }
0x20: {  	[tilespmem:s20], [sflag:$0x3] =	stream.linear.gather [hbm4b:s7+s3], $0x50, $0x38;
	[tilespmem:$0x19200] =	vst v63  }
0x21: {  	_ =	swait.ge [sflag:s21], $0x50  }
0x22: {  	[sflag:s21] =	ssyncset.done $0x0  }
0x23: {  	[sflag:s21] =	ssyncadd.s32 $0xFFFFFFB0  }
0x24: {  	_ =	swait.ge [sflag:s21], $0x50  }
0x25: {  	[sflag:s21] =	ssyncset.done $0x0  }
0x26: {  	[sflag:s21] =	ssyncadd.s32 $0xFFFFFFB0  }
0x27: {  	[tilespmem:s23], [sflag:$0x1] =	stream.indirect.gather [hbm4b:s4+s22], $0x80, s3, s22, $0xb8;
	[tilespmem:$0x19200] =	vst v63  }
0x28: {  	_ = 	snop  }
0x29: {  	[tilespmem:s24], [sflag:$0x4] =	stream.linear.gather [hbm4b:s11+s3], $0x50, $0x38;
	[tilespmem:$0x19200] =	vst v63  }
0x2a: {  	_ = 	snop  }
0x2b: {  	[tilespmem:s25], [sflag:$0x4] =	stream.linear.gather [hbm4b:s12+s3], $0x50, $0x38;
	[tilespmem:$0x19200] =	vst v63  }
0x2c: {  	_ =	swait.ge [sflag:s26], $0x50  }
0x2d: {  	[sflag:s26] =	ssyncset.done $0x0  }
0x2e: {  	[sflag:s26] =	ssyncadd.s32 $0xFFFFFFB0  }
0x2f: {  	_ =	swait.ge [sflag:s26], $0x50  }
0x30: {  	[sflag:s26] =	ssyncset.done $0x0  }
0x31: {  	[sflag:s26] =	ssyncadd.s32 $0xFFFFFFB0  }
0x32: {  	[tilespmem:s28], [sflag:$0x2] =	stream.indirect.gather [hbm4b:s4+s22], $0x80, s24, s22, $0xb8;
	[tilespmem:$0x19200] =	vst v63  }
0x33: {  	_ =	swait.ge [sflag:s29], $0x2800  }
0x34: {  	[sflag:s29] =	ssyncset.done $0x0  }
0x35: {  	[sflag:s29] =	ssyncadd.s32 $0xFFFFD800  }
0x36: {  	[spmem:s2] =	stream.indirect.scatter.add.f32 [tilespmem:s23], [sflag:$0x5], $0x80, s20, s22, $0xb8;
	[tilespmem:$0x19200] =	vst v63  }
0x37: {  	_ =	swait.ge [sflag:s19], $0x2800  }
0x38: {  	s9 =	sshrl.u32 s17, $0x3;
	[sflag:s19] =	ssyncset.done $0x0  }
0x39: {  	s1 =	sadd.s32 s5, s9;
	[sflag:s19] =	ssyncadd.s32 $0xFFFFD800  }
0x3a: {  	[tilespmem:s3], [sflag:$0x3] =	stream.linear.gather [hbm4b:s1+s3], $0x50, $0x38;
	[tilespmem:$0x19200] =	vst v63  }
0x3b: {  	s0 =	sadd.s32 s6, s9  }
0x3c: {  	[tilespmem:s20], [sflag:$0x3] =	stream.linear.gather [hbm4b:s0+s3], $0x50, $0x38;
	[tilespmem:$0x19200] =	vst v63  }
0x3d: {  	_ =	swait.ge [sflag:s21], $0x50  }
0x3e: {  	[sflag:s21] =	ssyncset.done $0x0  }
0x3f: {  	[sflag:s21] =	ssyncadd.s32 $0xFFFFFFB0  }
0x40: {  	_ =	swait.ge [sflag:s21], $0x50  }
0x41: {  	[sflag:s21] =	ssyncset.done $0x0  }
0x42: {  	[sflag:s21] =	ssyncadd.s32 $0xFFFFFFB0  }
0x43: {  	[tilespmem:s23], [sflag:$0x1] =	stream.indirect.gather [hbm4b:s4+s22], $0x80, s3, s22, $0xb8;
	[tilespmem:$0x19200] =	vst v63  }
0x44: {  	_ =	swait.ge [sflag:s30], $0x2800  }
0x45: {  	[sflag:s30] =	ssyncset.done $0x0  }
0x46: {  	[sflag:s30] =	ssyncadd.s32 $0xFFFFD800  }
0x47: {  	[spmem:s2] =	stream.indirect.scatter.add.f32 [tilespmem:s28], [sflag:$0x5], $0x80, s25, s22, $0xb8;
	[tilespmem:$0x19200] =	vst v63  }
0x48: {  	_ =	swait.ge [sflag:s19], $0x2800  }
0x49: {  	s10 =	sadd.s32 $0x0, s16;
	s7 =	sadd.s32 $0x0, s15;
	[sflag:s19] =	ssyncset.done $0x0  }
0x4a: {  	s1 =	sadd.s32 $0xA0, s17;
	s0 =	simm.s32 $0x14;
	[sflag:s19] =	ssyncadd.s32 $0xFFFFD800  }
0x4b: {  	[tilespmem:s24], [sflag:$0x4] =	stream.linear.gather [hbm4b:s10+s3], $0x50, $0x38;
	[tilespmem:$0x19200] =	vst v63  }
.LBB2_2:
0x4c: {  	[tilespmem:s25], [sflag:$0x4] =	stream.linear.gather [hbm4b:s7+s3], $0x50, $0x38;
	[tilespmem:$0x19200] =	vst v63  }
0x4d: {  	s7 =	smov.u32 s0  }
0x4e: {  	p0 =	sne.s32 s0, $0x4C4;
	s0 =	sadd.s32 $0x14, s0;
	_ =	swait.ge [sflag:s26], $0x50  }
0x4f: {  	[sflag:s26] =	ssyncset.done $0x0  }
0x50: {  	[sflag:s26] =	ssyncadd.s32 $0xFFFFFFB0  }
0x51: {  	_ =	swait.ge [sflag:s26], $0x50  }
0x52: {  	[sflag:s26] =	ssyncset.done $0x0  }
0x53: {  	[sflag:s26] =	ssyncadd.s32 $0xFFFFFFB0  }
0x54: {  	[tilespmem:s28], [sflag:$0x2] =	stream.indirect.gather [hbm4b:s4+s22], $0x80, s24, s22, $0xb8;
	[tilespmem:$0x19200] =	vst v63  }
0x55: {  	_ =	swait.ge [sflag:s29], $0x2800  }
0x56: {  	[sflag:s29] =	ssyncset.done $0x0  }
0x57: {  	[sflag:s29] =	ssyncadd.s32 $0xFFFFD800  }
0x58: {  	[spmem:s2] =	stream.indirect.scatter.add.f32 [tilespmem:s23], [sflag:$0x5], $0x80, s20, s22, $0xb8;
	[tilespmem:$0x19200] =	vst v63  }
0x59: {  	_ =	swait.ge [sflag:s19], $0x2800  }
0x5a: {  	s9 =	sshrl.u32 s1, $0x3;
	[sflag:s19] =	ssyncset.done $0x0  }
0x5b: {  	s10 =	sadd.s32 s5, s9;
	[sflag:s19] =	ssyncadd.s32 $0xFFFFD800  }
0x5c: {  	[tilespmem:s3], [sflag:$0x3] =	stream.linear.gather [hbm4b:s10+s3], $0x50, $0x38;
	[tilespmem:$0x19200] =	vst v63  }
0x5d: {  	s9 =	sadd.s32 s6, s9  }
0x5e: {  	[tilespmem:s20], [sflag:$0x3] =	stream.linear.gather [hbm4b:s9+s3], $0x50, $0x38;
	[tilespmem:$0x19200] =	vst v63  }
0x5f: {  	_ =	swait.ge [sflag:s21], $0x50  }
0x60: {  	[sflag:s21] =	ssyncset.done $0x0  }
0x61: {  	[sflag:s21] =	ssyncadd.s32 $0xFFFFFFB0  }
0x62: {  	_ =	swait.ge [sflag:s21], $0x50  }
0x63: {  	[sflag:s21] =	ssyncset.done $0x0  }
0x64: {  	[sflag:s21] =	ssyncadd.s32 $0xFFFFFFB0  }
0x65: {  	[tilespmem:s23], [sflag:$0x1] =	stream.indirect.gather [hbm4b:s4+s22], $0x80, s3, s22, $0xb8;
	[tilespmem:$0x19200] =	vst v63  }
0x66: {  	_ =	swait.ge [sflag:s30], $0x2800  }
0x67: {  	[sflag:s30] =	ssyncset.done $0x0  }
0x68: {  	[sflag:s30] =	ssyncadd.s32 $0xFFFFD800  }
0x69: {  	[spmem:s2] =	stream.indirect.scatter.add.f32 [tilespmem:s28], [sflag:$0x5], $0x80, s25, s22, $0xb8;
	[tilespmem:$0x19200] =	vst v63  }
.Ltmp0:
0x6a: {  	_ =	swait.ge [sflag:s19], $0x2800;
	(pc) =	sbr.rel @p0 .LBB2_2-.Ltmp0, $4  }
0x6b: {  	[sflag:s19] =	ssyncset.done $0x0  }
0x6c: {  	s9 =	sadd.s32 s7, s16;
	[sflag:s19] =	ssyncadd.s32 $0xFFFFD800  }
0x6d: {  	[tilespmem:s24], [sflag:$0x4] =	stream.linear.gather [hbm4b:s9+s3], $0x50, $0x38;
	[tilespmem:$0x19200] =	vst v63  }
0x6e: {  	s1 =	sadd.s32 $0xA0, s1;
	s7 =	sadd.s32 s7, s15  }
0x6f: {  	[tilespmem:s25], [sflag:$0x4] =	stream.linear.gather [hbm4b:s7+s3], $0x50, $0x38;
	[tilespmem:$0x19200] =	vst v63  }
0x70: {  	_ =	swait.ge [sflag:s29], $0x2800  }
0x71: {  	[sflag:s29] =	ssyncset.done $0x0  }
0x72: {  	[sflag:s29] =	ssyncadd.s32 $0xFFFFD800  }
0x73: {  	[spmem:s2] =	stream.indirect.scatter.add.f32 [tilespmem:s23], [sflag:$0x5], $0x80, s20, s22, $0xb8;
	[tilespmem:$0x19200] =	vst v63  }
0x74: {  	_ =	swait.ge [sflag:s19], $0x2800  }
0x75: {  	[sflag:s19] =	ssyncset.done $0x0  }
0x76: {  	[sflag:s19] =	ssyncadd.s32 $0xFFFFD800  }
0x77: {  	_ =	swait.ge [sflag:s26], $0x50  }
0x78: {  	[sflag:s26] =	ssyncset.done $0x0  }
0x79: {  	[sflag:s26] =	ssyncadd.s32 $0xFFFFFFB0  }
0x7a: {  	_ =	swait.ge [sflag:s26], $0x50  }
0x7b: {  	s31 =	sadd.s32 $0x1, s31;
	[sflag:s26] =	ssyncset.done $0x0  }
0x7c: {  	p0 =	sne.s32 s31, s14;
	[sflag:s26] =	ssyncadd.s32 $0xFFFFFFB0  }
.Ltmp1:
0x7d: {  	[bflag:$0x0] =	sbarrier.arrive $0xFFFF;
	(pc) =	sbr.rel @p0 .LBB2_1-.Ltmp1, $4  }
0x7e: {  	[hbm:s13], [sflag:s8] =	dma.local [spmem:s18], $0x2800  }
0x7f: {  	_ =	swait.ge [sflag:s19], $0x2800  }
0x80: {  	[sflag:s19] =	ssyncset.done $0x0  }
0x81: {  	[sflag:s19] =	ssyncadd.s32 $0xFFFFD800  }
0x82: {  	_ =	sfence.sel $0x180000  }
0x83: {  	[bflag:$0x0] =	sbarrier.arrive $0xFFFF  }
0x84: {  	_ =	strace $0x90000050  }
0x85: {  	s0 =	stileid.u32;
	[bflag:$0x2] =	sbarrier.arrive $0xFFFF  }
0x86: {  	p0 =	sne.s32 s0, $0x0;
	s0 =	rddreg [dreg:$0x2]  }
0x87: {  	s0 =	sadd.s32 @!p0 $0x100000, s0  }
0x88: {  	[sflag:s0] =	ssyncadd.tile.s32 @!p0 $0x1;
	_ =	shalt  }
.Lfunc_end2:
_tile_overlayer_lowered:
.L_overlay_start_2:
0x89: {  	(tag) =	ssettag $0x2  }
0x8a: {  	s0 =	rddreg [dreg:$0x0];
	s2 =	stileid.u32  }
0x8b: {  	s1 =	rddreg [dreg:$0x1];
	p0 =	sne.s32 s2, $0x0  }
0x8c: {  	s3 =	rddreg [dreg:$0x2];
	[bflag:$0x3] =	sbarrier.arrive $0xFFFF;
	s2 =	simm.s32 @!p0 $0x1C05  }
0x8d: {  	[timem:s3], [sflag:s2] =	dma.local @!p0 [hbm:s0], s1  }
0x8e: {  	s0 =	simm.s32 @!p0 $0x5  }
0x8f: {  	_ =	swait.ge @!p0 [sflag:s0], s1  }
0x90: {  	s1 =	ssub.s32 @!p0 $0x0, s1;
	[sflag:s0] =	ssyncset.done @!p0 $0x0  }
0x91: {  	[sflag:s0] =	ssyncadd.s32 @!p0 s1  }
0x92: {  	[bflag:$0x3] =	sbarrier.arrive $0xFFFF  }
0x93: {  	_ =	shalt  }

// kernel: kernel.24.cloned.1.call-start
scs
__scs_entry_jumppad:
0x0: {  	(pc) =	sbr.rel $0x88, $3  }
0x1: {  	(tag) =	ssettag $0x0;
	lr =	simm.s32 $0x1  }
0x2: {  	[smem:$0x3F95] =	sst lr;
	_ =	strace $0xD0000000  }
0x3: {  	_ = 	snop  }
0x4: {  	_ = 	snop  }
0x5: {  	_ = 	snop  }
0x6: {  	_ = 	snop  }
0x7: {  	_ = 	snop  }
__scs_overlays_trampoline_lowered:
0x8: {  	[smem:$0x3FA4] =	sst s0  }
0x9: {  	[smem:$0x3FA5] =	sst s1  }
0xa: {  	[smem:$0x3FA6] =	sst s2  }
0xb: {  	[smem:$0x3FA7] =	sst s3  }
0xc: {  	[smem:$0x3FA8] =	sst s4  }
0xd: {  	[smem:$0x3FA9] =	sst s5  }
0xe: {  	[smem:$0x3FAA] =	sst s6  }
0xf: {  	[smem:$0x3FAB] =	sst s7  }
0x10: {  	[smem:$0x3FAC] =	sst s8  }
0x11: {  	[smem:$0x3FAD] =	sst s9;
	s0 =	simm.s32 @!p0 $0x0  }
0x12: {  	s1 =	sld [smem:$0x3F93];
	s0 =	simm.s32 @p0 $0x1  }
0x13: {  	[smem:$0x3FAE] =	sst s0;
	s0 =	simm.s32 @!p1 $0x0  }
0x14: {  	s2 =	sld [smem:$0x3F92];
	s0 =	simm.s32 @p1 $0x1  }
0x15: {  	[smem:$0x3FAF] =	sst s0;
	s0 =	simm.s32 @!p2 $0x0  }
0x16: {  	s3 =	sld [smem:$0x3FDB];
	s0 =	simm.s32 @p2 $0x1  }
0x17: {  	s4 =	simm.s32 $0x1BF5;
	[smem:$0x3FB1] =	sst s0  }
0x18: {  	s0 =	sld [smem:$0x3F94];
	_ =	swait.ge [sflag:s4], $0x0  }
0x19: {  	s7 =	sld [smem:$0x3F95]  }
0x1a: {  	s8 =	sadd.s32 $0xFFFFE003, lr  }
0x1b: {  	s9 =	sadd.s32 $0xFFFFFEF7, lr;
	s5 =	simm.s32 $0xFFFFFFFF;
	p2 =	slt.u32 s8, $0xFFFFF086  }
0x1c: {  	p1 =	slt.u32 s9, $0xF7A;
	s5 =	simm.s32 @!p2 $0x0  }
0x1d: {  	s5 =	simm.s32 @p1 $0x1;
	p0 =	seq.s32 s7, s2  }
0x1e: {  	s7 =	smul.u32 @!p0 $0xF7A, s2;
	p2 =	seq.s32 @!p0 s5, $0x0  }
0x1f: {  	s9 =	smul.u32 $0xF7A, s1;
	s8 =	simm.s32 @!p0 $0x1BF5;
	p2 =	por !p2, p0  }
0x20: {  	[sflag:s8] =	ssyncset.s32 @!p0 $0xFFFFF086;
	s6 =	sadd.s32 @!p0 s3, s7;
	s7 =	simm.s32 @!p0 $0x108  }
0x21: {  	s3 =	sadd.s32 s3, s9;
	s6 =	sadd.s32 @!p0 $0x88, s6;
	s7 =	simm.s32 @p2 $0x1082  }
0x22: {  	[simem:s7], [sflag:s8] =	dma.local @!p0 [hbm:s6], $0xF7A  }
0x23: {  	s9 =	sor.u32 $0xD0000000, s2;
	s6 =	simm.s32 $0x108;
	_ =	swait.ge @!p0 [sflag:s8], $0x0  }
0x24: {  	s3 =	sadd.s32 $0x88, s3;
	s6 =	simm.s32 @!p1 $0x1082;
	[sflag:s4] =	ssyncset.s32 $0xFFFFF086  }
0x25: {  	[simem:s6], [sflag:s4] =	dma.local [hbm:s3], $0xF7A  }
0x26: {  	[smem:$0x3F95] =	sst s1;
	(tag) =	ssettag s2;
	_ =	strace s9  }
0x27: {  	s1 =	sld [smem:$0x3FA5]  }
0x28: {  	s2 =	sld [smem:$0x3FA6]  }
0x29: {  	s4 =	sld [smem:$0x3FA8]  }
0x2a: {  	p0 =	seq.s32 s5, $0x0;
	s5 =	sld [smem:$0x3FA9]  }
0x2b: {  	s6 =	sld [smem:$0x3FAA]  }
0x2c: {  	s7 =	sld [smem:$0x3FAB]  }
0x2d: {  	s3 =	simm.s32 $0x108;
	s8 =	sld [smem:$0x3FAC]  }
0x2e: {  	s3 =	simm.s32 @!p0 $0x1082;
	s9 =	sld [smem:$0x3FAD]  }
0x2f: {  	lr =	sadd.s32 s0, s3;
	s0 =	sld [smem:$0x3FA4]  }
0x30: {  	s3 =	sld [smem:$0x3FA7]  }
0x31: {  	[smem:$0x3FB0] =	sst s10  }
0x32: {  	s10 =	sld [smem:$0x3FAE];
	_ =	sdelay $0x3  }
0x33: {  	p0 =	seq.s32 s10, $0x1;
	s10 =	sld [smem:$0x3FB0];
	_ =	sdelay $0x3  }
0x34: {  	[smem:$0x3FB0] =	sst s10  }
0x35: {  	s10 =	sld [smem:$0x3FAF];
	_ =	sdelay $0x3  }
0x36: {  	p1 =	seq.s32 s10, $0x1;
	s10 =	sld [smem:$0x3FB0];
	_ =	sdelay $0x3  }
0x37: {  	[smem:$0x3FB0] =	sst s10  }
0x38: {  	s10 =	sld [smem:$0x3FB1]  }
0x39: {  	_ = 	snop;
	(pc) =	sbr.ind lr, $3  }
0x3a: {  	_ = 	snop  }
0x3b: {  	_ = 	snop  }
0x3c: {  	p2 =	seq.s32 s10, $0x1;
	s10 =	sld [smem:$0x3FB0]  }
0x3d: {  	_ =	shalt  }
0x3e: {  	_ =	shalt  }
0x3f: {  	_ =	shalt  }
0x40: {  	_ =	shalt  }
0x41: {  	_ =	shalt  }
0x42: {  	_ =	shalt  }
0x43: {  	_ =	shalt  }
0x44: {  	_ =	shalt  }
0x45: {  	_ =	shalt  }
0x46: {  	_ =	shalt  }
0x47: {  	_ =	shalt  }
0x48: {  	_ =	shalt  }
0x49: {  	_ =	shalt  }
0x4a: {  	_ =	shalt  }
0x4b: {  	_ =	shalt  }
0x4c: {  	_ =	shalt  }
0x4d: {  	_ =	shalt  }
0x4e: {  	_ =	shalt  }
0x4f: {  	_ =	shalt  }
0x50: {  	_ =	shalt  }
0x51: {  	_ =	shalt  }
0x52: {  	_ =	shalt  }
0x53: {  	_ =	shalt  }
0x54: {  	_ =	shalt  }
0x55: {  	_ =	shalt  }
0x56: {  	_ =	shalt  }
0x57: {  	_ =	shalt  }
0x58: {  	_ =	shalt  }
0x59: {  	_ =	shalt  }
0x5a: {  	_ =	shalt  }
0x5b: {  	_ =	shalt  }
0x5c: {  	_ =	shalt  }
0x5d: {  	_ =	shalt  }
0x5e: {  	_ =	shalt  }
0x5f: {  	_ =	shalt  }
0x60: {  	_ =	shalt  }
0x61: {  	_ =	shalt  }
0x62: {  	_ =	shalt  }
0x63: {  	_ =	shalt  }
0x64: {  	_ =	shalt  }
0x65: {  	_ =	shalt  }
0x66: {  	_ =	shalt  }
0x67: {  	_ =	shalt  }
0x68: {  	_ =	shalt  }
0x69: {  	_ =	shalt  }
0x6a: {  	_ =	shalt  }
0x6b: {  	_ =	shalt  }
0x6c: {  	_ =	shalt  }
0x6d: {  	_ =	shalt  }
0x6e: {  	_ =	shalt  }
0x6f: {  	_ =	shalt  }
0x70: {  	_ =	shalt  }
0x71: {  	_ =	shalt  }
0x72: {  	_ =	shalt  }
0x73: {  	_ =	shalt  }
0x74: {  	_ =	shalt  }
0x75: {  	_ =	shalt  }
0x76: {  	_ =	shalt  }
0x77: {  	_ =	shalt  }
0x78: {  	_ =	shalt  }
0x79: {  	_ =	shalt  }
0x7a: {  	_ =	shalt  }
0x7b: {  	_ =	shalt  }
0x7c: {  	_ =	shalt  }
0x7d: {  	_ =	shalt  }
0x7e: {  	_ =	shalt  }
0x7f: {  	_ =	shalt  }
0x80: {  	_ =	shalt  }
0x81: {  	_ =	shalt  }
0x82: {  	_ =	shalt  }
0x83: {  	_ =	shalt  }
0x84: {  	_ =	shalt  }
0x85: {  	_ =	shalt  }
0x86: {  	_ =	shalt  }
0x87: {  	_ =	shalt  }
.Lfunc_end0:
.L_simem_size_0:
called_computation.4_lowered:
.L_overlay_start_0:
0x88: {  	s2 =	sld [smem:$0x3FD9]  }
0x89: {  	s3 =	sld [smem:$0x3FFE];
	_ =	sdelay $0x1  }
0x8a: {  	s1 =	srdreg.scid  }
0x8b: {  	s0 =	sand.u32 $0x1, s1  }
0x8c: {  	s16 =	sshll.u32 s0, $0xA;
	s2 =	sadd.s32 s3, s2  }
0x8d: {  	s2 =	sadd.s32 s2, s16  }
0x8e: {  	[smem:$0x3FBC] =	sst s2  }
0x8f: {  	_ = 	snop  }
0x90: {  	(tm) =	ssettm $0x1  }
0x91: {  	s17 =	sld [smem:$0x3FFB];
	_ =	sdelay $0x3  }
0x92: {  	_ =	strace s17  }
0x93: {  	s2 =	sld [smem:$0x3FFC];
	_ =	sdelay $0x3  }
0x94: {  	_ =	strace s2  }
0x95: {  	s2 =	sld [smem:$0x3FFD];
	_ =	sdelay $0x3  }
0x96: {  	_ =	strace s2  }
0x97: {  	_ =	strace $0x8FFFFFFF  }
0x98: {  	s18 =	sld [smem:$0x3FDB];
	_ =	sdelay $0x1  }
0x99: {  	s19 =	simm.s32 $_scs_section_size  }
0x9a: {  	s4 =	simm.s32 $_size__tile_overlayer_lowered;
	s5 =	simm.s32 $_tile_overlayer_lowered  }
0x9b: {  	s22 =	simm.s32 $0x1BFF;
	s21 =	sshll.u32 s5, $0x1;
	s2 =	sadd.s32 s19, s18  }
0x9c: {  	s6 =	simm.s32 $0x0;
	s20 =	sshll.u32 s4, $0x1;
	s4 =	sadd.s32 s21, s2  }
0x9d: {  	[timem:s6], [sflag:s22] =	dma.local [hbm:s4], s20  }
0x9e: {  	_ =	swait.ge [sflag:s22], s20  }
0x9f: {  	s3 =	ssub.s32 $0x0, s20;
	[sflag:s22] =	ssyncset.done $0x0  }
0xa0: {  	[sflag:s22] =	ssyncadd.s32 s3;
	_ =	sdelay $0x1  }
0xa1: {  	s23 =	simm.s32 $0x1B8B  }
0xa2: {  	_ =	swait.ge [sflag:s23], $0x1  }
0xa3: {  	[sflag:s23] =	ssyncset.done $0x0  }
0xa4: {  	s25 =	simm.s32 $0x1B8E;
	s24 =	sld [smem:$0x3FFE];
	[sflag:s23] =	ssyncadd.s32 $0xFFFFFFFF  }
0xa5: {  	s26 =	simm.s32 $execute0_lowered;
	[smem:$0x3FD2] =	sst s25  }
0xa6: {  	s4 =	sshll.u32 s26, $0x1;
	_ =	strace $0x80000052;
	[dreg:$0x1] =	wrdreg $0xFFFFFFFF  }
0xa7: {  	s28 =	simm.s32 $_size_execute0_lowered;
	s2 =	sadd.s32 s2, s4;
	[dreg:$0x0] =	wrdreg $0x0  }
0xa8: {  	s4 =	sshll.u32 s28, $0x1;
	[dreg:$0x2] =	wrdreg s2  }
0xa9: {  	[dreg:$0x3] =	wrdreg s4  }
0xaa: {  	[dreg:$0x4] =	wrdreg $0xC0  }
0xab: {  	_ =	task [dreg:s6], $0x5FFFF  }
0xac: {  	[dreg:$0x1] =	wrdreg $0xFFFFFFFF  }
0xad: {  	[dreg:$0x0] =	wrdreg $0x60  }
0xae: {  	[dreg:$0x2] =	wrdreg s24  }
0xaf: {  	[dreg:$0x3] =	wrdreg $0x52000  }
0xb0: {  	[dreg:$0x4] =	wrdreg $0x9  }
0xb1: {  	_ =	task.clear_ibuf [dreg:s6], $0x5FFFF;
	_ =	strace $0x90000052  }
0xb2: {  	s29 =	simm.s32 $0x9;
	_ =	strace $0x80000054  }
0xb3: {  	_ =	swait.ge [sflag:s29], $0x1  }
0xb4: {  	[sflag:s29] =	ssyncadd.s32 $0xFFFFFFFF  }
0xb5: {  	_ =	strace $0x90000054  }
0xb6: {  	_ =	sfence  }
0xb7: {  	s30 =	sld [smem:$0x0];
	_ =	sdelay $0x2  }
0xb8: {  	s31 =	sshll.u32 s1, $0xD;
	s1 =	sshrl.u32 s1, $0x2  }
0xb9: {  	s3 =	sand.u32 $0x4000, s31;
	s1 =	sadd.s32 s1, s30  }
0xba: {  	s0 =	sor.u32 s3, s0;
	s1 =	sshll.u32 s1, $0x11  }
0xbb: {  	s0 =	sor.u32 s1, s0  }
0xbc: {  	s0 =	sadd.s32 $0x8F2B, s0  }
0xbd: {  	[sflag:s0] =	ssyncadd.remote.s32 $0x1  }
0xbe: {  	_ =	sfence.sel $0xFFFF  }
0xbf: {  	[dreg:$0x0] =	wrdreg $0xFFFFFFFF;
	(pc) =	sbr.abs _section_cstart, $3  }
0xc0: {  	[dreg:$0x1] =	wrdreg $0xFFFFFFFF  }
0xc1: {  	_ =	task.clear_ibuf [dreg:s6], $0x2FFFF;
	_ =	strace $0x9FFFFFFF  }
0xc2: {  	(tm) =	ssettm $0x7FFFFFFF  }
0xc3: {  	_ =	shalt  }
tec
execute0_lowered:
.L_overlay_start_1:
0x0: {  	(tag) =	ssettag $0x1  }
0x1: {  	s0 =	rddreg [dreg:$0x0]  }
0x2: {  	s2 =	rddreg [dreg:$0x1]  }
0x3: {  	s3 =	simm.s32 $0x0;
	s12 =	stileid.u32;
	s1 =	srdreg.scid  }
0x4: {  	s28 =	simm.s32 $0x2A00;
	s29 =	simm.s32 $0x1;
	s30 =	simm.s32 $0x2  }
0x5: {  	s31 =	simm.s32 $0x0;
	[smem:$0x7FF] =	sst s3;
	s7 =	smul.u32 $0x14000, s12  }
0x6: {  	s1 =	sand.u32 $0x1, s1;
	s4 =	sadd.s32 $0x18000, s0;
	s10 =	smul.u32 $0x50000, s12  }
0x7: {  	s5 =	sadd.s32 $0x4400, s0;
	s6 =	sadd.s32 $0xE200, s0;
	s21 =	smul.u32 $0x2710, s12  }
0x8: {  	s22 =	sshll.u32 s12, $0x6;
	_ =	strace $0x80000053;
	s8 =	smul.u32 $0x140000, s1  }
0x9: {  	s19 =	sshll.u32 s1, $0x4;
	s20 =	ssub.s32 $0x2, s1;
	s1 =	smul.u32 $0x27100, s1  }
0xa: {  	s9 =	sshrl.u32 s7, $0x3;
	s11 =	sshrl.u32 s20, $0x1;
	s10 =	sshrl.u32 s10, $0x2  }
0xb: {  	s9 =	sadd.s32 s9, s0;
	s7 =	sadd.s32 s7, s8;
	s8 =	sor.u32 s12, s19  }
0xc: {  	s18 =	sadd.s32 s10, s2;
	s1 =	sadd.s32 s21, s1;
	s19 =	simm.s32 $0x5  }
0xd: {  	s21 =	simm.s32 $0x3;
	s7 =	sshrl.u32 s7, $0x3;
	s8 =	smul.u32 $0x2710, s8  }
0xe: {  	s9 =	sadd.s32 $0x72600, s9;
	s13 =	sadd.s32 $0xF0, s1;
	s17 =	sadd.s32 $0xA0, s1  }
0xf: {  	s18 =	sshrl.u32 s18, $0x3;
	s0 =	sadd.s32 s7, s0;
	s7 =	ssub.s32 s20, s11  }
0x10: {  	[dreg:$0x3] =	wrdreg s9;
	s16 =	sshrl.u32 s13, $0x3;
	s20 =	simm.s32 $0x80  }
0x11: {  	s23 =	sshrl.u32 s8, $0x3;
	s8 =	sor.u32 $0x1C05, s22;
	s13 =	sadd.s32 $0x9A600, s0  }
0x12: {  	s14 =	smax.u32 s7, $0x1;
	s15 =	sadd.s32 s16, s6;
	s16 =	sadd.s32 s16, s5  }
0x13: {  	s22 =	simm.s32 $0x50;
	s24 =	sadd.s32 s5, s23;
	s25 =	sadd.s32 s6, s23  }
0x14: {  	s26 =	sadd.s32 $0xA, s23;
	s23 =	simm.s32 $0x200;
	[dreg:$0x4] =	wrdreg s24  }
0x15: {  	[dreg:$0x5] =	wrdreg s25;
	s11 =	sadd.s32 s5, s26;
	s12 =	sadd.s32 s6, s26  }
0x16: {  	s24 =	simm.s32 $0x100;
	s25 =	simm.s32 $0x180;
	s26 =	simm.s32 $0x4  }
.LBB2_1:
0x17: {  	s0 =	rddreg [dreg:$0x3]  }
0x18: {  	[spmem:s18], [sflag:s8] =	dma.local [hbm:s0], $0x2800  }
0x19: {  	_ =	swait.ge [sflag:s19], $0x2800  }
0x1a: {  	[sflag:s19] =	ssyncset.done $0x0  }
0x1b: {  	[sflag:s19] =	ssyncadd.s32 $0xFFFFD800  }
0x1c: {  	[bflag:$0x0] =	sbarrier.arrive $0xFFFF  }
0x1d: {  	s1 =	rddreg [dreg:$0x4]  }
0x1e: {  	[tilespmem:s3], [sflag:$0x3] =	stream.linear.gather [hbm4b:s1+s3], $0x50, $0x38;
	[tilespmem:$0x19200] =	vst v63  }
0x1f: {  	s7 =	rddreg [dreg:$0x5]  }
0x20: {  	[tilespmem:s20], [sflag:$0x3] =	stream.linear.gather [hbm4b:s7+s3], $0x50, $0x38;
	[tilespmem:$0x19200] =	vst v63  }
0x21: {  	_ =	swait.ge [sflag:s21], $0x50  }
0x22: {  	[sflag:s21] =	ssyncset.done $0x0  }
0x23: {  	[sflag:s21] =	ssyncadd.s32 $0xFFFFFFB0  }
0x24: {  	_ =	swait.ge [sflag:s21], $0x50  }
0x25: {  	[sflag:s21] =	ssyncset.done $0x0  }
0x26: {  	[sflag:s21] =	ssyncadd.s32 $0xFFFFFFB0  }
0x27: {  	[tilespmem:s23], [sflag:$0x1] =	stream.indirect.gather [hbm4b:s4+s22], $0x80, s3, s22, $0xb8;
	[tilespmem:$0x19200] =	vst v63  }
0x28: {  	_ = 	snop  }
0x29: {  	[tilespmem:s24], [sflag:$0x4] =	stream.linear.gather [hbm4b:s11+s3], $0x50, $0x38;
	[tilespmem:$0x19200] =	vst v63  }
0x2a: {  	_ = 	snop  }
0x2b: {  	[tilespmem:s25], [sflag:$0x4] =	stream.linear.gather [hbm4b:s12+s3], $0x50, $0x38;
	[tilespmem:$0x19200] =	vst v63  }
0x2c: {  	_ =	swait.ge [sflag:s26], $0x50  }
0x2d: {  	[sflag:s26] =	ssyncset.done $0x0  }
0x2e: {  	[sflag:s26] =	ssyncadd.s32 $0xFFFFFFB0  }
0x2f: {  	_ =	swait.ge [sflag:s26], $0x50  }
0x30: {  	[sflag:s26] =	ssyncset.done $0x0  }
0x31: {  	[sflag:s26] =	ssyncadd.s32 $0xFFFFFFB0  }
0x32: {  	[tilespmem:s28], [sflag:$0x2] =	stream.indirect.gather [hbm4b:s4+s22], $0x80, s24, s22, $0xb8;
	[tilespmem:$0x19200] =	vst v63  }
0x33: {  	_ =	swait.ge [sflag:s29], $0x2800  }
0x34: {  	[sflag:s29] =	ssyncset.done $0x0  }
0x35: {  	[sflag:s29] =	ssyncadd.s32 $0xFFFFD800  }
0x36: {  	[spmem:s2] =	stream.indirect.scatter.add.f32 [tilespmem:s23], [sflag:$0x5], $0x80, s20, s22, $0xb8;
	[tilespmem:$0x19200] =	vst v63  }
0x37: {  	_ =	swait.ge [sflag:s19], $0x2800  }
0x38: {  	s9 =	sshrl.u32 s17, $0x3;
	[sflag:s19] =	ssyncset.done $0x0  }
0x39: {  	s1 =	sadd.s32 s5, s9;
	[sflag:s19] =	ssyncadd.s32 $0xFFFFD800  }
0x3a: {  	[tilespmem:s3], [sflag:$0x3] =	stream.linear.gather [hbm4b:s1+s3], $0x50, $0x38;
	[tilespmem:$0x19200] =	vst v63  }
0x3b: {  	s0 =	sadd.s32 s6, s9  }
0x3c: {  	[tilespmem:s20], [sflag:$0x3] =	stream.linear.gather [hbm4b:s0+s3], $0x50, $0x38;
	[tilespmem:$0x19200] =	vst v63  }
0x3d: {  	_ =	swait.ge [sflag:s21], $0x50  }
0x3e: {  	[sflag:s21] =	ssyncset.done $0x0  }
0x3f: {  	[sflag:s21] =	ssyncadd.s32 $0xFFFFFFB0  }
0x40: {  	_ =	swait.ge [sflag:s21], $0x50  }
0x41: {  	[sflag:s21] =	ssyncset.done $0x0  }
0x42: {  	[sflag:s21] =	ssyncadd.s32 $0xFFFFFFB0  }
0x43: {  	[tilespmem:s23], [sflag:$0x1] =	stream.indirect.gather [hbm4b:s4+s22], $0x80, s3, s22, $0xb8;
	[tilespmem:$0x19200] =	vst v63  }
0x44: {  	_ =	swait.ge [sflag:s30], $0x2800  }
0x45: {  	[sflag:s30] =	ssyncset.done $0x0  }
0x46: {  	[sflag:s30] =	ssyncadd.s32 $0xFFFFD800  }
0x47: {  	[spmem:s2] =	stream.indirect.scatter.add.f32 [tilespmem:s28], [sflag:$0x5], $0x80, s25, s22, $0xb8;
	[tilespmem:$0x19200] =	vst v63  }
0x48: {  	_ =	swait.ge [sflag:s19], $0x2800  }
0x49: {  	s10 =	sadd.s32 $0x0, s16;
	s7 =	sadd.s32 $0x0, s15;
	[sflag:s19] =	ssyncset.done $0x0  }
0x4a: {  	s1 =	sadd.s32 $0xA0, s17;
	s0 =	simm.s32 $0x14;
	[sflag:s19] =	ssyncadd.s32 $0xFFFFD800  }
0x4b: {  	[tilespmem:s24], [sflag:$0x4] =	stream.linear.gather [hbm4b:s10+s3], $0x50, $0x38;
	[tilespmem:$0x19200] =	vst v63  }
.LBB2_2:
0x4c: {  	[tilespmem:s25], [sflag:$0x4] =	stream.linear.gather [hbm4b:s7+s3], $0x50, $0x38;
	[tilespmem:$0x19200] =	vst v63  }
0x4d: {  	s7 =	smov.u32 s0  }
0x4e: {  	p0 =	sne.s32 s0, $0x4C4;
	s0 =	sadd.s32 $0x14, s0;
	_ =	swait.ge [sflag:s26], $0x50  }
0x4f: {  	[sflag:s26] =	ssyncset.done $0x0  }
0x50: {  	[sflag:s26] =	ssyncadd.s32 $0xFFFFFFB0  }
0x51: {  	_ =	swait.ge [sflag:s26], $0x50  }
0x52: {  	[sflag:s26] =	ssyncset.done $0x0  }
0x53: {  	[sflag:s26] =	ssyncadd.s32 $0xFFFFFFB0  }
0x54: {  	[tilespmem:s28], [sflag:$0x2] =	stream.indirect.gather [hbm4b:s4+s22], $0x80, s24, s22, $0xb8;
	[tilespmem:$0x19200] =	vst v63  }
0x55: {  	_ =	swait.ge [sflag:s29], $0x2800  }
0x56: {  	[sflag:s29] =	ssyncset.done $0x0  }
0x57: {  	[sflag:s29] =	ssyncadd.s32 $0xFFFFD800  }
0x58: {  	[spmem:s2] =	stream.indirect.scatter.add.f32 [tilespmem:s23], [sflag:$0x5], $0x80, s20, s22, $0xb8;
	[tilespmem:$0x19200] =	vst v63  }
0x59: {  	_ =	swait.ge [sflag:s19], $0x2800  }
0x5a: {  	s9 =	sshrl.u32 s1, $0x3;
	[sflag:s19] =	ssyncset.done $0x0  }
0x5b: {  	s10 =	sadd.s32 s5, s9;
	[sflag:s19] =	ssyncadd.s32 $0xFFFFD800  }
0x5c: {  	[tilespmem:s3], [sflag:$0x3] =	stream.linear.gather [hbm4b:s10+s3], $0x50, $0x38;
	[tilespmem:$0x19200] =	vst v63  }
0x5d: {  	s9 =	sadd.s32 s6, s9  }
0x5e: {  	[tilespmem:s20], [sflag:$0x3] =	stream.linear.gather [hbm4b:s9+s3], $0x50, $0x38;
	[tilespmem:$0x19200] =	vst v63  }
0x5f: {  	_ =	swait.ge [sflag:s21], $0x50  }
0x60: {  	[sflag:s21] =	ssyncset.done $0x0  }
0x61: {  	[sflag:s21] =	ssyncadd.s32 $0xFFFFFFB0  }
0x62: {  	_ =	swait.ge [sflag:s21], $0x50  }
0x63: {  	[sflag:s21] =	ssyncset.done $0x0  }
0x64: {  	[sflag:s21] =	ssyncadd.s32 $0xFFFFFFB0  }
0x65: {  	[tilespmem:s23], [sflag:$0x1] =	stream.indirect.gather [hbm4b:s4+s22], $0x80, s3, s22, $0xb8;
	[tilespmem:$0x19200] =	vst v63  }
0x66: {  	_ =	swait.ge [sflag:s30], $0x2800  }
0x67: {  	[sflag:s30] =	ssyncset.done $0x0  }
0x68: {  	[sflag:s30] =	ssyncadd.s32 $0xFFFFD800  }
0x69: {  	[spmem:s2] =	stream.indirect.scatter.add.f32 [tilespmem:s28], [sflag:$0x5], $0x80, s25, s22, $0xb8;
	[tilespmem:$0x19200] =	vst v63  }
.Ltmp0:
0x6a: {  	_ =	swait.ge [sflag:s19], $0x2800;
	(pc) =	sbr.rel @p0 .LBB2_2-.Ltmp0, $4  }
0x6b: {  	[sflag:s19] =	ssyncset.done $0x0  }
0x6c: {  	s9 =	sadd.s32 s7, s16;
	[sflag:s19] =	ssyncadd.s32 $0xFFFFD800  }
0x6d: {  	[tilespmem:s24], [sflag:$0x4] =	stream.linear.gather [hbm4b:s9+s3], $0x50, $0x38;
	[tilespmem:$0x19200] =	vst v63  }
0x6e: {  	s1 =	sadd.s32 $0xA0, s1;
	s7 =	sadd.s32 s7, s15  }
0x6f: {  	[tilespmem:s25], [sflag:$0x4] =	stream.linear.gather [hbm4b:s7+s3], $0x50, $0x38;
	[tilespmem:$0x19200] =	vst v63  }
0x70: {  	_ =	swait.ge [sflag:s29], $0x2800  }
0x71: {  	[sflag:s29] =	ssyncset.done $0x0  }
0x72: {  	[sflag:s29] =	ssyncadd.s32 $0xFFFFD800  }
0x73: {  	[spmem:s2] =	stream.indirect.scatter.add.f32 [tilespmem:s23], [sflag:$0x5], $0x80, s20, s22, $0xb8;
	[tilespmem:$0x19200] =	vst v63  }
0x74: {  	_ =	swait.ge [sflag:s19], $0x2800  }
0x75: {  	[sflag:s19] =	ssyncset.done $0x0  }
0x76: {  	[sflag:s19] =	ssyncadd.s32 $0xFFFFD800  }
0x77: {  	_ =	swait.ge [sflag:s26], $0x50  }
0x78: {  	[sflag:s26] =	ssyncset.done $0x0  }
0x79: {  	[sflag:s26] =	ssyncadd.s32 $0xFFFFFFB0  }
0x7a: {  	_ =	swait.ge [sflag:s26], $0x50  }
0x7b: {  	s31 =	sadd.s32 $0x1, s31;
	[sflag:s26] =	ssyncset.done $0x0  }
0x7c: {  	p0 =	sne.s32 s31, s14;
	[sflag:s26] =	ssyncadd.s32 $0xFFFFFFB0  }
.Ltmp1:
0x7d: {  	[bflag:$0x0] =	sbarrier.arrive $0xFFFF;
	(pc) =	sbr.rel @p0 .LBB2_1-.Ltmp1, $4  }
0x7e: {  	[hbm:s13], [sflag:s8] =	dma.local [spmem:s18], $0x2800  }
0x7f: {  	_ =	swait.ge [sflag:s19], $0x2800  }
0x80: {  	[sflag:s19] =	ssyncset.done $0x0  }
0x81: {  	[sflag:s19] =	ssyncadd.s32 $0xFFFFD800  }
0x82: {  	_ =	sfence.sel $0x180000  }
0x83: {  	[bflag:$0x0] =	sbarrier.arrive $0xFFFF  }
0x84: {  	_ =	strace $0x90000053  }
0x85: {  	s0 =	stileid.u32;
	[bflag:$0x2] =	sbarrier.arrive $0xFFFF  }
0x86: {  	p0 =	sne.s32 s0, $0x0;
	s0 =	rddreg [dreg:$0x2]  }
0x87: {  	s0 =	sadd.s32 @!p0 $0x100000, s0  }
0x88: {  	[sflag:s0] =	ssyncadd.tile.s32 @!p0 $0x1;
	_ =	shalt  }
.Lfunc_end2:
_tile_overlayer_lowered:
.L_overlay_start_2:
0x89: {  	(tag) =	ssettag $0x2  }
0x8a: {  	s0 =	rddreg [dreg:$0x0];
	s2 =	stileid.u32  }
0x8b: {  	s1 =	rddreg [dreg:$0x1];
	p0 =	sne.s32 s2, $0x0  }
0x8c: {  	s3 =	rddreg [dreg:$0x2];
	[bflag:$0x3] =	sbarrier.arrive $0xFFFF;
	s2 =	simm.s32 @!p0 $0x1C05  }
0x8d: {  	[timem:s3], [sflag:s2] =	dma.local @!p0 [hbm:s0], s1  }
0x8e: {  	s0 =	simm.s32 @!p0 $0x5  }
0x8f: {  	_ =	swait.ge @!p0 [sflag:s0], s1  }
0x90: {  	s1 =	ssub.s32 @!p0 $0x0, s1;
	[sflag:s0] =	ssyncset.done @!p0 $0x0  }
0x91: {  	[sflag:s0] =	ssyncadd.s32 @!p0 s1  }
0x92: {  	[bflag:$0x3] =	sbarrier.arrive $0xFFFF  }
0x93: {  	_ =	shalt  }

</sc_bundles>
